<compile_context>
chip_gen: v7x
topology: tpu7x:2x2x1
jax: 0.10.2.dev20260603
libtpu: 0.0.44.dev20260713+nightly
codegen_flags: <defaults>
</compile_context>

<pallas_src>
import functools

import jax
import jax.numpy as jnp
from jax import lax
from jax.experimental import pallas as pl
from jax.experimental.pallas import tpu as pltpu
from jax.experimental.pallas import tpu_sc as plsc

TIME_STEPS = 20
NUM_SLOTS = 18
NUM_EMB = 1002
EMB_DIM = 32
BATCH = 1024

NUM_WORKERS = 32
NUM_FACES = TIME_STEPS * NUM_SLOTS
LANES = 16
B_CHUNKS = BATCH // LANES
HALF = EMB_DIM // 2


NUM_UNITS = NUM_FACES * 2


def _sc_body(tab_hbm, raw_hbm, out_hbm,
             ids_a, ids_b, face_a, face_b, stage_a, stage_b,
             sem_ia, sem_ib, sem_oa, sem_ob):
    wid = lax.axis_index("s") * 2 + lax.axis_index("c")
    u_lo = (wid * NUM_UNITS) // NUM_WORKERS
    u_hi = ((wid + 1) * NUM_UNITS) // NUM_WORKERS
    idss, faces = (ids_a, ids_b), (face_a, face_b)
    sem_i = (sem_ia, sem_ib)
    stages, sem_o = (stage_a, stage_b), (sem_oa, sem_ob)

    def unit_tjsh(u):
        f = u // 2
        hh = u % 2
        j = f % NUM_SLOTS
        slot = j + 1 + (j >= 4).astype(jnp.int32)
        return f // NUM_SLOTS, j, slot, hh

    def in_copies(u, p):
        t, j, slot, hh = unit_tjsh(u)
        row = pl.multiple_of(HALF * hh, HALF)
        return (pltpu.make_async_copy(raw_hbm.at[t, slot], idss[p], sem_i[p]),
                pltpu.make_async_copy(
                    tab_hbm.at[t, j, pl.ds(row, HALF), :], faces[p],
                    sem_i[p]))

    def fire_in(u, p):
        for cp in in_copies(u, p):
            cp.start()

    def wait_in(u, p):
        for cp in in_copies(u, p):
            cp.wait()

    def out_copy(u, p):
        t, j, _, hh = unit_tjsh(u)
        row0 = pl.multiple_of(EMB_DIM * j + HALF * hh, HALF)
        return pltpu.make_async_copy(
            stages[p], out_hbm.at[t, pl.ds(row0, HALF), :], sem_o[p])

    def unit_compute(u, r, pi, ps):
        wait_in(u, pi)

        @pl.when(u + 1 < u_hi)
        def _prefetch():
            fire_in(u + 1, 1 - pi)

        @pl.when(r >= 2)
        def _drain():
            out_copy(u, ps).wait()

        def chunk_body(bc, carry, pi=pi, ps=ps):
            ev = idss[pi][pl.ds(bc * LANES, LANES)]
            vals = [
                plsc.load_gather(
                    faces[pi], [jnp.full((LANES,), d, jnp.int32), ev])
                for d in range(HALF)
            ]
            for d in range(HALF):
                stages[ps][d, pl.ds(bc * LANES, LANES)] = vals[d]
            return carry

        lax.fori_loop(0, B_CHUNKS, chunk_body, 0)
        out_copy(u, ps).start()

    fire_in(u_lo, 0)

    def unit_body(r, carry):
        u = u_lo + r
        for k in range(2):
            @pl.when(r % 2 == k)
            def _unit(k=k):
                unit_compute(u, r, k, k)

        return carry

    lax.fori_loop(0, u_hi - u_lo, unit_body, 0)
    out_copy(u_lo, 0).wait()
    out_copy(u_lo, 1).wait()


@jax.jit
def _run(tab, raw):
    mesh = plsc.VectorSubcoreMesh(core_axis_name="c", subcore_axis_name="s")
    f = functools.partial(
        pl.kernel,
        mesh=mesh,
        compiler_params=pltpu.CompilerParams(needs_layout_passes=False),
        out_type=jax.ShapeDtypeStruct(
            (TIME_STEPS, NUM_SLOTS * EMB_DIM, BATCH), jnp.float32),
        scratch_types=[
            pltpu.VMEM((BATCH,), jnp.int32),
            pltpu.VMEM((BATCH,), jnp.int32),
            pltpu.VMEM((HALF, NUM_EMB), jnp.float32),
            pltpu.VMEM((HALF, NUM_EMB), jnp.float32),
            pltpu.VMEM((HALF, BATCH), jnp.float32),
            pltpu.VMEM((HALF, BATCH), jnp.float32),
            pltpu.SemaphoreType.DMA,
            pltpu.SemaphoreType.DMA,
            pltpu.SemaphoreType.DMA,
            pltpu.SemaphoreType.DMA,
        ],
    )(_sc_body)
    return f(tab, raw)


def kernel(sequence_bucket_inputs, tables):
    tab_t = tables.transpose(0, 1, 3, 2)
    raw_t = sequence_bucket_inputs.transpose(1, 2, 0)
    out = _run(tab_t, raw_t)
    return out.transpose(2, 0, 1)

# --- scband reference (transcript-rebuilt; emitter-appended) ---
"""Pipeline reference for scband-sequence-bucket-encoder-76596446757045 (READ-ONLY COPY).

The authoritative reference and input builder live on the scoring server;
editing this copy changes nothing except your own understanding.
"""

import jax, jax.numpy as jnp
import numpy as np

MAX_SLOT = 20
TIME_STEPS = 20
SLOT_MASK = (0, 5)
VALID_SLOTS = [s for s in range(MAX_SLOT) if s not in SLOT_MASK]
NUM_EMB = 1000 + 2
EMB_DIM = 32
BATCH = 1024


def setup_inputs(seed: int = 0) -> dict:
    key = jax.random.key(seed)
    k1, k2 = jax.random.split(key)
    sequence_bucket_inputs = jax.random.randint(
        k1, (BATCH, TIME_STEPS, MAX_SLOT), 0, 1000, dtype=jnp.int32)
    # one embedding table per (time_step, valid_slot): [T, S, num_emb, emb_dim]
    tables = jax.random.normal(
        k2, (TIME_STEPS, len(VALID_SLOTS), NUM_EMB, EMB_DIM), dtype=jnp.float32) * 0.02
    return {"sequence_bucket_inputs": sequence_bucket_inputs, "tables": tables}


def reference(sequence_bucket_inputs, tables):
    assert sequence_bucket_inputs.ndim == 3
    steps = []
    for i in range(TIME_STEPS):
        step_embs = []
        for idx, slot in enumerate(VALID_SLOTS):
            ids = sequence_bucket_inputs[:, i, slot]
            step_embs.append(jnp.take(tables[i, idx], ids, axis=0))
        steps.append(jnp.concatenate(step_embs, axis=1))
    out = jnp.stack(steps, axis=1)  # [B, T, 18*32] = [1024, 20, 576]
    # use_fc=False -> nn.Identity, no projection
    return out

if __name__ == "__main__":
    import jax
    _d = setup_inputs()
    print(jax.jit(kernel)(*tuple(_d.values())))

</pallas_src>

<mosaic_0001>
#map = affine_map<(d0, d1) -> (0, 0, 0, 0)>
#map1 = affine_map<(d0, d1) -> (0, 0, 0)>
module attributes {stable_mosaic.version = 14 : i64} {
  func.func @_sc_body(%arg0: i32, %arg1: i32, %arg2: memref<20x18x32x1002xf32, #tpu.memory_space<hbm>>, %arg3: memref<20x20x1024xi32, #tpu.memory_space<hbm>>, %arg4: memref<20x576x1024xf32, #tpu.memory_space<hbm>>, %arg5: memref<1024xi32, #tpu.memory_space<vmem>>, %arg6: memref<1024xi32, #tpu.memory_space<vmem>>, %arg7: memref<16x1002xf32, #tpu.memory_space<vmem>>, %arg8: memref<16x1002xf32, #tpu.memory_space<vmem>>, %arg9: memref<16x1024xf32, #tpu.memory_space<vmem>>, %arg10: memref<16x1024xf32, #tpu.memory_space<vmem>>, %arg11: memref<!tpu.dma_semaphore, #tpu.memory_space<semaphore_mem>>, %arg12: memref<!tpu.dma_semaphore, #tpu.memory_space<semaphore_mem>>, %arg13: memref<!tpu.dma_semaphore, #tpu.memory_space<semaphore_mem>>, %arg14: memref<!tpu.dma_semaphore, #tpu.memory_space<semaphore_mem>>) attributes {dimension_semantics = [#tpu.dimension_semantics<core_parallel>, #tpu.dimension_semantics<subcore_parallel>], iteration_bounds = array<i64: 2, 16>, scalar_prefetch = 0 : i64, scratch_operands = 10 : i64, tpu.core_type = #tpu.core_type<sc_vector_subcore>, window_params = [{transform_indices = #map}, {transform_indices = #map1}, {transform_indices = #map1}]} {
    %mul3A = arith.constant 2 : i32
    %mul3A_0 = arith.muli %arg1, %mul3A : i32
    %add3A = arith.addi %mul3A_0, %arg0 : i32
    %mul3A_1 = arith.constant 720 : i32
    %mul3A_2 = arith.muli %add3A, %mul3A_1 : i32
    %jit3A = arith.constant 32 : i32
    %div3A = arith.divsi %mul3A_2, %jit3A : i32
    %sign3A = arith.constant 0 : i32
    %sign3A_3 = arith.cmpi sgt, %mul3A_2, %sign3A : i32
    %sign3A_4 = arith.extui %sign3A_3 : i1 to i32
    %sign3A_5 = arith.constant 0 : i32
    %sign3A_6 = arith.cmpi slt, %mul3A_2, %sign3A_5 : i32
    %sign3A_7 = arith.extui %sign3A_6 : i1 to i32
    %sign3A_8 = arith.subi %sign3A_4, %sign3A_7 : i32
    %sign3A_9 = arith.constant 0 : i32
    %sign3A_10 = arith.cmpi sgt, %jit3A, %sign3A_9 : i32
    %sign3A_11 = arith.extui %sign3A_10 : i1 to i32
    %sign3A_12 = arith.constant 0 : i32
    %sign3A_13 = arith.cmpi slt, %jit3A, %sign3A_12 : i32
    %sign3A_14 = arith.extui %sign3A_13 : i1 to i32
    %sign3A_15 = arith.subi %sign3A_11, %sign3A_14 : i32
    %ne3A = arith.cmpi ne, %sign3A_8, %sign3A_15 : i32
    %rem3A = arith.remsi %mul3A_2, %jit3A : i32
    %ne3A_16 = arith.constant 0 : i32
    %ne3A_17 = arith.cmpi ne, %rem3A, %ne3A_16 : i32
    %and3A = arith.andi %ne3A, %ne3A_17 : i1
    %sub3A = arith.constant 1 : i32
    %sub3A_18 = arith.subi %div3A, %sub3A : i32
    %select_n3A = arith.select %and3A, %sub3A_18, %div3A : i32
    %add3A_19 = arith.constant 1 : i32
    %add3A_20 = arith.addi %add3A, %add3A_19 : i32
    %mul3A_21 = arith.constant 720 : i32
    %mul3A_22 = arith.muli %add3A_20, %mul3A_21 : i32
    %jit3A_23 = arith.constant 32 : i32
    %div3A_24 = arith.divsi %mul3A_22, %jit3A_23 : i32
    %sign3A_25 = arith.constant 0 : i32
    %sign3A_26 = arith.cmpi sgt, %mul3A_22, %sign3A_25 : i32
    %sign3A_27 = arith.extui %sign3A_26 : i1 to i32
    %sign3A_28 = arith.constant 0 : i32
    %sign3A_29 = arith.cmpi slt, %mul3A_22, %sign3A_28 : i32
    %sign3A_30 = arith.extui %sign3A_29 : i1 to i32
    %sign3A_31 = arith.subi %sign3A_27, %sign3A_30 : i32
    %sign3A_32 = arith.constant 0 : i32
    %sign3A_33 = arith.cmpi sgt, %jit3A_23, %sign3A_32 : i32
    %sign3A_34 = arith.extui %sign3A_33 : i1 to i32
    %sign3A_35 = arith.constant 0 : i32
    %sign3A_36 = arith.cmpi slt, %jit3A_23, %sign3A_35 : i32
    %sign3A_37 = arith.extui %sign3A_36 : i1 to i32
    %sign3A_38 = arith.subi %sign3A_34, %sign3A_37 : i32
    %ne3A_39 = arith.cmpi ne, %sign3A_31, %sign3A_38 : i32
    %rem3A_40 = arith.remsi %mul3A_22, %jit3A_23 : i32
    %ne3A_41 = arith.constant 0 : i32
    %ne3A_42 = arith.cmpi ne, %rem3A_40, %ne3A_41 : i32
    %and3A_43 = arith.andi %ne3A_39, %ne3A_42 : i1
    %sub3A_44 = arith.constant 1 : i32
    %sub3A_45 = arith.subi %div3A_24, %sub3A_44 : i32
    %select_n3A_46 = arith.select %and3A_43, %sub3A_45, %div3A_24 : i32
    %jit3A_47 = arith.constant 2 : i32
    %div3A_48 = arith.divsi %select_n3A, %jit3A_47 : i32
    %sign3A_49 = arith.constant 0 : i32
    %sign3A_50 = arith.cmpi sgt, %select_n3A, %sign3A_49 : i32
    %sign3A_51 = arith.extui %sign3A_50 : i1 to i32
    %sign3A_52 = arith.constant 0 : i32
    %sign3A_53 = arith.cmpi slt, %select_n3A, %sign3A_52 : i32
    %sign3A_54 = arith.extui %sign3A_53 : i1 to i32
    %sign3A_55 = arith.subi %sign3A_51, %sign3A_54 : i32
    %sign3A_56 = arith.constant 0 : i32
    %sign3A_57 = arith.cmpi sgt, %jit3A_47, %sign3A_56 : i32
    %sign3A_58 = arith.extui %sign3A_57 : i1 to i32
    %sign3A_59 = arith.constant 0 : i32
    %sign3A_60 = arith.cmpi slt, %jit3A_47, %sign3A_59 : i32
    %sign3A_61 = arith.extui %sign3A_60 : i1 to i32
    %sign3A_62 = arith.subi %sign3A_58, %sign3A_61 : i32
    %ne3A_63 = arith.cmpi ne, %sign3A_55, %sign3A_62 : i32
    %rem3A_64 = arith.remsi %select_n3A, %jit3A_47 : i32
    %ne3A_65 = arith.constant 0 : i32
    %ne3A_66 = arith.cmpi ne, %rem3A_64, %ne3A_65 : i32
    %and3A_67 = arith.andi %ne3A_63, %ne3A_66 : i1
    %sub3A_68 = arith.constant 1 : i32
    %sub3A_69 = arith.subi %div3A_48, %sub3A_68 : i32
    %select_n3A_70 = arith.select %and3A_67, %sub3A_69, %div3A_48 : i32
    %jit3A_71 = arith.constant 2 : i32
    %eq3A = arith.constant 0 : i32
    %eq3A_72 = arith.cmpi eq, %jit3A_71, %eq3A : i32
    %jit3A_73 = arith.constant 1 : i32
    %select_n3A_74 = arith.select %eq3A_72, %jit3A_73, %jit3A_71 : i32
    %rem3A_75 = arith.remsi %select_n3A, %select_n3A_74 : i32
    %ne3A_76 = arith.constant 0 : i32
    %ne3A_77 = arith.cmpi ne, %rem3A_75, %ne3A_76 : i32
    %lt3A = arith.constant 0 : i32
    %lt3A_78 = arith.cmpi slt, %rem3A_75, %lt3A : i32
    %lt3A_79 = arith.constant 0 : i32
    %lt3A_80 = arith.cmpi slt, %select_n3A_74, %lt3A_79 : i32
    %ne3A_81 = arith.xori %lt3A_78, %lt3A_80 : i1
    %and3A_82 = arith.andi %ne3A_81, %ne3A_77 : i1
    %add3A_83 = arith.addi %rem3A_75, %select_n3A_74 : i32
    %select_n3A_84 = arith.select %and3A_82, %add3A_83, %rem3A_75 : i32
    %jit3A_85 = arith.constant 18 : i32
    %eq3A_86 = arith.constant 0 : i32
    %eq3A_87 = arith.cmpi eq, %jit3A_85, %eq3A_86 : i32
    %jit3A_88 = arith.constant 1 : i32
    %select_n3A_89 = arith.select %eq3A_87, %jit3A_88, %jit3A_85 : i32
    %rem3A_90 = arith.remsi %select_n3A_70, %select_n3A_89 : i32
    %ne3A_91 = arith.constant 0 : i32
    %ne3A_92 = arith.cmpi ne, %rem3A_90, %ne3A_91 : i32
    %lt3A_93 = arith.constant 0 : i32
    %lt3A_94 = arith.cmpi slt, %rem3A_90, %lt3A_93 : i32
    %lt3A_95 = arith.constant 0 : i32
    %lt3A_96 = arith.cmpi slt, %select_n3A_89, %lt3A_95 : i32
    %ne3A_97 = arith.xori %lt3A_94, %lt3A_96 : i1
    %and3A_98 = arith.andi %ne3A_97, %ne3A_92 : i1
    %add3A_99 = arith.addi %rem3A_90, %select_n3A_89 : i32
    %select_n3A_100 = arith.select %and3A_98, %add3A_99, %rem3A_90 : i32
    %add3A_101 = arith.constant 1 : i32
    %add3A_102 = arith.addi %select_n3A_100, %add3A_101 : i32
    %ge3A = arith.constant 4 : i32
    %ge3A_103 = arith.cmpi sge, %select_n3A_100, %ge3A : i32
    %convert_element_type3A = arith.extui %ge3A_103 : i1 to i32
    %add3A_104 = arith.addi %add3A_102, %convert_element_type3A : i32
    %jit3A_105 = arith.constant 18 : i32
    %div3A_106 = arith.divsi %select_n3A_70, %jit3A_105 : i32
    %sign3A_107 = arith.constant 0 : i32
    %sign3A_108 = arith.cmpi sgt, %select_n3A_70, %sign3A_107 : i32
    %sign3A_109 = arith.extui %sign3A_108 : i1 to i32
    %sign3A_110 = arith.constant 0 : i32
    %sign3A_111 = arith.cmpi slt, %select_n3A_70, %sign3A_110 : i32
    %sign3A_112 = arith.extui %sign3A_111 : i1 to i32
    %sign3A_113 = arith.subi %sign3A_109, %sign3A_112 : i32
    %sign3A_114 = arith.constant 0 : i32
    %sign3A_115 = arith.cmpi sgt, %jit3A_105, %sign3A_114 : i32
    %sign3A_116 = arith.extui %sign3A_115 : i1 to i32
    %sign3A_117 = arith.constant 0 : i32
    %sign3A_118 = arith.cmpi slt, %jit3A_105, %sign3A_117 : i32
    %sign3A_119 = arith.extui %sign3A_118 : i1 to i32
    %sign3A_120 = arith.subi %sign3A_116, %sign3A_119 : i32
    %ne3A_121 = arith.cmpi ne, %sign3A_113, %sign3A_120 : i32
    %rem3A_122 = arith.remsi %select_n3A_70, %jit3A_105 : i32
    %ne3A_123 = arith.constant 0 : i32
    %ne3A_124 = arith.cmpi ne, %rem3A_122, %ne3A_123 : i32
    %and3A_125 = arith.andi %ne3A_121, %ne3A_124 : i1
    %sub3A_126 = arith.constant 1 : i32
    %sub3A_127 = arith.subi %div3A_106, %sub3A_126 : i32
    %select_n3A_128 = arith.select %and3A_125, %sub3A_127, %div3A_106 : i32
    %mul3A_129 = arith.constant 16 : i32
    %mul3A_130 = arith.muli %mul3A_129, %select_n3A_84 : i32
    %multiple_of3A = tpu.assume_multiple %mul3A_130, 16 : i32
    %dma_start3A = arith.constant 0 : i32
    %dma_start3A_131 = tpu.memref_slice %arg3[%select_n3A_128, %add3A_104, %dma_start3A] : memref<20x20x1024xi32, #tpu.memory_space<hbm>> -> memref<1x1x1024xi32, #tpu.memory_space<hbm>>
    %dma_start3A_132 = tpu.memref_squeeze %dma_start3A_131 : memref<1x1x1024xi32, #tpu.memory_space<hbm>> -> memref<1024xi32, #tpu.memory_space<hbm>>
    %dma_start3A_133 = arith.constant 0 : i32
    %dma_start3A_134 = tpu.memref_slice %arg3[%select_n3A_128, %add3A_104, %dma_start3A_133] : memref<20x20x1024xi32, #tpu.memory_space<hbm>> -> memref<1x1x1024xi32, #tpu.memory_space<hbm>>
    %dma_start3A_135 = tpu.memref_squeeze %dma_start3A_134 : memref<1x1x1024xi32, #tpu.memory_space<hbm>> -> memref<1024xi32, #tpu.memory_space<hbm>>
    tpu.enqueue_dma source(%dma_start3A_135 : memref<1024xi32, #tpu.memory_space<hbm>>) target(%arg5 : memref<1024xi32, #tpu.memory_space<vmem>>) target_semaphore(%arg11 : memref<!tpu.dma_semaphore, #tpu.memory_space<semaphore_mem>>)
    %dma_start3A_136 = arith.constant 0 : i32
    %dma_start3A_137 = tpu.memref_slice %arg2[%select_n3A_128, %select_n3A_100, %multiple_of3A, %dma_start3A_136] : memref<20x18x32x1002xf32, #tpu.memory_space<hbm>> -> memref<1x1x16x1002xf32, #tpu.memory_space<hbm>>
    %dma_start3A_138 = tpu.memref_squeeze %dma_start3A_137 : memref<1x1x16x1002xf32, #tpu.memory_space<hbm>> -> memref<16x1002xf32, #tpu.memory_space<hbm>>
    %dma_start3A_139 = arith.constant 0 : i32
    %dma_start3A_140 = tpu.memref_slice %arg2[%select_n3A_128, %select_n3A_100, %multiple_of3A, %dma_start3A_139] : memref<20x18x32x1002xf32, #tpu.memory_space<hbm>> -> memref<1x1x16x1002xf32, #tpu.memory_space<hbm>>
    %dma_start3A_141 = tpu.memref_squeeze %dma_start3A_140 : memref<1x1x16x1002xf32, #tpu.memory_space<hbm>> -> memref<16x1002xf32, #tpu.memory_space<hbm>>
    tpu.enqueue_dma source(%dma_start3A_141 : memref<16x1002xf32, #tpu.memory_space<hbm>>) target(%arg7 : memref<16x1002xf32, #tpu.memory_space<vmem>>) target_semaphore(%arg11 : memref<!tpu.dma_semaphore, #tpu.memory_space<semaphore_mem>>)
    %sub3A_142 = arith.subi %select_n3A_46, %select_n3A : i32
    %while3A = arith.constant 0 : i32
    %while3A_143 = arith.constant 0 : i32
    %while3A_144 = arith.subi %sub3A_142, %while3A_143 : i32
    %while3A_145 = arith.addi %while3A_143, %while3A_144 : i32
    %while3A_146 = arith.constant 1 : i32
    %while3A_147 = arith.divsi %while3A_144, %while3A_146 : i32
    %while3A_148 = arith.muli %while3A_147, %while3A_146 : i32
    %while3A_149 = arith.addi %while3A_143, %while3A_148 : i32
    %while3A_150 = arith.constant 1 : i32
    scf.for %while3A_347 = %while3A_143 to %while3A_149 step %while3A_150  : i32 {
      %add3A_348 = arith.addi %select_n3A, %while3A_347 : i32
      %jit3A_349 = arith.constant 2 : i32
      %eq3A_350 = arith.constant 0 : i32
      %eq3A_351 = arith.cmpi eq, %jit3A_349, %eq3A_350 : i32
      %jit3A_352 = arith.constant 1 : i32
      %select_n3A_353 = arith.select %eq3A_351, %jit3A_352, %jit3A_349 : i32
      %rem3A_354 = arith.remsi %while3A_347, %select_n3A_353 : i32
      %ne3A_355 = arith.constant 0 : i32
      %ne3A_356 = arith.cmpi ne, %rem3A_354, %ne3A_355 : i32
      %lt3A_357 = arith.constant 0 : i32
      %lt3A_358 = arith.cmpi slt, %rem3A_354, %lt3A_357 : i32
      %lt3A_359 = arith.constant 0 : i32
      %lt3A_360 = arith.cmpi slt, %select_n3A_353, %lt3A_359 : i32
      %ne3A_361 = arith.xori %lt3A_358, %lt3A_360 : i1
      %and3A_362 = arith.andi %ne3A_361, %ne3A_356 : i1
      %add3A_363 = arith.addi %rem3A_354, %select_n3A_353 : i32
      %select_n3A_364 = arith.select %and3A_362, %add3A_363, %rem3A_354 : i32
      %eq3A_365 = arith.constant 0 : i32
      %eq3A_366 = arith.cmpi eq, %select_n3A_364, %eq3A_365 : i32
      %convert_element_type3A_367 = arith.extui %eq3A_366 : i1 to i32
      %cond3A = arith.constant 0 : i32
      %cond3A_368 = arith.cmpi ne, %convert_element_type3A_367, %cond3A : i32
      scf.if %cond3A_368 {
        %jit3A_390 = arith.constant 2 : i32
        %div3A_391 = arith.divsi %add3A_348, %jit3A_390 : i32
        %sign3A_392 = arith.constant 0 : i32
        %sign3A_393 = arith.cmpi sgt, %add3A_348, %sign3A_392 : i32
        %sign3A_394 = arith.extui %sign3A_393 : i1 to i32
        %sign3A_395 = arith.constant 0 : i32
        %sign3A_396 = arith.cmpi slt, %add3A_348, %sign3A_395 : i32
        %sign3A_397 = arith.extui %sign3A_396 : i1 to i32
        %sign3A_398 = arith.subi %sign3A_394, %sign3A_397 : i32
        %sign3A_399 = arith.constant 0 : i32
        %sign3A_400 = arith.cmpi sgt, %jit3A_390, %sign3A_399 : i32
        %sign3A_401 = arith.extui %sign3A_400 : i1 to i32
        %sign3A_402 = arith.constant 0 : i32
        %sign3A_403 = arith.cmpi slt, %jit3A_390, %sign3A_402 : i32
        %sign3A_404 = arith.extui %sign3A_403 : i1 to i32
        %sign3A_405 = arith.subi %sign3A_401, %sign3A_404 : i32
        %ne3A_406 = arith.cmpi ne, %sign3A_398, %sign3A_405 : i32
        %rem3A_407 = arith.remsi %add3A_348, %jit3A_390 : i32
        %ne3A_408 = arith.constant 0 : i32
        %ne3A_409 = arith.cmpi ne, %rem3A_407, %ne3A_408 : i32
        %and3A_410 = arith.andi %ne3A_406, %ne3A_409 : i1
        %sub3A_411 = arith.constant 1 : i32
        %sub3A_412 = arith.subi %div3A_391, %sub3A_411 : i32
        %select_n3A_413 = arith.select %and3A_410, %sub3A_412, %div3A_391 : i32
        %jit3A_414 = arith.constant 2 : i32
        %eq3A_415 = arith.constant 0 : i32
        %eq3A_416 = arith.cmpi eq, %jit3A_414, %eq3A_415 : i32
        %jit3A_417 = arith.constant 1 : i32
        %select_n3A_418 = arith.select %eq3A_416, %jit3A_417, %jit3A_414 : i32
        %rem3A_419 = arith.remsi %add3A_348, %select_n3A_418 : i32
        %ne3A_420 = arith.constant 0 : i32
        %ne3A_421 = arith.cmpi ne, %rem3A_419, %ne3A_420 : i32
        %lt3A_422 = arith.constant 0 : i32
        %lt3A_423 = arith.cmpi slt, %rem3A_419, %lt3A_422 : i32
        %lt3A_424 = arith.constant 0 : i32
        %lt3A_425 = arith.cmpi slt, %select_n3A_418, %lt3A_424 : i32
        %ne3A_426 = arith.xori %lt3A_423, %lt3A_425 : i1
        %and3A_427 = arith.andi %ne3A_426, %ne3A_421 : i1
        %add3A_428 = arith.addi %rem3A_419, %select_n3A_418 : i32
        %select_n3A_429 = arith.select %and3A_427, %add3A_428, %rem3A_419 : i32
        %jit3A_430 = arith.constant 18 : i32
        %eq3A_431 = arith.constant 0 : i32
        %eq3A_432 = arith.cmpi eq, %jit3A_430, %eq3A_431 : i32
        %jit3A_433 = arith.constant 1 : i32
        %select_n3A_434 = arith.select %eq3A_432, %jit3A_433, %jit3A_430 : i32
        %rem3A_435 = arith.remsi %select_n3A_413, %select_n3A_434 : i32
        %ne3A_436 = arith.constant 0 : i32
        %ne3A_437 = arith.cmpi ne, %rem3A_435, %ne3A_436 : i32
        %lt3A_438 = arith.constant 0 : i32
        %lt3A_439 = arith.cmpi slt, %rem3A_435, %lt3A_438 : i32
        %lt3A_440 = arith.constant 0 : i32
        %lt3A_441 = arith.cmpi slt, %select_n3A_434, %lt3A_440 : i32
        %ne3A_442 = arith.xori %lt3A_439, %lt3A_441 : i1
        %and3A_443 = arith.andi %ne3A_442, %ne3A_437 : i1
        %add3A_444 = arith.addi %rem3A_435, %select_n3A_434 : i32
        %select_n3A_445 = arith.select %and3A_443, %add3A_444, %rem3A_435 : i32
        %add3A_446 = arith.constant 1 : i32
        %add3A_447 = arith.addi %select_n3A_445, %add3A_446 : i32
        %ge3A_448 = arith.constant 4 : i32
        %ge3A_449 = arith.cmpi sge, %select_n3A_445, %ge3A_448 : i32
        %convert_element_type3A_450 = arith.extui %ge3A_449 : i1 to i32
        %add3A_451 = arith.addi %add3A_447, %convert_element_type3A_450 : i32
        %jit3A_452 = arith.constant 18 : i32
        %div3A_453 = arith.divsi %select_n3A_413, %jit3A_452 : i32
        %sign3A_454 = arith.constant 0 : i32
        %sign3A_455 = arith.cmpi sgt, %select_n3A_413, %sign3A_454 : i32
        %sign3A_456 = arith.extui %sign3A_455 : i1 to i32
        %sign3A_457 = arith.constant 0 : i32
        %sign3A_458 = arith.cmpi slt, %select_n3A_413, %sign3A_457 : i32
        %sign3A_459 = arith.extui %sign3A_458 : i1 to i32
        %sign3A_460 = arith.subi %sign3A_456, %sign3A_459 : i32
        %sign3A_461 = arith.constant 0 : i32
        %sign3A_462 = arith.cmpi sgt, %jit3A_452, %sign3A_461 : i32
        %sign3A_463 = arith.extui %sign3A_462 : i1 to i32
        %sign3A_464 = arith.constant 0 : i32
        %sign3A_465 = arith.cmpi slt, %jit3A_452, %sign3A_464 : i32
        %sign3A_466 = arith.extui %sign3A_465 : i1 to i32
        %sign3A_467 = arith.subi %sign3A_463, %sign3A_466 : i32
        %ne3A_468 = arith.cmpi ne, %sign3A_460, %sign3A_467 : i32
        %rem3A_469 = arith.remsi %select_n3A_413, %jit3A_452 : i32
        %ne3A_470 = arith.constant 0 : i32
        %ne3A_471 = arith.cmpi ne, %rem3A_469, %ne3A_470 : i32
        %and3A_472 = arith.andi %ne3A_468, %ne3A_471 : i1
        %sub3A_473 = arith.constant 1 : i32
        %sub3A_474 = arith.subi %div3A_453, %sub3A_473 : i32
        %select_n3A_475 = arith.select %and3A_472, %sub3A_474, %div3A_453 : i32
        %mul3A_476 = arith.constant 16 : i32
        %mul3A_477 = arith.muli %mul3A_476, %select_n3A_429 : i32
        %multiple_of3A_478 = tpu.assume_multiple %mul3A_477, 16 : i32
        %dma_wait3A_479 = arith.constant 0 : i32
        %dma_wait3A_480 = tpu.memref_slice %arg3[%select_n3A_475, %add3A_451, %dma_wait3A_479] : memref<20x20x1024xi32, #tpu.memory_space<hbm>> -> memref<1x1x1024xi32, #tpu.memory_space<hbm>>
        %dma_wait3A_481 = tpu.memref_squeeze %dma_wait3A_480 : memref<1x1x1024xi32, #tpu.memory_space<hbm>> -> memref<1024xi32, #tpu.memory_space<hbm>>
        %dma_wait3A_482 = arith.constant 0 : i32
        %dma_wait3A_483 = tpu.memref_slice %arg3[%select_n3A_475, %add3A_451, %dma_wait3A_482] : memref<20x20x1024xi32, #tpu.memory_space<hbm>> -> memref<1x1x1024xi32, #tpu.memory_space<hbm>>
        %dma_wait3A_484 = tpu.memref_squeeze %dma_wait3A_483 : memref<1x1x1024xi32, #tpu.memory_space<hbm>> -> memref<1024xi32, #tpu.memory_space<hbm>>
        tpu.wait_dma2 semaphore(%arg11 : memref<!tpu.dma_semaphore, #tpu.memory_space<semaphore_mem>>) src(%dma_wait3A_484 : memref<1024xi32, #tpu.memory_space<hbm>>) dst(%arg5 : memref<1024xi32, #tpu.memory_space<vmem>>)
        %dma_wait3A_485 = arith.constant 0 : i32
        %dma_wait3A_486 = tpu.memref_slice %arg2[%select_n3A_475, %select_n3A_445, %multiple_of3A_478, %dma_wait3A_485] : memref<20x18x32x1002xf32, #tpu.memory_space<hbm>> -> memref<1x1x16x1002xf32, #tpu.memory_space<hbm>>
        %dma_wait3A_487 = tpu.memref_squeeze %dma_wait3A_486 : memref<1x1x16x1002xf32, #tpu.memory_space<hbm>> -> memref<16x1002xf32, #tpu.memory_space<hbm>>
        %dma_wait3A_488 = arith.constant 0 : i32
        %dma_wait3A_489 = tpu.memref_slice %arg2[%select_n3A_475, %select_n3A_445, %multiple_of3A_478, %dma_wait3A_488] : memref<20x18x32x1002xf32, #tpu.memory_space<hbm>> -> memref<1x1x16x1002xf32, #tpu.memory_space<hbm>>
        %dma_wait3A_490 = tpu.memref_squeeze %dma_wait3A_489 : memref<1x1x16x1002xf32, #tpu.memory_space<hbm>> -> memref<16x1002xf32, #tpu.memory_space<hbm>>
        tpu.wait_dma2 semaphore(%arg11 : memref<!tpu.dma_semaphore, #tpu.memory_space<semaphore_mem>>) src(%dma_wait3A_490 : memref<16x1002xf32, #tpu.memory_space<hbm>>) dst(%arg7 : memref<16x1002xf32, #tpu.memory_space<vmem>>)
        %add3A_491 = arith.constant 1 : i32
        %add3A_492 = arith.addi %add3A_348, %add3A_491 : i32
        %lt3A_493 = arith.cmpi slt, %add3A_492, %select_n3A_46 : i32
        %convert_element_type3A_494 = arith.extui %lt3A_493 : i1 to i32
        %cond3A_495 = arith.constant 0 : i32
        %cond3A_496 = arith.cmpi ne, %convert_element_type3A_494, %cond3A_495 : i32
        scf.if %cond3A_496 {
          %add3A_605 = arith.constant 1 : i32
          %add3A_606 = arith.addi %add3A_348, %add3A_605 : i32
          %jit3A_607 = arith.constant 2 : i32
          %div3A_608 = arith.divsi %add3A_606, %jit3A_607 : i32
          %sign3A_609 = arith.constant 0 : i32
          %sign3A_610 = arith.cmpi sgt, %add3A_606, %sign3A_609 : i32
          %sign3A_611 = arith.extui %sign3A_610 : i1 to i32
          %sign3A_612 = arith.constant 0 : i32
          %sign3A_613 = arith.cmpi slt, %add3A_606, %sign3A_612 : i32
          %sign3A_614 = arith.extui %sign3A_613 : i1 to i32
          %sign3A_615 = arith.subi %sign3A_611, %sign3A_614 : i32
          %sign3A_616 = arith.constant 0 : i32
          %sign3A_617 = arith.cmpi sgt, %jit3A_607, %sign3A_616 : i32
          %sign3A_618 = arith.extui %sign3A_617 : i1 to i32
          %sign3A_619 = arith.constant 0 : i32
          %sign3A_620 = arith.cmpi slt, %jit3A_607, %sign3A_619 : i32
          %sign3A_621 = arith.extui %sign3A_620 : i1 to i32
          %sign3A_622 = arith.subi %sign3A_618, %sign3A_621 : i32
          %ne3A_623 = arith.cmpi ne, %sign3A_615, %sign3A_622 : i32
          %rem3A_624 = arith.remsi %add3A_606, %jit3A_607 : i32
          %ne3A_625 = arith.constant 0 : i32
          %ne3A_626 = arith.cmpi ne, %rem3A_624, %ne3A_625 : i32
          %and3A_627 = arith.andi %ne3A_623, %ne3A_626 : i1
          %sub3A_628 = arith.constant 1 : i32
          %sub3A_629 = arith.subi %div3A_608, %sub3A_628 : i32
          %select_n3A_630 = arith.select %and3A_627, %sub3A_629, %div3A_608 : i32
          %jit3A_631 = arith.constant 2 : i32
          %eq3A_632 = arith.constant 0 : i32
          %eq3A_633 = arith.cmpi eq, %jit3A_631, %eq3A_632 : i32
          %jit3A_634 = arith.constant 1 : i32
          %select_n3A_635 = arith.select %eq3A_633, %jit3A_634, %jit3A_631 : i32
          %rem3A_636 = arith.remsi %add3A_606, %select_n3A_635 : i32
          %ne3A_637 = arith.constant 0 : i32
          %ne3A_638 = arith.cmpi ne, %rem3A_636, %ne3A_637 : i32
          %lt3A_639 = arith.constant 0 : i32
          %lt3A_640 = arith.cmpi slt, %rem3A_636, %lt3A_639 : i32
          %lt3A_641 = arith.constant 0 : i32
          %lt3A_642 = arith.cmpi slt, %select_n3A_635, %lt3A_641 : i32
          %ne3A_643 = arith.xori %lt3A_640, %lt3A_642 : i1
          %and3A_644 = arith.andi %ne3A_643, %ne3A_638 : i1
          %add3A_645 = arith.addi %rem3A_636, %select_n3A_635 : i32
          %select_n3A_646 = arith.select %and3A_644, %add3A_645, %rem3A_636 : i32
          %jit3A_647 = arith.constant 18 : i32
          %eq3A_648 = arith.constant 0 : i32
          %eq3A_649 = arith.cmpi eq, %jit3A_647, %eq3A_648 : i32
          %jit3A_650 = arith.constant 1 : i32
          %select_n3A_651 = arith.select %eq3A_649, %jit3A_650, %jit3A_647 : i32
          %rem3A_652 = arith.remsi %select_n3A_630, %select_n3A_651 : i32
          %ne3A_653 = arith.constant 0 : i32
          %ne3A_654 = arith.cmpi ne, %rem3A_652, %ne3A_653 : i32
          %lt3A_655 = arith.constant 0 : i32
          %lt3A_656 = arith.cmpi slt, %rem3A_652, %lt3A_655 : i32
          %lt3A_657 = arith.constant 0 : i32
          %lt3A_658 = arith.cmpi slt, %select_n3A_651, %lt3A_657 : i32
          %ne3A_659 = arith.xori %lt3A_656, %lt3A_658 : i1
          %and3A_660 = arith.andi %ne3A_659, %ne3A_654 : i1
          %add3A_661 = arith.addi %rem3A_652, %select_n3A_651 : i32
          %select_n3A_662 = arith.select %and3A_660, %add3A_661, %rem3A_652 : i32
          %add3A_663 = arith.constant 1 : i32
          %add3A_664 = arith.addi %select_n3A_662, %add3A_663 : i32
          %ge3A_665 = arith.constant 4 : i32
          %ge3A_666 = arith.cmpi sge, %select_n3A_662, %ge3A_665 : i32
          %convert_element_type3A_667 = arith.extui %ge3A_666 : i1 to i32
          %add3A_668 = arith.addi %add3A_664, %convert_element_type3A_667 : i32
          %jit3A_669 = arith.constant 18 : i32
          %div3A_670 = arith.divsi %select_n3A_630, %jit3A_669 : i32
          %sign3A_671 = arith.constant 0 : i32
          %sign3A_672 = arith.cmpi sgt, %select_n3A_630, %sign3A_671 : i32
          %sign3A_673 = arith.extui %sign3A_672 : i1 to i32
          %sign3A_674 = arith.constant 0 : i32
          %sign3A_675 = arith.cmpi slt, %select_n3A_630, %sign3A_674 : i32
          %sign3A_676 = arith.extui %sign3A_675 : i1 to i32
          %sign3A_677 = arith.subi %sign3A_673, %sign3A_676 : i32
          %sign3A_678 = arith.constant 0 : i32
          %sign3A_679 = arith.cmpi sgt, %jit3A_669, %sign3A_678 : i32
          %sign3A_680 = arith.extui %sign3A_679 : i1 to i32
          %sign3A_681 = arith.constant 0 : i32
          %sign3A_682 = arith.cmpi slt, %jit3A_669, %sign3A_681 : i32
          %sign3A_683 = arith.extui %sign3A_682 : i1 to i32
          %sign3A_684 = arith.subi %sign3A_680, %sign3A_683 : i32
          %ne3A_685 = arith.cmpi ne, %sign3A_677, %sign3A_684 : i32
          %rem3A_686 = arith.remsi %select_n3A_630, %jit3A_669 : i32
          %ne3A_687 = arith.constant 0 : i32
          %ne3A_688 = arith.cmpi ne, %rem3A_686, %ne3A_687 : i32
          %and3A_689 = arith.andi %ne3A_685, %ne3A_688 : i1
          %sub3A_690 = arith.constant 1 : i32
          %sub3A_691 = arith.subi %div3A_670, %sub3A_690 : i32
          %select_n3A_692 = arith.select %and3A_689, %sub3A_691, %div3A_670 : i32
          %mul3A_693 = arith.constant 16 : i32
          %mul3A_694 = arith.muli %mul3A_693, %select_n3A_646 : i32
          %multiple_of3A_695 = tpu.assume_multiple %mul3A_694, 16 : i32
          %dma_start3A_696 = arith.constant 0 : i32
          %dma_start3A_697 = tpu.memref_slice %arg3[%select_n3A_692, %add3A_668, %dma_start3A_696] : memref<20x20x1024xi32, #tpu.memory_space<hbm>> -> memref<1x1x1024xi32, #tpu.memory_space<hbm>>
          %dma_start3A_698 = tpu.memref_squeeze %dma_start3A_697 : memref<1x1x1024xi32, #tpu.memory_space<hbm>> -> memref<1024xi32, #tpu.memory_space<hbm>>
          %dma_start3A_699 = arith.constant 0 : i32
          %dma_start3A_700 = tpu.memref_slice %arg3[%select_n3A_692, %add3A_668, %dma_start3A_699] : memref<20x20x1024xi32, #tpu.memory_space<hbm>> -> memref<1x1x1024xi32, #tpu.memory_space<hbm>>
          %dma_start3A_701 = tpu.memref_squeeze %dma_start3A_700 : memref<1x1x1024xi32, #tpu.memory_space<hbm>> -> memref<1024xi32, #tpu.memory_space<hbm>>
          tpu.enqueue_dma source(%dma_start3A_701 : memref<1024xi32, #tpu.memory_space<hbm>>) target(%arg6 : memref<1024xi32, #tpu.memory_space<vmem>>) target_semaphore(%arg12 : memref<!tpu.dma_semaphore, #tpu.memory_space<semaphore_mem>>)
          %dma_start3A_702 = arith.constant 0 : i32
          %dma_start3A_703 = tpu.memref_slice %arg2[%select_n3A_692, %select_n3A_662, %multiple_of3A_695, %dma_start3A_702] : memref<20x18x32x1002xf32, #tpu.memory_space<hbm>> -> memref<1x1x16x1002xf32, #tpu.memory_space<hbm>>
          %dma_start3A_704 = tpu.memref_squeeze %dma_start3A_703 : memref<1x1x16x1002xf32, #tpu.memory_space<hbm>> -> memref<16x1002xf32, #tpu.memory_space<hbm>>
          %dma_start3A_705 = arith.constant 0 : i32
          %dma_start3A_706 = tpu.memref_slice %arg2[%select_n3A_692, %select_n3A_662, %multiple_of3A_695, %dma_start3A_705] : memref<20x18x32x1002xf32, #tpu.memory_space<hbm>> -> memref<1x1x16x1002xf32, #tpu.memory_space<hbm>>
          %dma_start3A_707 = tpu.memref_squeeze %dma_start3A_706 : memref<1x1x16x1002xf32, #tpu.memory_space<hbm>> -> memref<16x1002xf32, #tpu.memory_space<hbm>>
          tpu.enqueue_dma source(%dma_start3A_707 : memref<16x1002xf32, #tpu.memory_space<hbm>>) target(%arg8 : memref<16x1002xf32, #tpu.memory_space<vmem>>) target_semaphore(%arg12 : memref<!tpu.dma_semaphore, #tpu.memory_space<semaphore_mem>>)
        } else {
        }
        %ge3A_497 = arith.constant 2 : i32
        %ge3A_498 = arith.cmpi sge, %while3A_347, %ge3A_497 : i32
        %convert_element_type3A_499 = arith.extui %ge3A_498 : i1 to i32
        %cond3A_500 = arith.constant 0 : i32
        %cond3A_501 = arith.cmpi ne, %convert_element_type3A_499, %cond3A_500 : i32
        scf.if %cond3A_501 {
          %jit3A_605 = arith.constant 2 : i32
          %div3A_606 = arith.divsi %add3A_348, %jit3A_605 : i32
          %sign3A_607 = arith.constant 0 : i32
          %sign3A_608 = arith.cmpi sgt, %add3A_348, %sign3A_607 : i32
          %sign3A_609 = arith.extui %sign3A_608 : i1 to i32
          %sign3A_610 = arith.constant 0 : i32
          %sign3A_611 = arith.cmpi slt, %add3A_348, %sign3A_610 : i32
          %sign3A_612 = arith.extui %sign3A_611 : i1 to i32
          %sign3A_613 = arith.subi %sign3A_609, %sign3A_612 : i32
          %sign3A_614 = arith.constant 0 : i32
          %sign3A_615 = arith.cmpi sgt, %jit3A_605, %sign3A_614 : i32
          %sign3A_616 = arith.extui %sign3A_615 : i1 to i32
          %sign3A_617 = arith.constant 0 : i32
          %sign3A_618 = arith.cmpi slt, %jit3A_605, %sign3A_617 : i32
          %sign3A_619 = arith.extui %sign3A_618 : i1 to i32
          %sign3A_620 = arith.subi %sign3A_616, %sign3A_619 : i32
          %ne3A_621 = arith.cmpi ne, %sign3A_613, %sign3A_620 : i32
          %rem3A_622 = arith.remsi %add3A_348, %jit3A_605 : i32
          %ne3A_623 = arith.constant 0 : i32
          %ne3A_624 = arith.cmpi ne, %rem3A_622, %ne3A_623 : i32
          %and3A_625 = arith.andi %ne3A_621, %ne3A_624 : i1
          %sub3A_626 = arith.constant 1 : i32
          %sub3A_627 = arith.subi %div3A_606, %sub3A_626 : i32
          %select_n3A_628 = arith.select %and3A_625, %sub3A_627, %div3A_606 : i32
          %jit3A_629 = arith.constant 2 : i32
          %eq3A_630 = arith.constant 0 : i32
          %eq3A_631 = arith.cmpi eq, %jit3A_629, %eq3A_630 : i32
          %jit3A_632 = arith.constant 1 : i32
          %select_n3A_633 = arith.select %eq3A_631, %jit3A_632, %jit3A_629 : i32
          %rem3A_634 = arith.remsi %add3A_348, %select_n3A_633 : i32
          %ne3A_635 = arith.constant 0 : i32
          %ne3A_636 = arith.cmpi ne, %rem3A_634, %ne3A_635 : i32
          %lt3A_637 = arith.constant 0 : i32
          %lt3A_638 = arith.cmpi slt, %rem3A_634, %lt3A_637 : i32
          %lt3A_639 = arith.constant 0 : i32
          %lt3A_640 = arith.cmpi slt, %select_n3A_633, %lt3A_639 : i32
          %ne3A_641 = arith.xori %lt3A_638, %lt3A_640 : i1
          %and3A_642 = arith.andi %ne3A_641, %ne3A_636 : i1
          %add3A_643 = arith.addi %rem3A_634, %select_n3A_633 : i32
          %select_n3A_644 = arith.select %and3A_642, %add3A_643, %rem3A_634 : i32
          %jit3A_645 = arith.constant 18 : i32
          %eq3A_646 = arith.constant 0 : i32
          %eq3A_647 = arith.cmpi eq, %jit3A_645, %eq3A_646 : i32
          %jit3A_648 = arith.constant 1 : i32
          %select_n3A_649 = arith.select %eq3A_647, %jit3A_648, %jit3A_645 : i32
          %rem3A_650 = arith.remsi %select_n3A_628, %select_n3A_649 : i32
          %ne3A_651 = arith.constant 0 : i32
          %ne3A_652 = arith.cmpi ne, %rem3A_650, %ne3A_651 : i32
          %lt3A_653 = arith.constant 0 : i32
          %lt3A_654 = arith.cmpi slt, %rem3A_650, %lt3A_653 : i32
          %lt3A_655 = arith.constant 0 : i32
          %lt3A_656 = arith.cmpi slt, %select_n3A_649, %lt3A_655 : i32
          %ne3A_657 = arith.xori %lt3A_654, %lt3A_656 : i1
          %and3A_658 = arith.andi %ne3A_657, %ne3A_652 : i1
          %add3A_659 = arith.addi %rem3A_650, %select_n3A_649 : i32
          %select_n3A_660 = arith.select %and3A_658, %add3A_659, %rem3A_650 : i32
          %add3A_661 = arith.constant 1 : i32
          %add3A_662 = arith.addi %select_n3A_660, %add3A_661 : i32
          %ge3A_663 = arith.constant 4 : i32
          %ge3A_664 = arith.cmpi sge, %select_n3A_660, %ge3A_663 : i32
          %convert_element_type3A_665 = arith.extui %ge3A_664 : i1 to i32
          %add3A_666 = arith.addi %add3A_662, %convert_element_type3A_665 : i32
          %jit3A_667 = arith.constant 18 : i32
          %div3A_668 = arith.divsi %select_n3A_628, %jit3A_667 : i32
          %sign3A_669 = arith.constant 0 : i32
          %sign3A_670 = arith.cmpi sgt, %select_n3A_628, %sign3A_669 : i32
          %sign3A_671 = arith.extui %sign3A_670 : i1 to i32
          %sign3A_672 = arith.constant 0 : i32
          %sign3A_673 = arith.cmpi slt, %select_n3A_628, %sign3A_672 : i32
          %sign3A_674 = arith.extui %sign3A_673 : i1 to i32
          %sign3A_675 = arith.subi %sign3A_671, %sign3A_674 : i32
          %sign3A_676 = arith.constant 0 : i32
          %sign3A_677 = arith.cmpi sgt, %jit3A_667, %sign3A_676 : i32
          %sign3A_678 = arith.extui %sign3A_677 : i1 to i32
          %sign3A_679 = arith.constant 0 : i32
          %sign3A_680 = arith.cmpi slt, %jit3A_667, %sign3A_679 : i32
          %sign3A_681 = arith.extui %sign3A_680 : i1 to i32
          %sign3A_682 = arith.subi %sign3A_678, %sign3A_681 : i32
          %ne3A_683 = arith.cmpi ne, %sign3A_675, %sign3A_682 : i32
          %rem3A_684 = arith.remsi %select_n3A_628, %jit3A_667 : i32
          %ne3A_685 = arith.constant 0 : i32
          %ne3A_686 = arith.cmpi ne, %rem3A_684, %ne3A_685 : i32
          %and3A_687 = arith.andi %ne3A_683, %ne3A_686 : i1
          %sub3A_688 = arith.constant 1 : i32
          %sub3A_689 = arith.subi %div3A_668, %sub3A_688 : i32
          %select_n3A_690 = arith.select %and3A_687, %sub3A_689, %div3A_668 : i32
          %mul3A_691 = arith.constant 32 : i32
          %mul3A_692 = arith.muli %mul3A_691, %select_n3A_660 : i32
          %mul3A_693 = arith.constant 16 : i32
          %mul3A_694 = arith.muli %mul3A_693, %select_n3A_644 : i32
          %add3A_695 = arith.addi %mul3A_692, %mul3A_694 : i32
          %multiple_of3A_696 = tpu.assume_multiple %add3A_695, 16 : i32
          %dma_wait3A_697 = arith.constant 0 : i32
          %dma_wait3A_698 = tpu.memref_slice %arg4[%select_n3A_690, %multiple_of3A_696, %dma_wait3A_697] : memref<20x576x1024xf32, #tpu.memory_space<hbm>> -> memref<1x16x1024xf32, #tpu.memory_space<hbm>>
          %dma_wait3A_699 = tpu.memref_squeeze %dma_wait3A_698 : memref<1x16x1024xf32, #tpu.memory_space<hbm>> -> memref<16x1024xf32, #tpu.memory_space<hbm>>
          %dma_wait3A_700 = arith.constant 0 : i32
          %dma_wait3A_701 = tpu.memref_slice %arg4[%select_n3A_690, %multiple_of3A_696, %dma_wait3A_700] : memref<20x576x1024xf32, #tpu.memory_space<hbm>> -> memref<1x16x1024xf32, #tpu.memory_space<hbm>>
          %dma_wait3A_702 = tpu.memref_squeeze %dma_wait3A_701 : memref<1x16x1024xf32, #tpu.memory_space<hbm>> -> memref<16x1024xf32, #tpu.memory_space<hbm>>
          tpu.wait_dma2 semaphore(%arg13 : memref<!tpu.dma_semaphore, #tpu.memory_space<semaphore_mem>>) src(%arg9 : memref<16x1024xf32, #tpu.memory_space<vmem>>) dst(%dma_wait3A_702 : memref<16x1024xf32, #tpu.memory_space<hbm>>)
        } else {
        }
        %scan3A = arith.constant 0 : i32
        %scan3A_502 = arith.constant 0 : i32
        %scan3A_503 = arith.constant 64 : i32
        %scan3A_504 = arith.addi %scan3A_502, %scan3A_503 : i32
        %scan3A_505 = arith.constant 1 : i32
        scf.for %scan3A_605 = %scan3A_502 to %scan3A_504 step %scan3A_505  : i32 {
          %mul3A_606 = arith.constant 16 : i32
          %mul3A_607 = arith.muli %scan3A_605, %mul3A_606 : i32
          %get3A = arith.index_cast %mul3A_607 : i32 to index
          %get3A_608 = tpu.vector_load %arg5[%get3A] {strides = array<i32>} : memref<1024xi32, #tpu.memory_space<vmem>>, vector<16xi32>,
          %broadcast_in_dim3A = arith.constant 0 : i32
          %broadcast_in_dim3A_609 = vector.broadcast %broadcast_in_dim3A : i32 to vector<16xi32>
          %gather3A = tpu.vector_load_idx %arg7[%broadcast_in_dim3A_609, %get3A_608] : memref<16x1002xf32, #tpu.memory_space<vmem>>[vector<16xi32>, vector<16xi32>], vector<16xf32>,
          %broadcast_in_dim3A_610 = arith.constant 1 : i32
          %broadcast_in_dim3A_611 = vector.broadcast %broadcast_in_dim3A_610 : i32 to vector<16xi32>
          %gather3A_612 = tpu.vector_load_idx %arg7[%broadcast_in_dim3A_611, %get3A_608] : memref<16x1002xf32, #tpu.memory_space<vmem>>[vector<16xi32>, vector<16xi32>], vector<16xf32>,
          %broadcast_in_dim3A_613 = arith.constant 2 : i32
          %broadcast_in_dim3A_614 = vector.broadcast %broadcast_in_dim3A_613 : i32 to vector<16xi32>
          %gather3A_615 = tpu.vector_load_idx %arg7[%broadcast_in_dim3A_614, %get3A_608] : memref<16x1002xf32, #tpu.memory_space<vmem>>[vector<16xi32>, vector<16xi32>], vector<16xf32>,
          %broadcast_in_dim3A_616 = arith.constant 3 : i32
          %broadcast_in_dim3A_617 = vector.broadcast %broadcast_in_dim3A_616 : i32 to vector<16xi32>
          %gather3A_618 = tpu.vector_load_idx %arg7[%broadcast_in_dim3A_617, %get3A_608] : memref<16x1002xf32, #tpu.memory_space<vmem>>[vector<16xi32>, vector<16xi32>], vector<16xf32>,
          %broadcast_in_dim3A_619 = arith.constant 4 : i32
          %broadcast_in_dim3A_620 = vector.broadcast %broadcast_in_dim3A_619 : i32 to vector<16xi32>
          %gather3A_621 = tpu.vector_load_idx %arg7[%broadcast_in_dim3A_620, %get3A_608] : memref<16x1002xf32, #tpu.memory_space<vmem>>[vector<16xi32>, vector<16xi32>], vector<16xf32>,
          %broadcast_in_dim3A_622 = arith.constant 5 : i32
          %broadcast_in_dim3A_623 = vector.broadcast %broadcast_in_dim3A_622 : i32 to vector<16xi32>
          %gather3A_624 = tpu.vector_load_idx %arg7[%broadcast_in_dim3A_623, %get3A_608] : memref<16x1002xf32, #tpu.memory_space<vmem>>[vector<16xi32>, vector<16xi32>], vector<16xf32>,
          %broadcast_in_dim3A_625 = arith.constant 6 : i32
          %broadcast_in_dim3A_626 = vector.broadcast %broadcast_in_dim3A_625 : i32 to vector<16xi32>
          %gather3A_627 = tpu.vector_load_idx %arg7[%broadcast_in_dim3A_626, %get3A_608] : memref<16x1002xf32, #tpu.memory_space<vmem>>[vector<16xi32>, vector<16xi32>], vector<16xf32>,
          %broadcast_in_dim3A_628 = arith.constant 7 : i32
          %broadcast_in_dim3A_629 = vector.broadcast %broadcast_in_dim3A_628 : i32 to vector<16xi32>
          %gather3A_630 = tpu.vector_load_idx %arg7[%broadcast_in_dim3A_629, %get3A_608] : memref<16x1002xf32, #tpu.memory_space<vmem>>[vector<16xi32>, vector<16xi32>], vector<16xf32>,
          %broadcast_in_dim3A_631 = arith.constant 8 : i32
          %broadcast_in_dim3A_632 = vector.broadcast %broadcast_in_dim3A_631 : i32 to vector<16xi32>
          %gather3A_633 = tpu.vector_load_idx %arg7[%broadcast_in_dim3A_632, %get3A_608] : memref<16x1002xf32, #tpu.memory_space<vmem>>[vector<16xi32>, vector<16xi32>], vector<16xf32>,
          %broadcast_in_dim3A_634 = arith.constant 9 : i32
          %broadcast_in_dim3A_635 = vector.broadcast %broadcast_in_dim3A_634 : i32 to vector<16xi32>
          %gather3A_636 = tpu.vector_load_idx %arg7[%broadcast_in_dim3A_635, %get3A_608] : memref<16x1002xf32, #tpu.memory_space<vmem>>[vector<16xi32>, vector<16xi32>], vector<16xf32>,
          %broadcast_in_dim3A_637 = arith.constant 10 : i32
          %broadcast_in_dim3A_638 = vector.broadcast %broadcast_in_dim3A_637 : i32 to vector<16xi32>
          %gather3A_639 = tpu.vector_load_idx %arg7[%broadcast_in_dim3A_638, %get3A_608] : memref<16x1002xf32, #tpu.memory_space<vmem>>[vector<16xi32>, vector<16xi32>], vector<16xf32>,
          %broadcast_in_dim3A_640 = arith.constant 11 : i32
          %broadcast_in_dim3A_641 = vector.broadcast %broadcast_in_dim3A_640 : i32 to vector<16xi32>
          %gather3A_642 = tpu.vector_load_idx %arg7[%broadcast_in_dim3A_641, %get3A_608] : memref<16x1002xf32, #tpu.memory_space<vmem>>[vector<16xi32>, vector<16xi32>], vector<16xf32>,
          %broadcast_in_dim3A_643 = arith.constant 12 : i32
          %broadcast_in_dim3A_644 = vector.broadcast %broadcast_in_dim3A_643 : i32 to vector<16xi32>
          %gather3A_645 = tpu.vector_load_idx %arg7[%broadcast_in_dim3A_644, %get3A_608] : memref<16x1002xf32, #tpu.memory_space<vmem>>[vector<16xi32>, vector<16xi32>], vector<16xf32>,
          %broadcast_in_dim3A_646 = arith.constant 13 : i32
          %broadcast_in_dim3A_647 = vector.broadcast %broadcast_in_dim3A_646 : i32 to vector<16xi32>
          %gather3A_648 = tpu.vector_load_idx %arg7[%broadcast_in_dim3A_647, %get3A_608] : memref<16x1002xf32, #tpu.memory_space<vmem>>[vector<16xi32>, vector<16xi32>], vector<16xf32>,
          %broadcast_in_dim3A_649 = arith.constant 14 : i32
          %broadcast_in_dim3A_650 = vector.broadcast %broadcast_in_dim3A_649 : i32 to vector<16xi32>
          %gather3A_651 = tpu.vector_load_idx %arg7[%broadcast_in_dim3A_650, %get3A_608] : memref<16x1002xf32, #tpu.memory_space<vmem>>[vector<16xi32>, vector<16xi32>], vector<16xf32>,
          %broadcast_in_dim3A_652 = arith.constant 15 : i32
          %broadcast_in_dim3A_653 = vector.broadcast %broadcast_in_dim3A_652 : i32 to vector<16xi32>
          %gather3A_654 = tpu.vector_load_idx %arg7[%broadcast_in_dim3A_653, %get3A_608] : memref<16x1002xf32, #tpu.memory_space<vmem>>[vector<16xi32>, vector<16xi32>], vector<16xf32>,
          %mul3A_655 = arith.constant 16 : i32
          %mul3A_656 = arith.muli %scan3A_605, %mul3A_655 : i32
          %swap3A = arith.constant 0 : i32
          %swap3A_657 = arith.index_cast %swap3A : i32 to index
          %swap3A_658 = arith.index_cast %mul3A_656 : i32 to index
          %swap3A_659 = tpu.vector_load %arg9[%swap3A_657, %swap3A_658] {strides = array<i32>} : memref<16x1024xf32, #tpu.memory_space<vmem>>, vector<16xf32>,
          tpu.vector_store %arg9[%swap3A_657, %swap3A_658], %gather3A {strides = array<i32>} : memref<16x1024xf32, #tpu.memory_space<vmem>>, vector<16xf32>,
          %mul3A_660 = arith.constant 16 : i32
          %mul3A_661 = arith.muli %scan3A_605, %mul3A_660 : i32
          %swap3A_662 = arith.constant 1 : i32
          %swap3A_663 = arith.index_cast %swap3A_662 : i32 to index
          %swap3A_664 = arith.index_cast %mul3A_661 : i32 to index
          %swap3A_665 = tpu.vector_load %arg9[%swap3A_663, %swap3A_664] {strides = array<i32>} : memref<16x1024xf32, #tpu.memory_space<vmem>>, vector<16xf32>,
          tpu.vector_store %arg9[%swap3A_663, %swap3A_664], %gather3A_612 {strides = array<i32>} : memref<16x1024xf32, #tpu.memory_space<vmem>>, vector<16xf32>,
          %mul3A_666 = arith.constant 16 : i32
          %mul3A_667 = arith.muli %scan3A_605, %mul3A_666 : i32
          %swap3A_668 = arith.constant 2 : i32
          %swap3A_669 = arith.index_cast %swap3A_668 : i32 to index
          %swap3A_670 = arith.index_cast %mul3A_667 : i32 to index
          %swap3A_671 = tpu.vector_load %arg9[%swap3A_669, %swap3A_670] {strides = array<i32>} : memref<16x1024xf32, #tpu.memory_space<vmem>>, vector<16xf32>,
          tpu.vector_store %arg9[%swap3A_669, %swap3A_670], %gather3A_615 {strides = array<i32>} : memref<16x1024xf32, #tpu.memory_space<vmem>>, vector<16xf32>,
          %mul3A_672 = arith.constant 16 : i32
          %mul3A_673 = arith.muli %scan3A_605, %mul3A_672 : i32
          %swap3A_674 = arith.constant 3 : i32
          %swap3A_675 = arith.index_cast %swap3A_674 : i32 to index
          %swap3A_676 = arith.index_cast %mul3A_673 : i32 to index
          %swap3A_677 = tpu.vector_load %arg9[%swap3A_675, %swap3A_676] {strides = array<i32>} : memref<16x1024xf32, #tpu.memory_space<vmem>>, vector<16xf32>,
          tpu.vector_store %arg9[%swap3A_675, %swap3A_676], %gather3A_618 {strides = array<i32>} : memref<16x1024xf32, #tpu.memory_space<vmem>>, vector<16xf32>,
          %mul3A_678 = arith.constant 16 : i32
          %mul3A_679 = arith.muli %scan3A_605, %mul3A_678 : i32
          %swap3A_680 = arith.constant 4 : i32
          %swap3A_681 = arith.index_cast %swap3A_680 : i32 to index
          %swap3A_682 = arith.index_cast %mul3A_679 : i32 to index
          %swap3A_683 = tpu.vector_load %arg9[%swap3A_681, %swap3A_682] {strides = array<i32>} : memref<16x1024xf32, #tpu.memory_space<vmem>>, vector<16xf32>,
          tpu.vector_store %arg9[%swap3A_681, %swap3A_682], %gather3A_621 {strides = array<i32>} : memref<16x1024xf32, #tpu.memory_space<vmem>>, vector<16xf32>,
          %mul3A_684 = arith.constant 16 : i32
          %mul3A_685 = arith.muli %scan3A_605, %mul3A_684 : i32
          %swap3A_686 = arith.constant 5 : i32
          %swap3A_687 = arith.index_cast %swap3A_686 : i32 to index
          %swap3A_688 = arith.index_cast %mul3A_685 : i32 to index
          %swap3A_689 = tpu.vector_load %arg9[%swap3A_687, %swap3A_688] {strides = array<i32>} : memref<16x1024xf32, #tpu.memory_space<vmem>>, vector<16xf32>,
          tpu.vector_store %arg9[%swap3A_687, %swap3A_688], %gather3A_624 {strides = array<i32>} : memref<16x1024xf32, #tpu.memory_space<vmem>>, vector<16xf32>,
          %mul3A_690 = arith.constant 16 : i32
          %mul3A_691 = arith.muli %scan3A_605, %mul3A_690 : i32
          %swap3A_692 = arith.constant 6 : i32
          %swap3A_693 = arith.index_cast %swap3A_692 : i32 to index
          %swap3A_694 = arith.index_cast %mul3A_691 : i32 to index
          %swap3A_695 = tpu.vector_load %arg9[%swap3A_693, %swap3A_694] {strides = array<i32>} : memref<16x1024xf32, #tpu.memory_space<vmem>>, vector<16xf32>,
          tpu.vector_store %arg9[%swap3A_693, %swap3A_694], %gather3A_627 {strides = array<i32>} : memref<16x1024xf32, #tpu.memory_space<vmem>>, vector<16xf32>,
          %mul3A_696 = arith.constant 16 : i32
          %mul3A_697 = arith.muli %scan3A_605, %mul3A_696 : i32
          %swap3A_698 = arith.constant 7 : i32
          %swap3A_699 = arith.index_cast %swap3A_698 : i32 to index
          %swap3A_700 = arith.index_cast %mul3A_697 : i32 to index
          %swap3A_701 = tpu.vector_load %arg9[%swap3A_699, %swap3A_700] {strides = array<i32>} : memref<16x1024xf32, #tpu.memory_space<vmem>>, vector<16xf32>,
          tpu.vector_store %arg9[%swap3A_699, %swap3A_700], %gather3A_630 {strides = array<i32>} : memref<16x1024xf32, #tpu.memory_space<vmem>>, vector<16xf32>,
          %mul3A_702 = arith.constant 16 : i32
          %mul3A_703 = arith.muli %scan3A_605, %mul3A_702 : i32
          %swap3A_704 = arith.constant 8 : i32
          %swap3A_705 = arith.index_cast %swap3A_704 : i32 to index
          %swap3A_706 = arith.index_cast %mul3A_703 : i32 to index
          %swap3A_707 = tpu.vector_load %arg9[%swap3A_705, %swap3A_706] {strides = array<i32>} : memref<16x1024xf32, #tpu.memory_space<vmem>>, vector<16xf32>,
          tpu.vector_store %arg9[%swap3A_705, %swap3A_706], %gather3A_633 {strides = array<i32>} : memref<16x1024xf32, #tpu.memory_space<vmem>>, vector<16xf32>,
          %mul3A_708 = arith.constant 16 : i32
          %mul3A_709 = arith.muli %scan3A_605, %mul3A_708 : i32
          %swap3A_710 = arith.constant 9 : i32
          %swap3A_711 = arith.index_cast %swap3A_710 : i32 to index
          %swap3A_712 = arith.index_cast %mul3A_709 : i32 to index
          %swap3A_713 = tpu.vector_load %arg9[%swap3A_711, %swap3A_712] {strides = array<i32>} : memref<16x1024xf32, #tpu.memory_space<vmem>>, vector<16xf32>,
          tpu.vector_store %arg9[%swap3A_711, %swap3A_712], %gather3A_636 {strides = array<i32>} : memref<16x1024xf32, #tpu.memory_space<vmem>>, vector<16xf32>,
          %mul3A_714 = arith.constant 16 : i32
          %mul3A_715 = arith.muli %scan3A_605, %mul3A_714 : i32
          %swap3A_716 = arith.constant 10 : i32
          %swap3A_717 = arith.index_cast %swap3A_716 : i32 to index
          %swap3A_718 = arith.index_cast %mul3A_715 : i32 to index
          %swap3A_719 = tpu.vector_load %arg9[%swap3A_717, %swap3A_718] {strides = array<i32>} : memref<16x1024xf32, #tpu.memory_space<vmem>>, vector<16xf32>,
          tpu.vector_store %arg9[%swap3A_717, %swap3A_718], %gather3A_639 {strides = array<i32>} : memref<16x1024xf32, #tpu.memory_space<vmem>>, vector<16xf32>,
          %mul3A_720 = arith.constant 16 : i32
          %mul3A_721 = arith.muli %scan3A_605, %mul3A_720 : i32
          %swap3A_722 = arith.constant 11 : i32
          %swap3A_723 = arith.index_cast %swap3A_722 : i32 to index
          %swap3A_724 = arith.index_cast %mul3A_721 : i32 to index
          %swap3A_725 = tpu.vector_load %arg9[%swap3A_723, %swap3A_724] {strides = array<i32>} : memref<16x1024xf32, #tpu.memory_space<vmem>>, vector<16xf32>,
          tpu.vector_store %arg9[%swap3A_723, %swap3A_724], %gather3A_642 {strides = array<i32>} : memref<16x1024xf32, #tpu.memory_space<vmem>>, vector<16xf32>,
          %mul3A_726 = arith.constant 16 : i32
          %mul3A_727 = arith.muli %scan3A_605, %mul3A_726 : i32
          %swap3A_728 = arith.constant 12 : i32
          %swap3A_729 = arith.index_cast %swap3A_728 : i32 to index
          %swap3A_730 = arith.index_cast %mul3A_727 : i32 to index
          %swap3A_731 = tpu.vector_load %arg9[%swap3A_729, %swap3A_730] {strides = array<i32>} : memref<16x1024xf32, #tpu.memory_space<vmem>>, vector<16xf32>,
          tpu.vector_store %arg9[%swap3A_729, %swap3A_730], %gather3A_645 {strides = array<i32>} : memref<16x1024xf32, #tpu.memory_space<vmem>>, vector<16xf32>,
          %mul3A_732 = arith.constant 16 : i32
          %mul3A_733 = arith.muli %scan3A_605, %mul3A_732 : i32
          %swap3A_734 = arith.constant 13 : i32
          %swap3A_735 = arith.index_cast %swap3A_734 : i32 to index
          %swap3A_736 = arith.index_cast %mul3A_733 : i32 to index
          %swap3A_737 = tpu.vector_load %arg9[%swap3A_735, %swap3A_736] {strides = array<i32>} : memref<16x1024xf32, #tpu.memory_space<vmem>>, vector<16xf32>,
          tpu.vector_store %arg9[%swap3A_735, %swap3A_736], %gather3A_648 {strides = array<i32>} : memref<16x1024xf32, #tpu.memory_space<vmem>>, vector<16xf32>,
          %mul3A_738 = arith.constant 16 : i32
          %mul3A_739 = arith.muli %scan3A_605, %mul3A_738 : i32
          %swap3A_740 = arith.constant 14 : i32
          %swap3A_741 = arith.index_cast %swap3A_740 : i32 to index
          %swap3A_742 = arith.index_cast %mul3A_739 : i32 to index
          %swap3A_743 = tpu.vector_load %arg9[%swap3A_741, %swap3A_742] {strides = array<i32>} : memref<16x1024xf32, #tpu.memory_space<vmem>>, vector<16xf32>,
          tpu.vector_store %arg9[%swap3A_741, %swap3A_742], %gather3A_651 {strides = array<i32>} : memref<16x1024xf32, #tpu.memory_space<vmem>>, vector<16xf32>,
          %mul3A_744 = arith.constant 16 : i32
          %mul3A_745 = arith.muli %scan3A_605, %mul3A_744 : i32
          %swap3A_746 = arith.constant 15 : i32
          %swap3A_747 = arith.index_cast %swap3A_746 : i32 to index
          %swap3A_748 = arith.index_cast %mul3A_745 : i32 to index
          %swap3A_749 = tpu.vector_load %arg9[%swap3A_747, %swap3A_748] {strides = array<i32>} : memref<16x1024xf32, #tpu.memory_space<vmem>>, vector<16xf32>,
          tpu.vector_store %arg9[%swap3A_747, %swap3A_748], %gather3A_654 {strides = array<i32>} : memref<16x1024xf32, #tpu.memory_space<vmem>>, vector<16xf32>,
        }
        %scan3A_506 = arith.constant 64 : i32
        %jit3A_507 = arith.constant 2 : i32
        %div3A_508 = arith.divsi %add3A_348, %jit3A_507 : i32
        %sign3A_509 = arith.constant 0 : i32
        %sign3A_510 = arith.cmpi sgt, %add3A_348, %sign3A_509 : i32
        %sign3A_511 = arith.extui %sign3A_510 : i1 to i32
        %sign3A_512 = arith.constant 0 : i32
        %sign3A_513 = arith.cmpi slt, %add3A_348, %sign3A_512 : i32
        %sign3A_514 = arith.extui %sign3A_513 : i1 to i32
        %sign3A_515 = arith.subi %sign3A_511, %sign3A_514 : i32
        %sign3A_516 = arith.constant 0 : i32
        %sign3A_517 = arith.cmpi sgt, %jit3A_507, %sign3A_516 : i32
        %sign3A_518 = arith.extui %sign3A_517 : i1 to i32
        %sign3A_519 = arith.constant 0 : i32
        %sign3A_520 = arith.cmpi slt, %jit3A_507, %sign3A_519 : i32
        %sign3A_521 = arith.extui %sign3A_520 : i1 to i32
        %sign3A_522 = arith.subi %sign3A_518, %sign3A_521 : i32
        %ne3A_523 = arith.cmpi ne, %sign3A_515, %sign3A_522 : i32
        %rem3A_524 = arith.remsi %add3A_348, %jit3A_507 : i32
        %ne3A_525 = arith.constant 0 : i32
        %ne3A_526 = arith.cmpi ne, %rem3A_524, %ne3A_525 : i32
        %and3A_527 = arith.andi %ne3A_523, %ne3A_526 : i1
        %sub3A_528 = arith.constant 1 : i32
        %sub3A_529 = arith.subi %div3A_508, %sub3A_528 : i32
        %select_n3A_530 = arith.select %and3A_527, %sub3A_529, %div3A_508 : i32
        %jit3A_531 = arith.constant 2 : i32
        %eq3A_532 = arith.constant 0 : i32
        %eq3A_533 = arith.cmpi eq, %jit3A_531, %eq3A_532 : i32
        %jit3A_534 = arith.constant 1 : i32
        %select_n3A_535 = arith.select %eq3A_533, %jit3A_534, %jit3A_531 : i32
        %rem3A_536 = arith.remsi %add3A_348, %select_n3A_535 : i32
        %ne3A_537 = arith.constant 0 : i32
        %ne3A_538 = arith.cmpi ne, %rem3A_536, %ne3A_537 : i32
        %lt3A_539 = arith.constant 0 : i32
        %lt3A_540 = arith.cmpi slt, %rem3A_536, %lt3A_539 : i32
        %lt3A_541 = arith.constant 0 : i32
        %lt3A_542 = arith.cmpi slt, %select_n3A_535, %lt3A_541 : i32
        %ne3A_543 = arith.xori %lt3A_540, %lt3A_542 : i1
        %and3A_544 = arith.andi %ne3A_543, %ne3A_538 : i1
        %add3A_545 = arith.addi %rem3A_536, %select_n3A_535 : i32
        %select_n3A_546 = arith.select %and3A_544, %add3A_545, %rem3A_536 : i32
        %jit3A_547 = arith.constant 18 : i32
        %eq3A_548 = arith.constant 0 : i32
        %eq3A_549 = arith.cmpi eq, %jit3A_547, %eq3A_548 : i32
        %jit3A_550 = arith.constant 1 : i32
        %select_n3A_551 = arith.select %eq3A_549, %jit3A_550, %jit3A_547 : i32
        %rem3A_552 = arith.remsi %select_n3A_530, %select_n3A_551 : i32
        %ne3A_553 = arith.constant 0 : i32
        %ne3A_554 = arith.cmpi ne, %rem3A_552, %ne3A_553 : i32
        %lt3A_555 = arith.constant 0 : i32
        %lt3A_556 = arith.cmpi slt, %rem3A_552, %lt3A_555 : i32
        %lt3A_557 = arith.constant 0 : i32
        %lt3A_558 = arith.cmpi slt, %select_n3A_551, %lt3A_557 : i32
        %ne3A_559 = arith.xori %lt3A_556, %lt3A_558 : i1
        %and3A_560 = arith.andi %ne3A_559, %ne3A_554 : i1
        %add3A_561 = arith.addi %rem3A_552, %select_n3A_551 : i32
        %select_n3A_562 = arith.select %and3A_560, %add3A_561, %rem3A_552 : i32
        %add3A_563 = arith.constant 1 : i32
        %add3A_564 = arith.addi %select_n3A_562, %add3A_563 : i32
        %ge3A_565 = arith.constant 4 : i32
        %ge3A_566 = arith.cmpi sge, %select_n3A_562, %ge3A_565 : i32
        %convert_element_type3A_567 = arith.extui %ge3A_566 : i1 to i32
        %add3A_568 = arith.addi %add3A_564, %convert_element_type3A_567 : i32
        %jit3A_569 = arith.constant 18 : i32
        %div3A_570 = arith.divsi %select_n3A_530, %jit3A_569 : i32
        %sign3A_571 = arith.constant 0 : i32
        %sign3A_572 = arith.cmpi sgt, %select_n3A_530, %sign3A_571 : i32
        %sign3A_573 = arith.extui %sign3A_572 : i1 to i32
        %sign3A_574 = arith.constant 0 : i32
        %sign3A_575 = arith.cmpi slt, %select_n3A_530, %sign3A_574 : i32
        %sign3A_576 = arith.extui %sign3A_575 : i1 to i32
        %sign3A_577 = arith.subi %sign3A_573, %sign3A_576 : i32
        %sign3A_578 = arith.constant 0 : i32
        %sign3A_579 = arith.cmpi sgt, %jit3A_569, %sign3A_578 : i32
        %sign3A_580 = arith.extui %sign3A_579 : i1 to i32
        %sign3A_581 = arith.constant 0 : i32
        %sign3A_582 = arith.cmpi slt, %jit3A_569, %sign3A_581 : i32
        %sign3A_583 = arith.extui %sign3A_582 : i1 to i32
        %sign3A_584 = arith.subi %sign3A_580, %sign3A_583 : i32
        %ne3A_585 = arith.cmpi ne, %sign3A_577, %sign3A_584 : i32
        %rem3A_586 = arith.remsi %select_n3A_530, %jit3A_569 : i32
        %ne3A_587 = arith.constant 0 : i32
        %ne3A_588 = arith.cmpi ne, %rem3A_586, %ne3A_587 : i32
        %and3A_589 = arith.andi %ne3A_585, %ne3A_588 : i1
        %sub3A_590 = arith.constant 1 : i32
        %sub3A_591 = arith.subi %div3A_570, %sub3A_590 : i32
        %select_n3A_592 = arith.select %and3A_589, %sub3A_591, %div3A_570 : i32
        %mul3A_593 = arith.constant 32 : i32
        %mul3A_594 = arith.muli %mul3A_593, %select_n3A_562 : i32
        %mul3A_595 = arith.constant 16 : i32
        %mul3A_596 = arith.muli %mul3A_595, %select_n3A_546 : i32
        %add3A_597 = arith.addi %mul3A_594, %mul3A_596 : i32
        %multiple_of3A_598 = tpu.assume_multiple %add3A_597, 16 : i32
        %dma_start3A_599 = arith.constant 0 : i32
        %dma_start3A_600 = tpu.memref_slice %arg4[%select_n3A_592, %multiple_of3A_598, %dma_start3A_599] : memref<20x576x1024xf32, #tpu.memory_space<hbm>> -> memref<1x16x1024xf32, #tpu.memory_space<hbm>>
        %dma_start3A_601 = tpu.memref_squeeze %dma_start3A_600 : memref<1x16x1024xf32, #tpu.memory_space<hbm>> -> memref<16x1024xf32, #tpu.memory_space<hbm>>
        %dma_start3A_602 = arith.constant 0 : i32
        %dma_start3A_603 = tpu.memref_slice %arg4[%select_n3A_592, %multiple_of3A_598, %dma_start3A_602] : memref<20x576x1024xf32, #tpu.memory_space<hbm>> -> memref<1x16x1024xf32, #tpu.memory_space<hbm>>
        %dma_start3A_604 = tpu.memref_squeeze %dma_start3A_603 : memref<1x16x1024xf32, #tpu.memory_space<hbm>> -> memref<16x1024xf32, #tpu.memory_space<hbm>>
        tpu.enqueue_dma source(%arg9 : memref<16x1024xf32, #tpu.memory_space<vmem>>) target(%dma_start3A_604 : memref<16x1024xf32, #tpu.memory_space<hbm>>) target_semaphore(%arg13 : memref<!tpu.dma_semaphore, #tpu.memory_space<semaphore_mem>>)
      } else {
      }
      %jit3A_369 = arith.constant 2 : i32
      %eq3A_370 = arith.constant 0 : i32
      %eq3A_371 = arith.cmpi eq, %jit3A_369, %eq3A_370 : i32
      %jit3A_372 = arith.constant 1 : i32
      %select_n3A_373 = arith.select %eq3A_371, %jit3A_372, %jit3A_369 : i32
      %rem3A_374 = arith.remsi %while3A_347, %select_n3A_373 : i32
      %ne3A_375 = arith.constant 0 : i32
      %ne3A_376 = arith.cmpi ne, %rem3A_374, %ne3A_375 : i32
      %lt3A_377 = arith.constant 0 : i32
      %lt3A_378 = arith.cmpi slt, %rem3A_374, %lt3A_377 : i32
      %lt3A_379 = arith.constant 0 : i32
      %lt3A_380 = arith.cmpi slt, %select_n3A_373, %lt3A_379 : i32
      %ne3A_381 = arith.xori %lt3A_378, %lt3A_380 : i1
      %and3A_382 = arith.andi %ne3A_381, %ne3A_376 : i1
      %add3A_383 = arith.addi %rem3A_374, %select_n3A_373 : i32
      %select_n3A_384 = arith.select %and3A_382, %add3A_383, %rem3A_374 : i32
      %eq3A_385 = arith.constant 1 : i32
      %eq3A_386 = arith.cmpi eq, %select_n3A_384, %eq3A_385 : i32
      %convert_element_type3A_387 = arith.extui %eq3A_386 : i1 to i32
      %cond3A_388 = arith.constant 0 : i32
      %cond3A_389 = arith.cmpi ne, %convert_element_type3A_387, %cond3A_388 : i32
      scf.if %cond3A_389 {
        %jit3A_390 = arith.constant 2 : i32
        %div3A_391 = arith.divsi %add3A_348, %jit3A_390 : i32
        %sign3A_392 = arith.constant 0 : i32
        %sign3A_393 = arith.cmpi sgt, %add3A_348, %sign3A_392 : i32
        %sign3A_394 = arith.extui %sign3A_393 : i1 to i32
        %sign3A_395 = arith.constant 0 : i32
        %sign3A_396 = arith.cmpi slt, %add3A_348, %sign3A_395 : i32
        %sign3A_397 = arith.extui %sign3A_396 : i1 to i32
        %sign3A_398 = arith.subi %sign3A_394, %sign3A_397 : i32
        %sign3A_399 = arith.constant 0 : i32
        %sign3A_400 = arith.cmpi sgt, %jit3A_390, %sign3A_399 : i32
        %sign3A_401 = arith.extui %sign3A_400 : i1 to i32
        %sign3A_402 = arith.constant 0 : i32
        %sign3A_403 = arith.cmpi slt, %jit3A_390, %sign3A_402 : i32
        %sign3A_404 = arith.extui %sign3A_403 : i1 to i32
        %sign3A_405 = arith.subi %sign3A_401, %sign3A_404 : i32
        %ne3A_406 = arith.cmpi ne, %sign3A_398, %sign3A_405 : i32
        %rem3A_407 = arith.remsi %add3A_348, %jit3A_390 : i32
        %ne3A_408 = arith.constant 0 : i32
        %ne3A_409 = arith.cmpi ne, %rem3A_407, %ne3A_408 : i32
        %and3A_410 = arith.andi %ne3A_406, %ne3A_409 : i1
        %sub3A_411 = arith.constant 1 : i32
        %sub3A_412 = arith.subi %div3A_391, %sub3A_411 : i32
        %select_n3A_413 = arith.select %and3A_410, %sub3A_412, %div3A_391 : i32
        %jit3A_414 = arith.constant 2 : i32
        %eq3A_415 = arith.constant 0 : i32
        %eq3A_416 = arith.cmpi eq, %jit3A_414, %eq3A_415 : i32
        %jit3A_417 = arith.constant 1 : i32
        %select_n3A_418 = arith.select %eq3A_416, %jit3A_417, %jit3A_414 : i32
        %rem3A_419 = arith.remsi %add3A_348, %select_n3A_418 : i32
        %ne3A_420 = arith.constant 0 : i32
        %ne3A_421 = arith.cmpi ne, %rem3A_419, %ne3A_420 : i32
        %lt3A_422 = arith.constant 0 : i32
        %lt3A_423 = arith.cmpi slt, %rem3A_419, %lt3A_422 : i32
        %lt3A_424 = arith.constant 0 : i32
        %lt3A_425 = arith.cmpi slt, %select_n3A_418, %lt3A_424 : i32
        %ne3A_426 = arith.xori %lt3A_423, %lt3A_425 : i1
        %and3A_427 = arith.andi %ne3A_426, %ne3A_421 : i1
        %add3A_428 = arith.addi %rem3A_419, %select_n3A_418 : i32
        %select_n3A_429 = arith.select %and3A_427, %add3A_428, %rem3A_419 : i32
        %jit3A_430 = arith.constant 18 : i32
        %eq3A_431 = arith.constant 0 : i32
        %eq3A_432 = arith.cmpi eq, %jit3A_430, %eq3A_431 : i32
        %jit3A_433 = arith.constant 1 : i32
        %select_n3A_434 = arith.select %eq3A_432, %jit3A_433, %jit3A_430 : i32
        %rem3A_435 = arith.remsi %select_n3A_413, %select_n3A_434 : i32
        %ne3A_436 = arith.constant 0 : i32
        %ne3A_437 = arith.cmpi ne, %rem3A_435, %ne3A_436 : i32
        %lt3A_438 = arith.constant 0 : i32
        %lt3A_439 = arith.cmpi slt, %rem3A_435, %lt3A_438 : i32
        %lt3A_440 = arith.constant 0 : i32
        %lt3A_441 = arith.cmpi slt, %select_n3A_434, %lt3A_440 : i32
        %ne3A_442 = arith.xori %lt3A_439, %lt3A_441 : i1
        %and3A_443 = arith.andi %ne3A_442, %ne3A_437 : i1
        %add3A_444 = arith.addi %rem3A_435, %select_n3A_434 : i32
        %select_n3A_445 = arith.select %and3A_443, %add3A_444, %rem3A_435 : i32
        %add3A_446 = arith.constant 1 : i32
        %add3A_447 = arith.addi %select_n3A_445, %add3A_446 : i32
        %ge3A_448 = arith.constant 4 : i32
        %ge3A_449 = arith.cmpi sge, %select_n3A_445, %ge3A_448 : i32
        %convert_element_type3A_450 = arith.extui %ge3A_449 : i1 to i32
        %add3A_451 = arith.addi %add3A_447, %convert_element_type3A_450 : i32
        %jit3A_452 = arith.constant 18 : i32
        %div3A_453 = arith.divsi %select_n3A_413, %jit3A_452 : i32
        %sign3A_454 = arith.constant 0 : i32
        %sign3A_455 = arith.cmpi sgt, %select_n3A_413, %sign3A_454 : i32
        %sign3A_456 = arith.extui %sign3A_455 : i1 to i32
        %sign3A_457 = arith.constant 0 : i32
        %sign3A_458 = arith.cmpi slt, %select_n3A_413, %sign3A_457 : i32
        %sign3A_459 = arith.extui %sign3A_458 : i1 to i32
        %sign3A_460 = arith.subi %sign3A_456, %sign3A_459 : i32
        %sign3A_461 = arith.constant 0 : i32
        %sign3A_462 = arith.cmpi sgt, %jit3A_452, %sign3A_461 : i32
        %sign3A_463 = arith.extui %sign3A_462 : i1 to i32
        %sign3A_464 = arith.constant 0 : i32
        %sign3A_465 = arith.cmpi slt, %jit3A_452, %sign3A_464 : i32
        %sign3A_466 = arith.extui %sign3A_465 : i1 to i32
        %sign3A_467 = arith.subi %sign3A_463, %sign3A_466 : i32
        %ne3A_468 = arith.cmpi ne, %sign3A_460, %sign3A_467 : i32
        %rem3A_469 = arith.remsi %select_n3A_413, %jit3A_452 : i32
        %ne3A_470 = arith.constant 0 : i32
        %ne3A_471 = arith.cmpi ne, %rem3A_469, %ne3A_470 : i32
        %and3A_472 = arith.andi %ne3A_468, %ne3A_471 : i1
        %sub3A_473 = arith.constant 1 : i32
        %sub3A_474 = arith.subi %div3A_453, %sub3A_473 : i32
        %select_n3A_475 = arith.select %and3A_472, %sub3A_474, %div3A_453 : i32
        %mul3A_476 = arith.constant 16 : i32
        %mul3A_477 = arith.muli %mul3A_476, %select_n3A_429 : i32
        %multiple_of3A_478 = tpu.assume_multiple %mul3A_477, 16 : i32
        %dma_wait3A_479 = arith.constant 0 : i32
        %dma_wait3A_480 = tpu.memref_slice %arg3[%select_n3A_475, %add3A_451, %dma_wait3A_479] : memref<20x20x1024xi32, #tpu.memory_space<hbm>> -> memref<1x1x1024xi32, #tpu.memory_space<hbm>>
        %dma_wait3A_481 = tpu.memref_squeeze %dma_wait3A_480 : memref<1x1x1024xi32, #tpu.memory_space<hbm>> -> memref<1024xi32, #tpu.memory_space<hbm>>
        %dma_wait3A_482 = arith.constant 0 : i32
        %dma_wait3A_483 = tpu.memref_slice %arg3[%select_n3A_475, %add3A_451, %dma_wait3A_482] : memref<20x20x1024xi32, #tpu.memory_space<hbm>> -> memref<1x1x1024xi32, #tpu.memory_space<hbm>>
        %dma_wait3A_484 = tpu.memref_squeeze %dma_wait3A_483 : memref<1x1x1024xi32, #tpu.memory_space<hbm>> -> memref<1024xi32, #tpu.memory_space<hbm>>
        tpu.wait_dma2 semaphore(%arg12 : memref<!tpu.dma_semaphore, #tpu.memory_space<semaphore_mem>>) src(%dma_wait3A_484 : memref<1024xi32, #tpu.memory_space<hbm>>) dst(%arg6 : memref<1024xi32, #tpu.memory_space<vmem>>)
        %dma_wait3A_485 = arith.constant 0 : i32
        %dma_wait3A_486 = tpu.memref_slice %arg2[%select_n3A_475, %select_n3A_445, %multiple_of3A_478, %dma_wait3A_485] : memref<20x18x32x1002xf32, #tpu.memory_space<hbm>> -> memref<1x1x16x1002xf32, #tpu.memory_space<hbm>>
        %dma_wait3A_487 = tpu.memref_squeeze %dma_wait3A_486 : memref<1x1x16x1002xf32, #tpu.memory_space<hbm>> -> memref<16x1002xf32, #tpu.memory_space<hbm>>
        %dma_wait3A_488 = arith.constant 0 : i32
        %dma_wait3A_489 = tpu.memref_slice %arg2[%select_n3A_475, %select_n3A_445, %multiple_of3A_478, %dma_wait3A_488] : memref<20x18x32x1002xf32, #tpu.memory_space<hbm>> -> memref<1x1x16x1002xf32, #tpu.memory_space<hbm>>
        %dma_wait3A_490 = tpu.memref_squeeze %dma_wait3A_489 : memref<1x1x16x1002xf32, #tpu.memory_space<hbm>> -> memref<16x1002xf32, #tpu.memory_space<hbm>>
        tpu.wait_dma2 semaphore(%arg12 : memref<!tpu.dma_semaphore, #tpu.memory_space<semaphore_mem>>) src(%dma_wait3A_490 : memref<16x1002xf32, #tpu.memory_space<hbm>>) dst(%arg8 : memref<16x1002xf32, #tpu.memory_space<vmem>>)
        %add3A_491 = arith.constant 1 : i32
        %add3A_492 = arith.addi %add3A_348, %add3A_491 : i32
        %lt3A_493 = arith.cmpi slt, %add3A_492, %select_n3A_46 : i32
        %convert_element_type3A_494 = arith.extui %lt3A_493 : i1 to i32
        %cond3A_495 = arith.constant 0 : i32
        %cond3A_496 = arith.cmpi ne, %convert_element_type3A_494, %cond3A_495 : i32
        scf.if %cond3A_496 {
          %add3A_605 = arith.constant 1 : i32
          %add3A_606 = arith.addi %add3A_348, %add3A_605 : i32
          %jit3A_607 = arith.constant 2 : i32
          %div3A_608 = arith.divsi %add3A_606, %jit3A_607 : i32
          %sign3A_609 = arith.constant 0 : i32
          %sign3A_610 = arith.cmpi sgt, %add3A_606, %sign3A_609 : i32
          %sign3A_611 = arith.extui %sign3A_610 : i1 to i32
          %sign3A_612 = arith.constant 0 : i32
          %sign3A_613 = arith.cmpi slt, %add3A_606, %sign3A_612 : i32
          %sign3A_614 = arith.extui %sign3A_613 : i1 to i32
          %sign3A_615 = arith.subi %sign3A_611, %sign3A_614 : i32
          %sign3A_616 = arith.constant 0 : i32
          %sign3A_617 = arith.cmpi sgt, %jit3A_607, %sign3A_616 : i32
          %sign3A_618 = arith.extui %sign3A_617 : i1 to i32
          %sign3A_619 = arith.constant 0 : i32
          %sign3A_620 = arith.cmpi slt, %jit3A_607, %sign3A_619 : i32
          %sign3A_621 = arith.extui %sign3A_620 : i1 to i32
          %sign3A_622 = arith.subi %sign3A_618, %sign3A_621 : i32
          %ne3A_623 = arith.cmpi ne, %sign3A_615, %sign3A_622 : i32
          %rem3A_624 = arith.remsi %add3A_606, %jit3A_607 : i32
          %ne3A_625 = arith.constant 0 : i32
          %ne3A_626 = arith.cmpi ne, %rem3A_624, %ne3A_625 : i32
          %and3A_627 = arith.andi %ne3A_623, %ne3A_626 : i1
          %sub3A_628 = arith.constant 1 : i32
          %sub3A_629 = arith.subi %div3A_608, %sub3A_628 : i32
          %select_n3A_630 = arith.select %and3A_627, %sub3A_629, %div3A_608 : i32
          %jit3A_631 = arith.constant 2 : i32
          %eq3A_632 = arith.constant 0 : i32
          %eq3A_633 = arith.cmpi eq, %jit3A_631, %eq3A_632 : i32
          %jit3A_634 = arith.constant 1 : i32
          %select_n3A_635 = arith.select %eq3A_633, %jit3A_634, %jit3A_631 : i32
          %rem3A_636 = arith.remsi %add3A_606, %select_n3A_635 : i32
          %ne3A_637 = arith.constant 0 : i32
          %ne3A_638 = arith.cmpi ne, %rem3A_636, %ne3A_637 : i32
          %lt3A_639 = arith.constant 0 : i32
          %lt3A_640 = arith.cmpi slt, %rem3A_636, %lt3A_639 : i32
          %lt3A_641 = arith.constant 0 : i32
          %lt3A_642 = arith.cmpi slt, %select_n3A_635, %lt3A_641 : i32
          %ne3A_643 = arith.xori %lt3A_640, %lt3A_642 : i1
          %and3A_644 = arith.andi %ne3A_643, %ne3A_638 : i1
          %add3A_645 = arith.addi %rem3A_636, %select_n3A_635 : i32
          %select_n3A_646 = arith.select %and3A_644, %add3A_645, %rem3A_636 : i32
          %jit3A_647 = arith.constant 18 : i32
          %eq3A_648 = arith.constant 0 : i32
          %eq3A_649 = arith.cmpi eq, %jit3A_647, %eq3A_648 : i32
          %jit3A_650 = arith.constant 1 : i32
          %select_n3A_651 = arith.select %eq3A_649, %jit3A_650, %jit3A_647 : i32
          %rem3A_652 = arith.remsi %select_n3A_630, %select_n3A_651 : i32
          %ne3A_653 = arith.constant 0 : i32
          %ne3A_654 = arith.cmpi ne, %rem3A_652, %ne3A_653 : i32
          %lt3A_655 = arith.constant 0 : i32
          %lt3A_656 = arith.cmpi slt, %rem3A_652, %lt3A_655 : i32
          %lt3A_657 = arith.constant 0 : i32
          %lt3A_658 = arith.cmpi slt, %select_n3A_651, %lt3A_657 : i32
          %ne3A_659 = arith.xori %lt3A_656, %lt3A_658 : i1
          %and3A_660 = arith.andi %ne3A_659, %ne3A_654 : i1
          %add3A_661 = arith.addi %rem3A_652, %select_n3A_651 : i32
          %select_n3A_662 = arith.select %and3A_660, %add3A_661, %rem3A_652 : i32
          %add3A_663 = arith.constant 1 : i32
          %add3A_664 = arith.addi %select_n3A_662, %add3A_663 : i32
          %ge3A_665 = arith.constant 4 : i32
          %ge3A_666 = arith.cmpi sge, %select_n3A_662, %ge3A_665 : i32
          %convert_element_type3A_667 = arith.extui %ge3A_666 : i1 to i32
          %add3A_668 = arith.addi %add3A_664, %convert_element_type3A_667 : i32
          %jit3A_669 = arith.constant 18 : i32
          %div3A_670 = arith.divsi %select_n3A_630, %jit3A_669 : i32
          %sign3A_671 = arith.constant 0 : i32
          %sign3A_672 = arith.cmpi sgt, %select_n3A_630, %sign3A_671 : i32
          %sign3A_673 = arith.extui %sign3A_672 : i1 to i32
          %sign3A_674 = arith.constant 0 : i32
          %sign3A_675 = arith.cmpi slt, %select_n3A_630, %sign3A_674 : i32
          %sign3A_676 = arith.extui %sign3A_675 : i1 to i32
          %sign3A_677 = arith.subi %sign3A_673, %sign3A_676 : i32
          %sign3A_678 = arith.constant 0 : i32
          %sign3A_679 = arith.cmpi sgt, %jit3A_669, %sign3A_678 : i32
          %sign3A_680 = arith.extui %sign3A_679 : i1 to i32
          %sign3A_681 = arith.constant 0 : i32
          %sign3A_682 = arith.cmpi slt, %jit3A_669, %sign3A_681 : i32
          %sign3A_683 = arith.extui %sign3A_682 : i1 to i32
          %sign3A_684 = arith.subi %sign3A_680, %sign3A_683 : i32
          %ne3A_685 = arith.cmpi ne, %sign3A_677, %sign3A_684 : i32
          %rem3A_686 = arith.remsi %select_n3A_630, %jit3A_669 : i32
          %ne3A_687 = arith.constant 0 : i32
          %ne3A_688 = arith.cmpi ne, %rem3A_686, %ne3A_687 : i32
          %and3A_689 = arith.andi %ne3A_685, %ne3A_688 : i1
          %sub3A_690 = arith.constant 1 : i32
          %sub3A_691 = arith.subi %div3A_670, %sub3A_690 : i32
          %select_n3A_692 = arith.select %and3A_689, %sub3A_691, %div3A_670 : i32
          %mul3A_693 = arith.constant 16 : i32
          %mul3A_694 = arith.muli %mul3A_693, %select_n3A_646 : i32
          %multiple_of3A_695 = tpu.assume_multiple %mul3A_694, 16 : i32
          %dma_start3A_696 = arith.constant 0 : i32
          %dma_start3A_697 = tpu.memref_slice %arg3[%select_n3A_692, %add3A_668, %dma_start3A_696] : memref<20x20x1024xi32, #tpu.memory_space<hbm>> -> memref<1x1x1024xi32, #tpu.memory_space<hbm>>
          %dma_start3A_698 = tpu.memref_squeeze %dma_start3A_697 : memref<1x1x1024xi32, #tpu.memory_space<hbm>> -> memref<1024xi32, #tpu.memory_space<hbm>>
          %dma_start3A_699 = arith.constant 0 : i32
          %dma_start3A_700 = tpu.memref_slice %arg3[%select_n3A_692, %add3A_668, %dma_start3A_699] : memref<20x20x1024xi32, #tpu.memory_space<hbm>> -> memref<1x1x1024xi32, #tpu.memory_space<hbm>>
          %dma_start3A_701 = tpu.memref_squeeze %dma_start3A_700 : memref<1x1x1024xi32, #tpu.memory_space<hbm>> -> memref<1024xi32, #tpu.memory_space<hbm>>
          tpu.enqueue_dma source(%dma_start3A_701 : memref<1024xi32, #tpu.memory_space<hbm>>) target(%arg5 : memref<1024xi32, #tpu.memory_space<vmem>>) target_semaphore(%arg11 : memref<!tpu.dma_semaphore, #tpu.memory_space<semaphore_mem>>)
          %dma_start3A_702 = arith.constant 0 : i32
          %dma_start3A_703 = tpu.memref_slice %arg2[%select_n3A_692, %select_n3A_662, %multiple_of3A_695, %dma_start3A_702] : memref<20x18x32x1002xf32, #tpu.memory_space<hbm>> -> memref<1x1x16x1002xf32, #tpu.memory_space<hbm>>
          %dma_start3A_704 = tpu.memref_squeeze %dma_start3A_703 : memref<1x1x16x1002xf32, #tpu.memory_space<hbm>> -> memref<16x1002xf32, #tpu.memory_space<hbm>>
          %dma_start3A_705 = arith.constant 0 : i32
          %dma_start3A_706 = tpu.memref_slice %arg2[%select_n3A_692, %select_n3A_662, %multiple_of3A_695, %dma_start3A_705] : memref<20x18x32x1002xf32, #tpu.memory_space<hbm>> -> memref<1x1x16x1002xf32, #tpu.memory_space<hbm>>
          %dma_start3A_707 = tpu.memref_squeeze %dma_start3A_706 : memref<1x1x16x1002xf32, #tpu.memory_space<hbm>> -> memref<16x1002xf32, #tpu.memory_space<hbm>>
          tpu.enqueue_dma source(%dma_start3A_707 : memref<16x1002xf32, #tpu.memory_space<hbm>>) target(%arg7 : memref<16x1002xf32, #tpu.memory_space<vmem>>) target_semaphore(%arg11 : memref<!tpu.dma_semaphore, #tpu.memory_space<semaphore_mem>>)
        } else {
        }
        %ge3A_497 = arith.constant 2 : i32
        %ge3A_498 = arith.cmpi sge, %while3A_347, %ge3A_497 : i32
        %convert_element_type3A_499 = arith.extui %ge3A_498 : i1 to i32
        %cond3A_500 = arith.constant 0 : i32
        %cond3A_501 = arith.cmpi ne, %convert_element_type3A_499, %cond3A_500 : i32
        scf.if %cond3A_501 {
          %jit3A_605 = arith.constant 2 : i32
          %div3A_606 = arith.divsi %add3A_348, %jit3A_605 : i32
          %sign3A_607 = arith.constant 0 : i32
          %sign3A_608 = arith.cmpi sgt, %add3A_348, %sign3A_607 : i32
          %sign3A_609 = arith.extui %sign3A_608 : i1 to i32
          %sign3A_610 = arith.constant 0 : i32
          %sign3A_611 = arith.cmpi slt, %add3A_348, %sign3A_610 : i32
          %sign3A_612 = arith.extui %sign3A_611 : i1 to i32
          %sign3A_613 = arith.subi %sign3A_609, %sign3A_612 : i32
          %sign3A_614 = arith.constant 0 : i32
          %sign3A_615 = arith.cmpi sgt, %jit3A_605, %sign3A_614 : i32
          %sign3A_616 = arith.extui %sign3A_615 : i1 to i32
          %sign3A_617 = arith.constant 0 : i32
          %sign3A_618 = arith.cmpi slt, %jit3A_605, %sign3A_617 : i32
          %sign3A_619 = arith.extui %sign3A_618 : i1 to i32
          %sign3A_620 = arith.subi %sign3A_616, %sign3A_619 : i32
          %ne3A_621 = arith.cmpi ne, %sign3A_613, %sign3A_620 : i32
          %rem3A_622 = arith.remsi %add3A_348, %jit3A_605 : i32
          %ne3A_623 = arith.constant 0 : i32
          %ne3A_624 = arith.cmpi ne, %rem3A_622, %ne3A_623 : i32
          %and3A_625 = arith.andi %ne3A_621, %ne3A_624 : i1
          %sub3A_626 = arith.constant 1 : i32
          %sub3A_627 = arith.subi %div3A_606, %sub3A_626 : i32
          %select_n3A_628 = arith.select %and3A_625, %sub3A_627, %div3A_606 : i32
          %jit3A_629 = arith.constant 2 : i32
          %eq3A_630 = arith.constant 0 : i32
          %eq3A_631 = arith.cmpi eq, %jit3A_629, %eq3A_630 : i32
          %jit3A_632 = arith.constant 1 : i32
          %select_n3A_633 = arith.select %eq3A_631, %jit3A_632, %jit3A_629 : i32
          %rem3A_634 = arith.remsi %add3A_348, %select_n3A_633 : i32
          %ne3A_635 = arith.constant 0 : i32
          %ne3A_636 = arith.cmpi ne, %rem3A_634, %ne3A_635 : i32
          %lt3A_637 = arith.constant 0 : i32
          %lt3A_638 = arith.cmpi slt, %rem3A_634, %lt3A_637 : i32
          %lt3A_639 = arith.constant 0 : i32
          %lt3A_640 = arith.cmpi slt, %select_n3A_633, %lt3A_639 : i32
          %ne3A_641 = arith.xori %lt3A_638, %lt3A_640 : i1
          %and3A_642 = arith.andi %ne3A_641, %ne3A_636 : i1
          %add3A_643 = arith.addi %rem3A_634, %select_n3A_633 : i32
          %select_n3A_644 = arith.select %and3A_642, %add3A_643, %rem3A_634 : i32
          %jit3A_645 = arith.constant 18 : i32
          %eq3A_646 = arith.constant 0 : i32
          %eq3A_647 = arith.cmpi eq, %jit3A_645, %eq3A_646 : i32
          %jit3A_648 = arith.constant 1 : i32
          %select_n3A_649 = arith.select %eq3A_647, %jit3A_648, %jit3A_645 : i32
          %rem3A_650 = arith.remsi %select_n3A_628, %select_n3A_649 : i32
          %ne3A_651 = arith.constant 0 : i32
          %ne3A_652 = arith.cmpi ne, %rem3A_650, %ne3A_651 : i32
          %lt3A_653 = arith.constant 0 : i32
          %lt3A_654 = arith.cmpi slt, %rem3A_650, %lt3A_653 : i32
          %lt3A_655 = arith.constant 0 : i32
          %lt3A_656 = arith.cmpi slt, %select_n3A_649, %lt3A_655 : i32
          %ne3A_657 = arith.xori %lt3A_654, %lt3A_656 : i1
          %and3A_658 = arith.andi %ne3A_657, %ne3A_652 : i1
          %add3A_659 = arith.addi %rem3A_650, %select_n3A_649 : i32
          %select_n3A_660 = arith.select %and3A_658, %add3A_659, %rem3A_650 : i32
          %add3A_661 = arith.constant 1 : i32
          %add3A_662 = arith.addi %select_n3A_660, %add3A_661 : i32
          %ge3A_663 = arith.constant 4 : i32
          %ge3A_664 = arith.cmpi sge, %select_n3A_660, %ge3A_663 : i32
          %convert_element_type3A_665 = arith.extui %ge3A_664 : i1 to i32
          %add3A_666 = arith.addi %add3A_662, %convert_element_type3A_665 : i32
          %jit3A_667 = arith.constant 18 : i32
          %div3A_668 = arith.divsi %select_n3A_628, %jit3A_667 : i32
          %sign3A_669 = arith.constant 0 : i32
          %sign3A_670 = arith.cmpi sgt, %select_n3A_628, %sign3A_669 : i32
          %sign3A_671 = arith.extui %sign3A_670 : i1 to i32
          %sign3A_672 = arith.constant 0 : i32
          %sign3A_673 = arith.cmpi slt, %select_n3A_628, %sign3A_672 : i32
          %sign3A_674 = arith.extui %sign3A_673 : i1 to i32
          %sign3A_675 = arith.subi %sign3A_671, %sign3A_674 : i32
          %sign3A_676 = arith.constant 0 : i32
          %sign3A_677 = arith.cmpi sgt, %jit3A_667, %sign3A_676 : i32
          %sign3A_678 = arith.extui %sign3A_677 : i1 to i32
          %sign3A_679 = arith.constant 0 : i32
          %sign3A_680 = arith.cmpi slt, %jit3A_667, %sign3A_679 : i32
          %sign3A_681 = arith.extui %sign3A_680 : i1 to i32
          %sign3A_682 = arith.subi %sign3A_678, %sign3A_681 : i32
          %ne3A_683 = arith.cmpi ne, %sign3A_675, %sign3A_682 : i32
          %rem3A_684 = arith.remsi %select_n3A_628, %jit3A_667 : i32
          %ne3A_685 = arith.constant 0 : i32
          %ne3A_686 = arith.cmpi ne, %rem3A_684, %ne3A_685 : i32
          %and3A_687 = arith.andi %ne3A_683, %ne3A_686 : i1
          %sub3A_688 = arith.constant 1 : i32
          %sub3A_689 = arith.subi %div3A_668, %sub3A_688 : i32
          %select_n3A_690 = arith.select %and3A_687, %sub3A_689, %div3A_668 : i32
          %mul3A_691 = arith.constant 32 : i32
          %mul3A_692 = arith.muli %mul3A_691, %select_n3A_660 : i32
          %mul3A_693 = arith.constant 16 : i32
          %mul3A_694 = arith.muli %mul3A_693, %select_n3A_644 : i32
          %add3A_695 = arith.addi %mul3A_692, %mul3A_694 : i32
          %multiple_of3A_696 = tpu.assume_multiple %add3A_695, 16 : i32
          %dma_wait3A_697 = arith.constant 0 : i32
          %dma_wait3A_698 = tpu.memref_slice %arg4[%select_n3A_690, %multiple_of3A_696, %dma_wait3A_697] : memref<20x576x1024xf32, #tpu.memory_space<hbm>> -> memref<1x16x1024xf32, #tpu.memory_space<hbm>>
          %dma_wait3A_699 = tpu.memref_squeeze %dma_wait3A_698 : memref<1x16x1024xf32, #tpu.memory_space<hbm>> -> memref<16x1024xf32, #tpu.memory_space<hbm>>
          %dma_wait3A_700 = arith.constant 0 : i32
          %dma_wait3A_701 = tpu.memref_slice %arg4[%select_n3A_690, %multiple_of3A_696, %dma_wait3A_700] : memref<20x576x1024xf32, #tpu.memory_space<hbm>> -> memref<1x16x1024xf32, #tpu.memory_space<hbm>>
          %dma_wait3A_702 = tpu.memref_squeeze %dma_wait3A_701 : memref<1x16x1024xf32, #tpu.memory_space<hbm>> -> memref<16x1024xf32, #tpu.memory_space<hbm>>
          tpu.wait_dma2 semaphore(%arg14 : memref<!tpu.dma_semaphore, #tpu.memory_space<semaphore_mem>>) src(%arg10 : memref<16x1024xf32, #tpu.memory_space<vmem>>) dst(%dma_wait3A_702 : memref<16x1024xf32, #tpu.memory_space<hbm>>)
        } else {
        }
        %scan3A = arith.constant 0 : i32
        %scan3A_502 = arith.constant 0 : i32
        %scan3A_503 = arith.constant 64 : i32
        %scan3A_504 = arith.addi %scan3A_502, %scan3A_503 : i32
        %scan3A_505 = arith.constant 1 : i32
        scf.for %scan3A_605 = %scan3A_502 to %scan3A_504 step %scan3A_505  : i32 {
          %mul3A_606 = arith.constant 16 : i32
          %mul3A_607 = arith.muli %scan3A_605, %mul3A_606 : i32
          %get3A = arith.index_cast %mul3A_607 : i32 to index
          %get3A_608 = tpu.vector_load %arg6[%get3A] {strides = array<i32>} : memref<1024xi32, #tpu.memory_space<vmem>>, vector<16xi32>,
          %broadcast_in_dim3A = arith.constant 0 : i32
          %broadcast_in_dim3A_609 = vector.broadcast %broadcast_in_dim3A : i32 to vector<16xi32>
          %gather3A = tpu.vector_load_idx %arg8[%broadcast_in_dim3A_609, %get3A_608] : memref<16x1002xf32, #tpu.memory_space<vmem>>[vector<16xi32>, vector<16xi32>], vector<16xf32>,
          %broadcast_in_dim3A_610 = arith.constant 1 : i32
          %broadcast_in_dim3A_611 = vector.broadcast %broadcast_in_dim3A_610 : i32 to vector<16xi32>
          %gather3A_612 = tpu.vector_load_idx %arg8[%broadcast_in_dim3A_611, %get3A_608] : memref<16x1002xf32, #tpu.memory_space<vmem>>[vector<16xi32>, vector<16xi32>], vector<16xf32>,
          %broadcast_in_dim3A_613 = arith.constant 2 : i32
          %broadcast_in_dim3A_614 = vector.broadcast %broadcast_in_dim3A_613 : i32 to vector<16xi32>
          %gather3A_615 = tpu.vector_load_idx %arg8[%broadcast_in_dim3A_614, %get3A_608] : memref<16x1002xf32, #tpu.memory_space<vmem>>[vector<16xi32>, vector<16xi32>], vector<16xf32>,
          %broadcast_in_dim3A_616 = arith.constant 3 : i32
          %broadcast_in_dim3A_617 = vector.broadcast %broadcast_in_dim3A_616 : i32 to vector<16xi32>
          %gather3A_618 = tpu.vector_load_idx %arg8[%broadcast_in_dim3A_617, %get3A_608] : memref<16x1002xf32, #tpu.memory_space<vmem>>[vector<16xi32>, vector<16xi32>], vector<16xf32>,
          %broadcast_in_dim3A_619 = arith.constant 4 : i32
          %broadcast_in_dim3A_620 = vector.broadcast %broadcast_in_dim3A_619 : i32 to vector<16xi32>
          %gather3A_621 = tpu.vector_load_idx %arg8[%broadcast_in_dim3A_620, %get3A_608] : memref<16x1002xf32, #tpu.memory_space<vmem>>[vector<16xi32>, vector<16xi32>], vector<16xf32>,
          %broadcast_in_dim3A_622 = arith.constant 5 : i32
          %broadcast_in_dim3A_623 = vector.broadcast %broadcast_in_dim3A_622 : i32 to vector<16xi32>
          %gather3A_624 = tpu.vector_load_idx %arg8[%broadcast_in_dim3A_623, %get3A_608] : memref<16x1002xf32, #tpu.memory_space<vmem>>[vector<16xi32>, vector<16xi32>], vector<16xf32>,
          %broadcast_in_dim3A_625 = arith.constant 6 : i32
          %broadcast_in_dim3A_626 = vector.broadcast %broadcast_in_dim3A_625 : i32 to vector<16xi32>
          %gather3A_627 = tpu.vector_load_idx %arg8[%broadcast_in_dim3A_626, %get3A_608] : memref<16x1002xf32, #tpu.memory_space<vmem>>[vector<16xi32>, vector<16xi32>], vector<16xf32>,
          %broadcast_in_dim3A_628 = arith.constant 7 : i32
          %broadcast_in_dim3A_629 = vector.broadcast %broadcast_in_dim3A_628 : i32 to vector<16xi32>
          %gather3A_630 = tpu.vector_load_idx %arg8[%broadcast_in_dim3A_629, %get3A_608] : memref<16x1002xf32, #tpu.memory_space<vmem>>[vector<16xi32>, vector<16xi32>], vector<16xf32>,
          %broadcast_in_dim3A_631 = arith.constant 8 : i32
          %broadcast_in_dim3A_632 = vector.broadcast %broadcast_in_dim3A_631 : i32 to vector<16xi32>
          %gather3A_633 = tpu.vector_load_idx %arg8[%broadcast_in_dim3A_632, %get3A_608] : memref<16x1002xf32, #tpu.memory_space<vmem>>[vector<16xi32>, vector<16xi32>], vector<16xf32>,
          %broadcast_in_dim3A_634 = arith.constant 9 : i32
          %broadcast_in_dim3A_635 = vector.broadcast %broadcast_in_dim3A_634 : i32 to vector<16xi32>
          %gather3A_636 = tpu.vector_load_idx %arg8[%broadcast_in_dim3A_635, %get3A_608] : memref<16x1002xf32, #tpu.memory_space<vmem>>[vector<16xi32>, vector<16xi32>], vector<16xf32>,
          %broadcast_in_dim3A_637 = arith.constant 10 : i32
          %broadcast_in_dim3A_638 = vector.broadcast %broadcast_in_dim3A_637 : i32 to vector<16xi32>
          %gather3A_639 = tpu.vector_load_idx %arg8[%broadcast_in_dim3A_638, %get3A_608] : memref<16x1002xf32, #tpu.memory_space<vmem>>[vector<16xi32>, vector<16xi32>], vector<16xf32>,
          %broadcast_in_dim3A_640 = arith.constant 11 : i32
          %broadcast_in_dim3A_641 = vector.broadcast %broadcast_in_dim3A_640 : i32 to vector<16xi32>
          %gather3A_642 = tpu.vector_load_idx %arg8[%broadcast_in_dim3A_641, %get3A_608] : memref<16x1002xf32, #tpu.memory_space<vmem>>[vector<16xi32>, vector<16xi32>], vector<16xf32>,
          %broadcast_in_dim3A_643 = arith.constant 12 : i32
          %broadcast_in_dim3A_644 = vector.broadcast %broadcast_in_dim3A_643 : i32 to vector<16xi32>
          %gather3A_645 = tpu.vector_load_idx %arg8[%broadcast_in_dim3A_644, %get3A_608] : memref<16x1002xf32, #tpu.memory_space<vmem>>[vector<16xi32>, vector<16xi32>], vector<16xf32>,
          %broadcast_in_dim3A_646 = arith.constant 13 : i32
          %broadcast_in_dim3A_647 = vector.broadcast %broadcast_in_dim3A_646 : i32 to vector<16xi32>
          %gather3A_648 = tpu.vector_load_idx %arg8[%broadcast_in_dim3A_647, %get3A_608] : memref<16x1002xf32, #tpu.memory_space<vmem>>[vector<16xi32>, vector<16xi32>], vector<16xf32>,
          %broadcast_in_dim3A_649 = arith.constant 14 : i32
          %broadcast_in_dim3A_650 = vector.broadcast %broadcast_in_dim3A_649 : i32 to vector<16xi32>
          %gather3A_651 = tpu.vector_load_idx %arg8[%broadcast_in_dim3A_650, %get3A_608] : memref<16x1002xf32, #tpu.memory_space<vmem>>[vector<16xi32>, vector<16xi32>], vector<16xf32>,
          %broadcast_in_dim3A_652 = arith.constant 15 : i32
          %broadcast_in_dim3A_653 = vector.broadcast %broadcast_in_dim3A_652 : i32 to vector<16xi32>
          %gather3A_654 = tpu.vector_load_idx %arg8[%broadcast_in_dim3A_653, %get3A_608] : memref<16x1002xf32, #tpu.memory_space<vmem>>[vector<16xi32>, vector<16xi32>], vector<16xf32>,
          %mul3A_655 = arith.constant 16 : i32
          %mul3A_656 = arith.muli %scan3A_605, %mul3A_655 : i32
          %swap3A = arith.constant 0 : i32
          %swap3A_657 = arith.index_cast %swap3A : i32 to index
          %swap3A_658 = arith.index_cast %mul3A_656 : i32 to index
          %swap3A_659 = tpu.vector_load %arg10[%swap3A_657, %swap3A_658] {strides = array<i32>} : memref<16x1024xf32, #tpu.memory_space<vmem>>, vector<16xf32>,
          tpu.vector_store %arg10[%swap3A_657, %swap3A_658], %gather3A {strides = array<i32>} : memref<16x1024xf32, #tpu.memory_space<vmem>>, vector<16xf32>,
          %mul3A_660 = arith.constant 16 : i32
          %mul3A_661 = arith.muli %scan3A_605, %mul3A_660 : i32
          %swap3A_662 = arith.constant 1 : i32
          %swap3A_663 = arith.index_cast %swap3A_662 : i32 to index
          %swap3A_664 = arith.index_cast %mul3A_661 : i32 to index
          %swap3A_665 = tpu.vector_load %arg10[%swap3A_663, %swap3A_664] {strides = array<i32>} : memref<16x1024xf32, #tpu.memory_space<vmem>>, vector<16xf32>,
          tpu.vector_store %arg10[%swap3A_663, %swap3A_664], %gather3A_612 {strides = array<i32>} : memref<16x1024xf32, #tpu.memory_space<vmem>>, vector<16xf32>,
          %mul3A_666 = arith.constant 16 : i32
          %mul3A_667 = arith.muli %scan3A_605, %mul3A_666 : i32
          %swap3A_668 = arith.constant 2 : i32
          %swap3A_669 = arith.index_cast %swap3A_668 : i32 to index
          %swap3A_670 = arith.index_cast %mul3A_667 : i32 to index
          %swap3A_671 = tpu.vector_load %arg10[%swap3A_669, %swap3A_670] {strides = array<i32>} : memref<16x1024xf32, #tpu.memory_space<vmem>>, vector<16xf32>,
          tpu.vector_store %arg10[%swap3A_669, %swap3A_670], %gather3A_615 {strides = array<i32>} : memref<16x1024xf32, #tpu.memory_space<vmem>>, vector<16xf32>,
          %mul3A_672 = arith.constant 16 : i32
          %mul3A_673 = arith.muli %scan3A_605, %mul3A_672 : i32
          %swap3A_674 = arith.constant 3 : i32
          %swap3A_675 = arith.index_cast %swap3A_674 : i32 to index
          %swap3A_676 = arith.index_cast %mul3A_673 : i32 to index
          %swap3A_677 = tpu.vector_load %arg10[%swap3A_675, %swap3A_676] {strides = array<i32>} : memref<16x1024xf32, #tpu.memory_space<vmem>>, vector<16xf32>,
          tpu.vector_store %arg10[%swap3A_675, %swap3A_676], %gather3A_618 {strides = array<i32>} : memref<16x1024xf32, #tpu.memory_space<vmem>>, vector<16xf32>,
          %mul3A_678 = arith.constant 16 : i32
          %mul3A_679 = arith.muli %scan3A_605, %mul3A_678 : i32
          %swap3A_680 = arith.constant 4 : i32
          %swap3A_681 = arith.index_cast %swap3A_680 : i32 to index
          %swap3A_682 = arith.index_cast %mul3A_679 : i32 to index
          %swap3A_683 = tpu.vector_load %arg10[%swap3A_681, %swap3A_682] {strides = array<i32>} : memref<16x1024xf32, #tpu.memory_space<vmem>>, vector<16xf32>,
          tpu.vector_store %arg10[%swap3A_681, %swap3A_682], %gather3A_621 {strides = array<i32>} : memref<16x1024xf32, #tpu.memory_space<vmem>>, vector<16xf32>,
          %mul3A_684 = arith.constant 16 : i32
          %mul3A_685 = arith.muli %scan3A_605, %mul3A_684 : i32
          %swap3A_686 = arith.constant 5 : i32
          %swap3A_687 = arith.index_cast %swap3A_686 : i32 to index
          %swap3A_688 = arith.index_cast %mul3A_685 : i32 to index
          %swap3A_689 = tpu.vector_load %arg10[%swap3A_687, %swap3A_688] {strides = array<i32>} : memref<16x1024xf32, #tpu.memory_space<vmem>>, vector<16xf32>,
          tpu.vector_store %arg10[%swap3A_687, %swap3A_688], %gather3A_624 {strides = array<i32>} : memref<16x1024xf32, #tpu.memory_space<vmem>>, vector<16xf32>,
          %mul3A_690 = arith.constant 16 : i32
          %mul3A_691 = arith.muli %scan3A_605, %mul3A_690 : i32
          %swap3A_692 = arith.constant 6 : i32
          %swap3A_693 = arith.index_cast %swap3A_692 : i32 to index
          %swap3A_694 = arith.index_cast %mul3A_691 : i32 to index
          %swap3A_695 = tpu.vector_load %arg10[%swap3A_693, %swap3A_694] {strides = array<i32>} : memref<16x1024xf32, #tpu.memory_space<vmem>>, vector<16xf32>,
          tpu.vector_store %arg10[%swap3A_693, %swap3A_694], %gather3A_627 {strides = array<i32>} : memref<16x1024xf32, #tpu.memory_space<vmem>>, vector<16xf32>,
          %mul3A_696 = arith.constant 16 : i32
          %mul3A_697 = arith.muli %scan3A_605, %mul3A_696 : i32
          %swap3A_698 = arith.constant 7 : i32
          %swap3A_699 = arith.index_cast %swap3A_698 : i32 to index
          %swap3A_700 = arith.index_cast %mul3A_697 : i32 to index
          %swap3A_701 = tpu.vector_load %arg10[%swap3A_699, %swap3A_700] {strides = array<i32>} : memref<16x1024xf32, #tpu.memory_space<vmem>>, vector<16xf32>,
          tpu.vector_store %arg10[%swap3A_699, %swap3A_700], %gather3A_630 {strides = array<i32>} : memref<16x1024xf32, #tpu.memory_space<vmem>>, vector<16xf32>,
          %mul3A_702 = arith.constant 16 : i32
          %mul3A_703 = arith.muli %scan3A_605, %mul3A_702 : i32
          %swap3A_704 = arith.constant 8 : i32
          %swap3A_705 = arith.index_cast %swap3A_704 : i32 to index
          %swap3A_706 = arith.index_cast %mul3A_703 : i32 to index
          %swap3A_707 = tpu.vector_load %arg10[%swap3A_705, %swap3A_706] {strides = array<i32>} : memref<16x1024xf32, #tpu.memory_space<vmem>>, vector<16xf32>,
          tpu.vector_store %arg10[%swap3A_705, %swap3A_706], %gather3A_633 {strides = array<i32>} : memref<16x1024xf32, #tpu.memory_space<vmem>>, vector<16xf32>,
          %mul3A_708 = arith.constant 16 : i32
          %mul3A_709 = arith.muli %scan3A_605, %mul3A_708 : i32
          %swap3A_710 = arith.constant 9 : i32
          %swap3A_711 = arith.index_cast %swap3A_710 : i32 to index
          %swap3A_712 = arith.index_cast %mul3A_709 : i32 to index
          %swap3A_713 = tpu.vector_load %arg10[%swap3A_711, %swap3A_712] {strides = array<i32>} : memref<16x1024xf32, #tpu.memory_space<vmem>>, vector<16xf32>,
          tpu.vector_store %arg10[%swap3A_711, %swap3A_712], %gather3A_636 {strides = array<i32>} : memref<16x1024xf32, #tpu.memory_space<vmem>>, vector<16xf32>,
          %mul3A_714 = arith.constant 16 : i32
          %mul3A_715 = arith.muli %scan3A_605, %mul3A_714 : i32
          %swap3A_716 = arith.constant 10 : i32
          %swap3A_717 = arith.index_cast %swap3A_716 : i32 to index
          %swap3A_718 = arith.index_cast %mul3A_715 : i32 to index
          %swap3A_719 = tpu.vector_load %arg10[%swap3A_717, %swap3A_718] {strides = array<i32>} : memref<16x1024xf32, #tpu.memory_space<vmem>>, vector<16xf32>,
          tpu.vector_store %arg10[%swap3A_717, %swap3A_718], %gather3A_639 {strides = array<i32>} : memref<16x1024xf32, #tpu.memory_space<vmem>>, vector<16xf32>,
          %mul3A_720 = arith.constant 16 : i32
          %mul3A_721 = arith.muli %scan3A_605, %mul3A_720 : i32
          %swap3A_722 = arith.constant 11 : i32
          %swap3A_723 = arith.index_cast %swap3A_722 : i32 to index
          %swap3A_724 = arith.index_cast %mul3A_721 : i32 to index
          %swap3A_725 = tpu.vector_load %arg10[%swap3A_723, %swap3A_724] {strides = array<i32>} : memref<16x1024xf32, #tpu.memory_space<vmem>>, vector<16xf32>,
          tpu.vector_store %arg10[%swap3A_723, %swap3A_724], %gather3A_642 {strides = array<i32>} : memref<16x1024xf32, #tpu.memory_space<vmem>>, vector<16xf32>,
          %mul3A_726 = arith.constant 16 : i32
          %mul3A_727 = arith.muli %scan3A_605, %mul3A_726 : i32
          %swap3A_728 = arith.constant 12 : i32
          %swap3A_729 = arith.index_cast %swap3A_728 : i32 to index
          %swap3A_730 = arith.index_cast %mul3A_727 : i32 to index
          %swap3A_731 = tpu.vector_load %arg10[%swap3A_729, %swap3A_730] {strides = array<i32>} : memref<16x1024xf32, #tpu.memory_space<vmem>>, vector<16xf32>,
          tpu.vector_store %arg10[%swap3A_729, %swap3A_730], %gather3A_645 {strides = array<i32>} : memref<16x1024xf32, #tpu.memory_space<vmem>>, vector<16xf32>,
          %mul3A_732 = arith.constant 16 : i32
          %mul3A_733 = arith.muli %scan3A_605, %mul3A_732 : i32
          %swap3A_734 = arith.constant 13 : i32
          %swap3A_735 = arith.index_cast %swap3A_734 : i32 to index
          %swap3A_736 = arith.index_cast %mul3A_733 : i32 to index
          %swap3A_737 = tpu.vector_load %arg10[%swap3A_735, %swap3A_736] {strides = array<i32>} : memref<16x1024xf32, #tpu.memory_space<vmem>>, vector<16xf32>,
          tpu.vector_store %arg10[%swap3A_735, %swap3A_736], %gather3A_648 {strides = array<i32>} : memref<16x1024xf32, #tpu.memory_space<vmem>>, vector<16xf32>,
          %mul3A_738 = arith.constant 16 : i32
          %mul3A_739 = arith.muli %scan3A_605, %mul3A_738 : i32
          %swap3A_740 = arith.constant 14 : i32
          %swap3A_741 = arith.index_cast %swap3A_740 : i32 to index
          %swap3A_742 = arith.index_cast %mul3A_739 : i32 to index
          %swap3A_743 = tpu.vector_load %arg10[%swap3A_741, %swap3A_742] {strides = array<i32>} : memref<16x1024xf32, #tpu.memory_space<vmem>>, vector<16xf32>,
          tpu.vector_store %arg10[%swap3A_741, %swap3A_742], %gather3A_651 {strides = array<i32>} : memref<16x1024xf32, #tpu.memory_space<vmem>>, vector<16xf32>,
          %mul3A_744 = arith.constant 16 : i32
          %mul3A_745 = arith.muli %scan3A_605, %mul3A_744 : i32
          %swap3A_746 = arith.constant 15 : i32
          %swap3A_747 = arith.index_cast %swap3A_746 : i32 to index
          %swap3A_748 = arith.index_cast %mul3A_745 : i32 to index
          %swap3A_749 = tpu.vector_load %arg10[%swap3A_747, %swap3A_748] {strides = array<i32>} : memref<16x1024xf32, #tpu.memory_space<vmem>>, vector<16xf32>,
          tpu.vector_store %arg10[%swap3A_747, %swap3A_748], %gather3A_654 {strides = array<i32>} : memref<16x1024xf32, #tpu.memory_space<vmem>>, vector<16xf32>,
        }
        %scan3A_506 = arith.constant 64 : i32
        %jit3A_507 = arith.constant 2 : i32
        %div3A_508 = arith.divsi %add3A_348, %jit3A_507 : i32
        %sign3A_509 = arith.constant 0 : i32
        %sign3A_510 = arith.cmpi sgt, %add3A_348, %sign3A_509 : i32
        %sign3A_511 = arith.extui %sign3A_510 : i1 to i32
        %sign3A_512 = arith.constant 0 : i32
        %sign3A_513 = arith.cmpi slt, %add3A_348, %sign3A_512 : i32
        %sign3A_514 = arith.extui %sign3A_513 : i1 to i32
        %sign3A_515 = arith.subi %sign3A_511, %sign3A_514 : i32
        %sign3A_516 = arith.constant 0 : i32
        %sign3A_517 = arith.cmpi sgt, %jit3A_507, %sign3A_516 : i32
        %sign3A_518 = arith.extui %sign3A_517 : i1 to i32
        %sign3A_519 = arith.constant 0 : i32
        %sign3A_520 = arith.cmpi slt, %jit3A_507, %sign3A_519 : i32
        %sign3A_521 = arith.extui %sign3A_520 : i1 to i32
        %sign3A_522 = arith.subi %sign3A_518, %sign3A_521 : i32
        %ne3A_523 = arith.cmpi ne, %sign3A_515, %sign3A_522 : i32
        %rem3A_524 = arith.remsi %add3A_348, %jit3A_507 : i32
        %ne3A_525 = arith.constant 0 : i32
        %ne3A_526 = arith.cmpi ne, %rem3A_524, %ne3A_525 : i32
        %and3A_527 = arith.andi %ne3A_523, %ne3A_526 : i1
        %sub3A_528 = arith.constant 1 : i32
        %sub3A_529 = arith.subi %div3A_508, %sub3A_528 : i32
        %select_n3A_530 = arith.select %and3A_527, %sub3A_529, %div3A_508 : i32
        %jit3A_531 = arith.constant 2 : i32
        %eq3A_532 = arith.constant 0 : i32
        %eq3A_533 = arith.cmpi eq, %jit3A_531, %eq3A_532 : i32
        %jit3A_534 = arith.constant 1 : i32
        %select_n3A_535 = arith.select %eq3A_533, %jit3A_534, %jit3A_531 : i32
        %rem3A_536 = arith.remsi %add3A_348, %select_n3A_535 : i32
        %ne3A_537 = arith.constant 0 : i32
        %ne3A_538 = arith.cmpi ne, %rem3A_536, %ne3A_537 : i32
        %lt3A_539 = arith.constant 0 : i32
        %lt3A_540 = arith.cmpi slt, %rem3A_536, %lt3A_539 : i32
        %lt3A_541 = arith.constant 0 : i32
        %lt3A_542 = arith.cmpi slt, %select_n3A_535, %lt3A_541 : i32
        %ne3A_543 = arith.xori %lt3A_540, %lt3A_542 : i1
        %and3A_544 = arith.andi %ne3A_543, %ne3A_538 : i1
        %add3A_545 = arith.addi %rem3A_536, %select_n3A_535 : i32
        %select_n3A_546 = arith.select %and3A_544, %add3A_545, %rem3A_536 : i32
        %jit3A_547 = arith.constant 18 : i32
        %eq3A_548 = arith.constant 0 : i32
        %eq3A_549 = arith.cmpi eq, %jit3A_547, %eq3A_548 : i32
        %jit3A_550 = arith.constant 1 : i32
        %select_n3A_551 = arith.select %eq3A_549, %jit3A_550, %jit3A_547 : i32
        %rem3A_552 = arith.remsi %select_n3A_530, %select_n3A_551 : i32
        %ne3A_553 = arith.constant 0 : i32
        %ne3A_554 = arith.cmpi ne, %rem3A_552, %ne3A_553 : i32
        %lt3A_555 = arith.constant 0 : i32
        %lt3A_556 = arith.cmpi slt, %rem3A_552, %lt3A_555 : i32
        %lt3A_557 = arith.constant 0 : i32
        %lt3A_558 = arith.cmpi slt, %select_n3A_551, %lt3A_557 : i32
        %ne3A_559 = arith.xori %lt3A_556, %lt3A_558 : i1
        %and3A_560 = arith.andi %ne3A_559, %ne3A_554 : i1
        %add3A_561 = arith.addi %rem3A_552, %select_n3A_551 : i32
        %select_n3A_562 = arith.select %and3A_560, %add3A_561, %rem3A_552 : i32
        %add3A_563 = arith.constant 1 : i32
        %add3A_564 = arith.addi %select_n3A_562, %add3A_563 : i32
        %ge3A_565 = arith.constant 4 : i32
        %ge3A_566 = arith.cmpi sge, %select_n3A_562, %ge3A_565 : i32
        %convert_element_type3A_567 = arith.extui %ge3A_566 : i1 to i32
        %add3A_568 = arith.addi %add3A_564, %convert_element_type3A_567 : i32
        %jit3A_569 = arith.constant 18 : i32
        %div3A_570 = arith.divsi %select_n3A_530, %jit3A_569 : i32
        %sign3A_571 = arith.constant 0 : i32
        %sign3A_572 = arith.cmpi sgt, %select_n3A_530, %sign3A_571 : i32
        %sign3A_573 = arith.extui %sign3A_572 : i1 to i32
        %sign3A_574 = arith.constant 0 : i32
        %sign3A_575 = arith.cmpi slt, %select_n3A_530, %sign3A_574 : i32
        %sign3A_576 = arith.extui %sign3A_575 : i1 to i32
        %sign3A_577 = arith.subi %sign3A_573, %sign3A_576 : i32
        %sign3A_578 = arith.constant 0 : i32
        %sign3A_579 = arith.cmpi sgt, %jit3A_569, %sign3A_578 : i32
        %sign3A_580 = arith.extui %sign3A_579 : i1 to i32
        %sign3A_581 = arith.constant 0 : i32
        %sign3A_582 = arith.cmpi slt, %jit3A_569, %sign3A_581 : i32
        %sign3A_583 = arith.extui %sign3A_582 : i1 to i32
        %sign3A_584 = arith.subi %sign3A_580, %sign3A_583 : i32
        %ne3A_585 = arith.cmpi ne, %sign3A_577, %sign3A_584 : i32
        %rem3A_586 = arith.remsi %select_n3A_530, %jit3A_569 : i32
        %ne3A_587 = arith.constant 0 : i32
        %ne3A_588 = arith.cmpi ne, %rem3A_586, %ne3A_587 : i32
        %and3A_589 = arith.andi %ne3A_585, %ne3A_588 : i1
        %sub3A_590 = arith.constant 1 : i32
        %sub3A_591 = arith.subi %div3A_570, %sub3A_590 : i32
        %select_n3A_592 = arith.select %and3A_589, %sub3A_591, %div3A_570 : i32
        %mul3A_593 = arith.constant 32 : i32
        %mul3A_594 = arith.muli %mul3A_593, %select_n3A_562 : i32
        %mul3A_595 = arith.constant 16 : i32
        %mul3A_596 = arith.muli %mul3A_595, %select_n3A_546 : i32
        %add3A_597 = arith.addi %mul3A_594, %mul3A_596 : i32
        %multiple_of3A_598 = tpu.assume_multiple %add3A_597, 16 : i32
        %dma_start3A_599 = arith.constant 0 : i32
        %dma_start3A_600 = tpu.memref_slice %arg4[%select_n3A_592, %multiple_of3A_598, %dma_start3A_599] : memref<20x576x1024xf32, #tpu.memory_space<hbm>> -> memref<1x16x1024xf32, #tpu.memory_space<hbm>>
        %dma_start3A_601 = tpu.memref_squeeze %dma_start3A_600 : memref<1x16x1024xf32, #tpu.memory_space<hbm>> -> memref<16x1024xf32, #tpu.memory_space<hbm>>
        %dma_start3A_602 = arith.constant 0 : i32
        %dma_start3A_603 = tpu.memref_slice %arg4[%select_n3A_592, %multiple_of3A_598, %dma_start3A_602] : memref<20x576x1024xf32, #tpu.memory_space<hbm>> -> memref<1x16x1024xf32, #tpu.memory_space<hbm>>
        %dma_start3A_604 = tpu.memref_squeeze %dma_start3A_603 : memref<1x16x1024xf32, #tpu.memory_space<hbm>> -> memref<16x1024xf32, #tpu.memory_space<hbm>>
        tpu.enqueue_dma source(%arg10 : memref<16x1024xf32, #tpu.memory_space<vmem>>) target(%dma_start3A_604 : memref<16x1024xf32, #tpu.memory_space<hbm>>) target_semaphore(%arg14 : memref<!tpu.dma_semaphore, #tpu.memory_space<semaphore_mem>>)
      } else {
      }
    }
    %while3A_151 = arith.constant 1 : i32
    scf.for %while3A_347 = %while3A_149 to %while3A_145 step %while3A_151  : i32 {
      %add3A_348 = arith.addi %select_n3A, %while3A_347 : i32
      %jit3A_349 = arith.constant 2 : i32
      %eq3A_350 = arith.constant 0 : i32
      %eq3A_351 = arith.cmpi eq, %jit3A_349, %eq3A_350 : i32
      %jit3A_352 = arith.constant 1 : i32
      %select_n3A_353 = arith.select %eq3A_351, %jit3A_352, %jit3A_349 : i32
      %rem3A_354 = arith.remsi %while3A_347, %select_n3A_353 : i32
      %ne3A_355 = arith.constant 0 : i32
      %ne3A_356 = arith.cmpi ne, %rem3A_354, %ne3A_355 : i32
      %lt3A_357 = arith.constant 0 : i32
      %lt3A_358 = arith.cmpi slt, %rem3A_354, %lt3A_357 : i32
      %lt3A_359 = arith.constant 0 : i32
      %lt3A_360 = arith.cmpi slt, %select_n3A_353, %lt3A_359 : i32
      %ne3A_361 = arith.xori %lt3A_358, %lt3A_360 : i1
      %and3A_362 = arith.andi %ne3A_361, %ne3A_356 : i1
      %add3A_363 = arith.addi %rem3A_354, %select_n3A_353 : i32
      %select_n3A_364 = arith.select %and3A_362, %add3A_363, %rem3A_354 : i32
      %eq3A_365 = arith.constant 0 : i32
      %eq3A_366 = arith.cmpi eq, %select_n3A_364, %eq3A_365 : i32
      %convert_element_type3A_367 = arith.extui %eq3A_366 : i1 to i32
      %cond3A = arith.constant 0 : i32
      %cond3A_368 = arith.cmpi ne, %convert_element_type3A_367, %cond3A : i32
      scf.if %cond3A_368 {
        %jit3A_390 = arith.constant 2 : i32
        %div3A_391 = arith.divsi %add3A_348, %jit3A_390 : i32
        %sign3A_392 = arith.constant 0 : i32
        %sign3A_393 = arith.cmpi sgt, %add3A_348, %sign3A_392 : i32
        %sign3A_394 = arith.extui %sign3A_393 : i1 to i32
        %sign3A_395 = arith.constant 0 : i32
        %sign3A_396 = arith.cmpi slt, %add3A_348, %sign3A_395 : i32
        %sign3A_397 = arith.extui %sign3A_396 : i1 to i32
        %sign3A_398 = arith.subi %sign3A_394, %sign3A_397 : i32
        %sign3A_399 = arith.constant 0 : i32
        %sign3A_400 = arith.cmpi sgt, %jit3A_390, %sign3A_399 : i32
        %sign3A_401 = arith.extui %sign3A_400 : i1 to i32
        %sign3A_402 = arith.constant 0 : i32
        %sign3A_403 = arith.cmpi slt, %jit3A_390, %sign3A_402 : i32
        %sign3A_404 = arith.extui %sign3A_403 : i1 to i32
        %sign3A_405 = arith.subi %sign3A_401, %sign3A_404 : i32
        %ne3A_406 = arith.cmpi ne, %sign3A_398, %sign3A_405 : i32
        %rem3A_407 = arith.remsi %add3A_348, %jit3A_390 : i32
        %ne3A_408 = arith.constant 0 : i32
        %ne3A_409 = arith.cmpi ne, %rem3A_407, %ne3A_408 : i32
        %and3A_410 = arith.andi %ne3A_406, %ne3A_409 : i1
        %sub3A_411 = arith.constant 1 : i32
        %sub3A_412 = arith.subi %div3A_391, %sub3A_411 : i32
        %select_n3A_413 = arith.select %and3A_410, %sub3A_412, %div3A_391 : i32
        %jit3A_414 = arith.constant 2 : i32
        %eq3A_415 = arith.constant 0 : i32
        %eq3A_416 = arith.cmpi eq, %jit3A_414, %eq3A_415 : i32
        %jit3A_417 = arith.constant 1 : i32
        %select_n3A_418 = arith.select %eq3A_416, %jit3A_417, %jit3A_414 : i32
        %rem3A_419 = arith.remsi %add3A_348, %select_n3A_418 : i32
        %ne3A_420 = arith.constant 0 : i32
        %ne3A_421 = arith.cmpi ne, %rem3A_419, %ne3A_420 : i32
        %lt3A_422 = arith.constant 0 : i32
        %lt3A_423 = arith.cmpi slt, %rem3A_419, %lt3A_422 : i32
        %lt3A_424 = arith.constant 0 : i32
        %lt3A_425 = arith.cmpi slt, %select_n3A_418, %lt3A_424 : i32
        %ne3A_426 = arith.xori %lt3A_423, %lt3A_425 : i1
        %and3A_427 = arith.andi %ne3A_426, %ne3A_421 : i1
        %add3A_428 = arith.addi %rem3A_419, %select_n3A_418 : i32
        %select_n3A_429 = arith.select %and3A_427, %add3A_428, %rem3A_419 : i32
        %jit3A_430 = arith.constant 18 : i32
        %eq3A_431 = arith.constant 0 : i32
        %eq3A_432 = arith.cmpi eq, %jit3A_430, %eq3A_431 : i32
        %jit3A_433 = arith.constant 1 : i32
        %select_n3A_434 = arith.select %eq3A_432, %jit3A_433, %jit3A_430 : i32
        %rem3A_435 = arith.remsi %select_n3A_413, %select_n3A_434 : i32
        %ne3A_436 = arith.constant 0 : i32
        %ne3A_437 = arith.cmpi ne, %rem3A_435, %ne3A_436 : i32
        %lt3A_438 = arith.constant 0 : i32
        %lt3A_439 = arith.cmpi slt, %rem3A_435, %lt3A_438 : i32
        %lt3A_440 = arith.constant 0 : i32
        %lt3A_441 = arith.cmpi slt, %select_n3A_434, %lt3A_440 : i32
        %ne3A_442 = arith.xori %lt3A_439, %lt3A_441 : i1
        %and3A_443 = arith.andi %ne3A_442, %ne3A_437 : i1
        %add3A_444 = arith.addi %rem3A_435, %select_n3A_434 : i32
        %select_n3A_445 = arith.select %and3A_443, %add3A_444, %rem3A_435 : i32
        %add3A_446 = arith.constant 1 : i32
        %add3A_447 = arith.addi %select_n3A_445, %add3A_446 : i32
        %ge3A_448 = arith.constant 4 : i32
        %ge3A_449 = arith.cmpi sge, %select_n3A_445, %ge3A_448 : i32
        %convert_element_type3A_450 = arith.extui %ge3A_449 : i1 to i32
        %add3A_451 = arith.addi %add3A_447, %convert_element_type3A_450 : i32
        %jit3A_452 = arith.constant 18 : i32
        %div3A_453 = arith.divsi %select_n3A_413, %jit3A_452 : i32
        %sign3A_454 = arith.constant 0 : i32
        %sign3A_455 = arith.cmpi sgt, %select_n3A_413, %sign3A_454 : i32
        %sign3A_456 = arith.extui %sign3A_455 : i1 to i32
        %sign3A_457 = arith.constant 0 : i32
        %sign3A_458 = arith.cmpi slt, %select_n3A_413, %sign3A_457 : i32
        %sign3A_459 = arith.extui %sign3A_458 : i1 to i32
        %sign3A_460 = arith.subi %sign3A_456, %sign3A_459 : i32
        %sign3A_461 = arith.constant 0 : i32
        %sign3A_462 = arith.cmpi sgt, %jit3A_452, %sign3A_461 : i32
        %sign3A_463 = arith.extui %sign3A_462 : i1 to i32
        %sign3A_464 = arith.constant 0 : i32
        %sign3A_465 = arith.cmpi slt, %jit3A_452, %sign3A_464 : i32
        %sign3A_466 = arith.extui %sign3A_465 : i1 to i32
        %sign3A_467 = arith.subi %sign3A_463, %sign3A_466 : i32
        %ne3A_468 = arith.cmpi ne, %sign3A_460, %sign3A_467 : i32
        %rem3A_469 = arith.remsi %select_n3A_413, %jit3A_452 : i32
        %ne3A_470 = arith.constant 0 : i32
        %ne3A_471 = arith.cmpi ne, %rem3A_469, %ne3A_470 : i32
        %and3A_472 = arith.andi %ne3A_468, %ne3A_471 : i1
        %sub3A_473 = arith.constant 1 : i32
        %sub3A_474 = arith.subi %div3A_453, %sub3A_473 : i32
        %select_n3A_475 = arith.select %and3A_472, %sub3A_474, %div3A_453 : i32
        %mul3A_476 = arith.constant 16 : i32
        %mul3A_477 = arith.muli %mul3A_476, %select_n3A_429 : i32
        %multiple_of3A_478 = tpu.assume_multiple %mul3A_477, 16 : i32
        %dma_wait3A_479 = arith.constant 0 : i32
        %dma_wait3A_480 = tpu.memref_slice %arg3[%select_n3A_475, %add3A_451, %dma_wait3A_479] : memref<20x20x1024xi32, #tpu.memory_space<hbm>> -> memref<1x1x1024xi32, #tpu.memory_space<hbm>>
        %dma_wait3A_481 = tpu.memref_squeeze %dma_wait3A_480 : memref<1x1x1024xi32, #tpu.memory_space<hbm>> -> memref<1024xi32, #tpu.memory_space<hbm>>
        %dma_wait3A_482 = arith.constant 0 : i32
        %dma_wait3A_483 = tpu.memref_slice %arg3[%select_n3A_475, %add3A_451, %dma_wait3A_482] : memref<20x20x1024xi32, #tpu.memory_space<hbm>> -> memref<1x1x1024xi32, #tpu.memory_space<hbm>>
        %dma_wait3A_484 = tpu.memref_squeeze %dma_wait3A_483 : memref<1x1x1024xi32, #tpu.memory_space<hbm>> -> memref<1024xi32, #tpu.memory_space<hbm>>
        tpu.wait_dma2 semaphore(%arg11 : memref<!tpu.dma_semaphore, #tpu.memory_space<semaphore_mem>>) src(%dma_wait3A_484 : memref<1024xi32, #tpu.memory_space<hbm>>) dst(%arg5 : memref<1024xi32, #tpu.memory_space<vmem>>)
        %dma_wait3A_485 = arith.constant 0 : i32
        %dma_wait3A_486 = tpu.memref_slice %arg2[%select_n3A_475, %select_n3A_445, %multiple_of3A_478, %dma_wait3A_485] : memref<20x18x32x1002xf32, #tpu.memory_space<hbm>> -> memref<1x1x16x1002xf32, #tpu.memory_space<hbm>>
        %dma_wait3A_487 = tpu.memref_squeeze %dma_wait3A_486 : memref<1x1x16x1002xf32, #tpu.memory_space<hbm>> -> memref<16x1002xf32, #tpu.memory_space<hbm>>
        %dma_wait3A_488 = arith.constant 0 : i32
        %dma_wait3A_489 = tpu.memref_slice %arg2[%select_n3A_475, %select_n3A_445, %multiple_of3A_478, %dma_wait3A_488] : memref<20x18x32x1002xf32, #tpu.memory_space<hbm>> -> memref<1x1x16x1002xf32, #tpu.memory_space<hbm>>
        %dma_wait3A_490 = tpu.memref_squeeze %dma_wait3A_489 : memref<1x1x16x1002xf32, #tpu.memory_space<hbm>> -> memref<16x1002xf32, #tpu.memory_space<hbm>>
        tpu.wait_dma2 semaphore(%arg11 : memref<!tpu.dma_semaphore, #tpu.memory_space<semaphore_mem>>) src(%dma_wait3A_490 : memref<16x1002xf32, #tpu.memory_space<hbm>>) dst(%arg7 : memref<16x1002xf32, #tpu.memory_space<vmem>>)
        %add3A_491 = arith.constant 1 : i32
        %add3A_492 = arith.addi %add3A_348, %add3A_491 : i32
        %lt3A_493 = arith.cmpi slt, %add3A_492, %select_n3A_46 : i32
        %convert_element_type3A_494 = arith.extui %lt3A_493 : i1 to i32
        %cond3A_495 = arith.constant 0 : i32
        %cond3A_496 = arith.cmpi ne, %convert_element_type3A_494, %cond3A_495 : i32
        scf.if %cond3A_496 {
          %add3A_605 = arith.constant 1 : i32
          %add3A_606 = arith.addi %add3A_348, %add3A_605 : i32
          %jit3A_607 = arith.constant 2 : i32
          %div3A_608 = arith.divsi %add3A_606, %jit3A_607 : i32
          %sign3A_609 = arith.constant 0 : i32
          %sign3A_610 = arith.cmpi sgt, %add3A_606, %sign3A_609 : i32
          %sign3A_611 = arith.extui %sign3A_610 : i1 to i32
          %sign3A_612 = arith.constant 0 : i32
          %sign3A_613 = arith.cmpi slt, %add3A_606, %sign3A_612 : i32
          %sign3A_614 = arith.extui %sign3A_613 : i1 to i32
          %sign3A_615 = arith.subi %sign3A_611, %sign3A_614 : i32
          %sign3A_616 = arith.constant 0 : i32
          %sign3A_617 = arith.cmpi sgt, %jit3A_607, %sign3A_616 : i32
          %sign3A_618 = arith.extui %sign3A_617 : i1 to i32
          %sign3A_619 = arith.constant 0 : i32
          %sign3A_620 = arith.cmpi slt, %jit3A_607, %sign3A_619 : i32
          %sign3A_621 = arith.extui %sign3A_620 : i1 to i32
          %sign3A_622 = arith.subi %sign3A_618, %sign3A_621 : i32
          %ne3A_623 = arith.cmpi ne, %sign3A_615, %sign3A_622 : i32
          %rem3A_624 = arith.remsi %add3A_606, %jit3A_607 : i32
          %ne3A_625 = arith.constant 0 : i32
          %ne3A_626 = arith.cmpi ne, %rem3A_624, %ne3A_625 : i32
          %and3A_627 = arith.andi %ne3A_623, %ne3A_626 : i1
          %sub3A_628 = arith.constant 1 : i32
          %sub3A_629 = arith.subi %div3A_608, %sub3A_628 : i32
          %select_n3A_630 = arith.select %and3A_627, %sub3A_629, %div3A_608 : i32
          %jit3A_631 = arith.constant 2 : i32
          %eq3A_632 = arith.constant 0 : i32
          %eq3A_633 = arith.cmpi eq, %jit3A_631, %eq3A_632 : i32
          %jit3A_634 = arith.constant 1 : i32
          %select_n3A_635 = arith.select %eq3A_633, %jit3A_634, %jit3A_631 : i32
          %rem3A_636 = arith.remsi %add3A_606, %select_n3A_635 : i32
          %ne3A_637 = arith.constant 0 : i32
          %ne3A_638 = arith.cmpi ne, %rem3A_636, %ne3A_637 : i32
          %lt3A_639 = arith.constant 0 : i32
          %lt3A_640 = arith.cmpi slt, %rem3A_636, %lt3A_639 : i32
          %lt3A_641 = arith.constant 0 : i32
          %lt3A_642 = arith.cmpi slt, %select_n3A_635, %lt3A_641 : i32
          %ne3A_643 = arith.xori %lt3A_640, %lt3A_642 : i1
          %and3A_644 = arith.andi %ne3A_643, %ne3A_638 : i1
          %add3A_645 = arith.addi %rem3A_636, %select_n3A_635 : i32
          %select_n3A_646 = arith.select %and3A_644, %add3A_645, %rem3A_636 : i32
          %jit3A_647 = arith.constant 18 : i32
          %eq3A_648 = arith.constant 0 : i32
          %eq3A_649 = arith.cmpi eq, %jit3A_647, %eq3A_648 : i32
          %jit3A_650 = arith.constant 1 : i32
          %select_n3A_651 = arith.select %eq3A_649, %jit3A_650, %jit3A_647 : i32
          %rem3A_652 = arith.remsi %select_n3A_630, %select_n3A_651 : i32
          %ne3A_653 = arith.constant 0 : i32
          %ne3A_654 = arith.cmpi ne, %rem3A_652, %ne3A_653 : i32
          %lt3A_655 = arith.constant 0 : i32
          %lt3A_656 = arith.cmpi slt, %rem3A_652, %lt3A_655 : i32
          %lt3A_657 = arith.constant 0 : i32
          %lt3A_658 = arith.cmpi slt, %select_n3A_651, %lt3A_657 : i32
          %ne3A_659 = arith.xori %lt3A_656, %lt3A_658 : i1
          %and3A_660 = arith.andi %ne3A_659, %ne3A_654 : i1
          %add3A_661 = arith.addi %rem3A_652, %select_n3A_651 : i32
          %select_n3A_662 = arith.select %and3A_660, %add3A_661, %rem3A_652 : i32
          %add3A_663 = arith.constant 1 : i32
          %add3A_664 = arith.addi %select_n3A_662, %add3A_663 : i32
          %ge3A_665 = arith.constant 4 : i32
          %ge3A_666 = arith.cmpi sge, %select_n3A_662, %ge3A_665 : i32
          %convert_element_type3A_667 = arith.extui %ge3A_666 : i1 to i32
          %add3A_668 = arith.addi %add3A_664, %convert_element_type3A_667 : i32
          %jit3A_669 = arith.constant 18 : i32
          %div3A_670 = arith.divsi %select_n3A_630, %jit3A_669 : i32
          %sign3A_671 = arith.constant 0 : i32
          %sign3A_672 = arith.cmpi sgt, %select_n3A_630, %sign3A_671 : i32
          %sign3A_673 = arith.extui %sign3A_672 : i1 to i32
          %sign3A_674 = arith.constant 0 : i32
          %sign3A_675 = arith.cmpi slt, %select_n3A_630, %sign3A_674 : i32
          %sign3A_676 = arith.extui %sign3A_675 : i1 to i32
          %sign3A_677 = arith.subi %sign3A_673, %sign3A_676 : i32
          %sign3A_678 = arith.constant 0 : i32
          %sign3A_679 = arith.cmpi sgt, %jit3A_669, %sign3A_678 : i32
          %sign3A_680 = arith.extui %sign3A_679 : i1 to i32
          %sign3A_681 = arith.constant 0 : i32
          %sign3A_682 = arith.cmpi slt, %jit3A_669, %sign3A_681 : i32
          %sign3A_683 = arith.extui %sign3A_682 : i1 to i32
          %sign3A_684 = arith.subi %sign3A_680, %sign3A_683 : i32
          %ne3A_685 = arith.cmpi ne, %sign3A_677, %sign3A_684 : i32
          %rem3A_686 = arith.remsi %select_n3A_630, %jit3A_669 : i32
          %ne3A_687 = arith.constant 0 : i32
          %ne3A_688 = arith.cmpi ne, %rem3A_686, %ne3A_687 : i32
          %and3A_689 = arith.andi %ne3A_685, %ne3A_688 : i1
          %sub3A_690 = arith.constant 1 : i32
          %sub3A_691 = arith.subi %div3A_670, %sub3A_690 : i32
          %select_n3A_692 = arith.select %and3A_689, %sub3A_691, %div3A_670 : i32
          %mul3A_693 = arith.constant 16 : i32
          %mul3A_694 = arith.muli %mul3A_693, %select_n3A_646 : i32
          %multiple_of3A_695 = tpu.assume_multiple %mul3A_694, 16 : i32
          %dma_start3A_696 = arith.constant 0 : i32
          %dma_start3A_697 = tpu.memref_slice %arg3[%select_n3A_692, %add3A_668, %dma_start3A_696] : memref<20x20x1024xi32, #tpu.memory_space<hbm>> -> memref<1x1x1024xi32, #tpu.memory_space<hbm>>
          %dma_start3A_698 = tpu.memref_squeeze %dma_start3A_697 : memref<1x1x1024xi32, #tpu.memory_space<hbm>> -> memref<1024xi32, #tpu.memory_space<hbm>>
          %dma_start3A_699 = arith.constant 0 : i32
          %dma_start3A_700 = tpu.memref_slice %arg3[%select_n3A_692, %add3A_668, %dma_start3A_699] : memref<20x20x1024xi32, #tpu.memory_space<hbm>> -> memref<1x1x1024xi32, #tpu.memory_space<hbm>>
          %dma_start3A_701 = tpu.memref_squeeze %dma_start3A_700 : memref<1x1x1024xi32, #tpu.memory_space<hbm>> -> memref<1024xi32, #tpu.memory_space<hbm>>
          tpu.enqueue_dma source(%dma_start3A_701 : memref<1024xi32, #tpu.memory_space<hbm>>) target(%arg6 : memref<1024xi32, #tpu.memory_space<vmem>>) target_semaphore(%arg12 : memref<!tpu.dma_semaphore, #tpu.memory_space<semaphore_mem>>)
          %dma_start3A_702 = arith.constant 0 : i32
          %dma_start3A_703 = tpu.memref_slice %arg2[%select_n3A_692, %select_n3A_662, %multiple_of3A_695, %dma_start3A_702] : memref<20x18x32x1002xf32, #tpu.memory_space<hbm>> -> memref<1x1x16x1002xf32, #tpu.memory_space<hbm>>
          %dma_start3A_704 = tpu.memref_squeeze %dma_start3A_703 : memref<1x1x16x1002xf32, #tpu.memory_space<hbm>> -> memref<16x1002xf32, #tpu.memory_space<hbm>>
          %dma_start3A_705 = arith.constant 0 : i32
          %dma_start3A_706 = tpu.memref_slice %arg2[%select_n3A_692, %select_n3A_662, %multiple_of3A_695, %dma_start3A_705] : memref<20x18x32x1002xf32, #tpu.memory_space<hbm>> -> memref<1x1x16x1002xf32, #tpu.memory_space<hbm>>
          %dma_start3A_707 = tpu.memref_squeeze %dma_start3A_706 : memref<1x1x16x1002xf32, #tpu.memory_space<hbm>> -> memref<16x1002xf32, #tpu.memory_space<hbm>>
          tpu.enqueue_dma source(%dma_start3A_707 : memref<16x1002xf32, #tpu.memory_space<hbm>>) target(%arg8 : memref<16x1002xf32, #tpu.memory_space<vmem>>) target_semaphore(%arg12 : memref<!tpu.dma_semaphore, #tpu.memory_space<semaphore_mem>>)
        } else {
        }
        %ge3A_497 = arith.constant 2 : i32
        %ge3A_498 = arith.cmpi sge, %while3A_347, %ge3A_497 : i32
        %convert_element_type3A_499 = arith.extui %ge3A_498 : i1 to i32
        %cond3A_500 = arith.constant 0 : i32
        %cond3A_501 = arith.cmpi ne, %convert_element_type3A_499, %cond3A_500 : i32
        scf.if %cond3A_501 {
          %jit3A_605 = arith.constant 2 : i32
          %div3A_606 = arith.divsi %add3A_348, %jit3A_605 : i32
          %sign3A_607 = arith.constant 0 : i32
          %sign3A_608 = arith.cmpi sgt, %add3A_348, %sign3A_607 : i32
          %sign3A_609 = arith.extui %sign3A_608 : i1 to i32
          %sign3A_610 = arith.constant 0 : i32
          %sign3A_611 = arith.cmpi slt, %add3A_348, %sign3A_610 : i32
          %sign3A_612 = arith.extui %sign3A_611 : i1 to i32
          %sign3A_613 = arith.subi %sign3A_609, %sign3A_612 : i32
          %sign3A_614 = arith.constant 0 : i32
          %sign3A_615 = arith.cmpi sgt, %jit3A_605, %sign3A_614 : i32
          %sign3A_616 = arith.extui %sign3A_615 : i1 to i32
          %sign3A_617 = arith.constant 0 : i32
          %sign3A_618 = arith.cmpi slt, %jit3A_605, %sign3A_617 : i32
          %sign3A_619 = arith.extui %sign3A_618 : i1 to i32
          %sign3A_620 = arith.subi %sign3A_616, %sign3A_619 : i32
          %ne3A_621 = arith.cmpi ne, %sign3A_613, %sign3A_620 : i32
          %rem3A_622 = arith.remsi %add3A_348, %jit3A_605 : i32
          %ne3A_623 = arith.constant 0 : i32
          %ne3A_624 = arith.cmpi ne, %rem3A_622, %ne3A_623 : i32
          %and3A_625 = arith.andi %ne3A_621, %ne3A_624 : i1
          %sub3A_626 = arith.constant 1 : i32
          %sub3A_627 = arith.subi %div3A_606, %sub3A_626 : i32
          %select_n3A_628 = arith.select %and3A_625, %sub3A_627, %div3A_606 : i32
          %jit3A_629 = arith.constant 2 : i32
          %eq3A_630 = arith.constant 0 : i32
          %eq3A_631 = arith.cmpi eq, %jit3A_629, %eq3A_630 : i32
          %jit3A_632 = arith.constant 1 : i32
          %select_n3A_633 = arith.select %eq3A_631, %jit3A_632, %jit3A_629 : i32
          %rem3A_634 = arith.remsi %add3A_348, %select_n3A_633 : i32
          %ne3A_635 = arith.constant 0 : i32
          %ne3A_636 = arith.cmpi ne, %rem3A_634, %ne3A_635 : i32
          %lt3A_637 = arith.constant 0 : i32
          %lt3A_638 = arith.cmpi slt, %rem3A_634, %lt3A_637 : i32
          %lt3A_639 = arith.constant 0 : i32
          %lt3A_640 = arith.cmpi slt, %select_n3A_633, %lt3A_639 : i32
          %ne3A_641 = arith.xori %lt3A_638, %lt3A_640 : i1
          %and3A_642 = arith.andi %ne3A_641, %ne3A_636 : i1
          %add3A_643 = arith.addi %rem3A_634, %select_n3A_633 : i32
          %select_n3A_644 = arith.select %and3A_642, %add3A_643, %rem3A_634 : i32
          %jit3A_645 = arith.constant 18 : i32
          %eq3A_646 = arith.constant 0 : i32
          %eq3A_647 = arith.cmpi eq, %jit3A_645, %eq3A_646 : i32
          %jit3A_648 = arith.constant 1 : i32
          %select_n3A_649 = arith.select %eq3A_647, %jit3A_648, %jit3A_645 : i32
          %rem3A_650 = arith.remsi %select_n3A_628, %select_n3A_649 : i32
          %ne3A_651 = arith.constant 0 : i32
          %ne3A_652 = arith.cmpi ne, %rem3A_650, %ne3A_651 : i32
          %lt3A_653 = arith.constant 0 : i32
          %lt3A_654 = arith.cmpi slt, %rem3A_650, %lt3A_653 : i32
          %lt3A_655 = arith.constant 0 : i32
          %lt3A_656 = arith.cmpi slt, %select_n3A_649, %lt3A_655 : i32
          %ne3A_657 = arith.xori %lt3A_654, %lt3A_656 : i1
          %and3A_658 = arith.andi %ne3A_657, %ne3A_652 : i1
          %add3A_659 = arith.addi %rem3A_650, %select_n3A_649 : i32
          %select_n3A_660 = arith.select %and3A_658, %add3A_659, %rem3A_650 : i32
          %add3A_661 = arith.constant 1 : i32
          %add3A_662 = arith.addi %select_n3A_660, %add3A_661 : i32
          %ge3A_663 = arith.constant 4 : i32
          %ge3A_664 = arith.cmpi sge, %select_n3A_660, %ge3A_663 : i32
          %convert_element_type3A_665 = arith.extui %ge3A_664 : i1 to i32
          %add3A_666 = arith.addi %add3A_662, %convert_element_type3A_665 : i32
          %jit3A_667 = arith.constant 18 : i32
          %div3A_668 = arith.divsi %select_n3A_628, %jit3A_667 : i32
          %sign3A_669 = arith.constant 0 : i32
          %sign3A_670 = arith.cmpi sgt, %select_n3A_628, %sign3A_669 : i32
          %sign3A_671 = arith.extui %sign3A_670 : i1 to i32
          %sign3A_672 = arith.constant 0 : i32
          %sign3A_673 = arith.cmpi slt, %select_n3A_628, %sign3A_672 : i32
          %sign3A_674 = arith.extui %sign3A_673 : i1 to i32
          %sign3A_675 = arith.subi %sign3A_671, %sign3A_674 : i32
          %sign3A_676 = arith.constant 0 : i32
          %sign3A_677 = arith.cmpi sgt, %jit3A_667, %sign3A_676 : i32
          %sign3A_678 = arith.extui %sign3A_677 : i1 to i32
          %sign3A_679 = arith.constant 0 : i32
          %sign3A_680 = arith.cmpi slt, %jit3A_667, %sign3A_679 : i32
          %sign3A_681 = arith.extui %sign3A_680 : i1 to i32
          %sign3A_682 = arith.subi %sign3A_678, %sign3A_681 : i32
          %ne3A_683 = arith.cmpi ne, %sign3A_675, %sign3A_682 : i32
          %rem3A_684 = arith.remsi %select_n3A_628, %jit3A_667 : i32
          %ne3A_685 = arith.constant 0 : i32
          %ne3A_686 = arith.cmpi ne, %rem3A_684, %ne3A_685 : i32
          %and3A_687 = arith.andi %ne3A_683, %ne3A_686 : i1
          %sub3A_688 = arith.constant 1 : i32
          %sub3A_689 = arith.subi %div3A_668, %sub3A_688 : i32
          %select_n3A_690 = arith.select %and3A_687, %sub3A_689, %div3A_668 : i32
          %mul3A_691 = arith.constant 32 : i32
          %mul3A_692 = arith.muli %mul3A_691, %select_n3A_660 : i32
          %mul3A_693 = arith.constant 16 : i32
          %mul3A_694 = arith.muli %mul3A_693, %select_n3A_644 : i32
          %add3A_695 = arith.addi %mul3A_692, %mul3A_694 : i32
          %multiple_of3A_696 = tpu.assume_multiple %add3A_695, 16 : i32
          %dma_wait3A_697 = arith.constant 0 : i32
          %dma_wait3A_698 = tpu.memref_slice %arg4[%select_n3A_690, %multiple_of3A_696, %dma_wait3A_697] : memref<20x576x1024xf32, #tpu.memory_space<hbm>> -> memref<1x16x1024xf32, #tpu.memory_space<hbm>>
          %dma_wait3A_699 = tpu.memref_squeeze %dma_wait3A_698 : memref<1x16x1024xf32, #tpu.memory_space<hbm>> -> memref<16x1024xf32, #tpu.memory_space<hbm>>
          %dma_wait3A_700 = arith.constant 0 : i32
          %dma_wait3A_701 = tpu.memref_slice %arg4[%select_n3A_690, %multiple_of3A_696, %dma_wait3A_700] : memref<20x576x1024xf32, #tpu.memory_space<hbm>> -> memref<1x16x1024xf32, #tpu.memory_space<hbm>>
          %dma_wait3A_702 = tpu.memref_squeeze %dma_wait3A_701 : memref<1x16x1024xf32, #tpu.memory_space<hbm>> -> memref<16x1024xf32, #tpu.memory_space<hbm>>
          tpu.wait_dma2 semaphore(%arg13 : memref<!tpu.dma_semaphore, #tpu.memory_space<semaphore_mem>>) src(%arg9 : memref<16x1024xf32, #tpu.memory_space<vmem>>) dst(%dma_wait3A_702 : memref<16x1024xf32, #tpu.memory_space<hbm>>)
        } else {
        }
        %scan3A = arith.constant 0 : i32
        %scan3A_502 = arith.constant 0 : i32
        %scan3A_503 = arith.constant 64 : i32
        %scan3A_504 = arith.addi %scan3A_502, %scan3A_503 : i32
        %scan3A_505 = arith.constant 1 : i32
        scf.for %scan3A_605 = %scan3A_502 to %scan3A_504 step %scan3A_505  : i32 {
          %mul3A_606 = arith.constant 16 : i32
          %mul3A_607 = arith.muli %scan3A_605, %mul3A_606 : i32
          %get3A = arith.index_cast %mul3A_607 : i32 to index
          %get3A_608 = tpu.vector_load %arg5[%get3A] {strides = array<i32>} : memref<1024xi32, #tpu.memory_space<vmem>>, vector<16xi32>,
          %broadcast_in_dim3A = arith.constant 0 : i32
          %broadcast_in_dim3A_609 = vector.broadcast %broadcast_in_dim3A : i32 to vector<16xi32>
          %gather3A = tpu.vector_load_idx %arg7[%broadcast_in_dim3A_609, %get3A_608] : memref<16x1002xf32, #tpu.memory_space<vmem>>[vector<16xi32>, vector<16xi32>], vector<16xf32>,
          %broadcast_in_dim3A_610 = arith.constant 1 : i32
          %broadcast_in_dim3A_611 = vector.broadcast %broadcast_in_dim3A_610 : i32 to vector<16xi32>
          %gather3A_612 = tpu.vector_load_idx %arg7[%broadcast_in_dim3A_611, %get3A_608] : memref<16x1002xf32, #tpu.memory_space<vmem>>[vector<16xi32>, vector<16xi32>], vector<16xf32>,
          %broadcast_in_dim3A_613 = arith.constant 2 : i32
          %broadcast_in_dim3A_614 = vector.broadcast %broadcast_in_dim3A_613 : i32 to vector<16xi32>
          %gather3A_615 = tpu.vector_load_idx %arg7[%broadcast_in_dim3A_614, %get3A_608] : memref<16x1002xf32, #tpu.memory_space<vmem>>[vector<16xi32>, vector<16xi32>], vector<16xf32>,
          %broadcast_in_dim3A_616 = arith.constant 3 : i32
          %broadcast_in_dim3A_617 = vector.broadcast %broadcast_in_dim3A_616 : i32 to vector<16xi32>
          %gather3A_618 = tpu.vector_load_idx %arg7[%broadcast_in_dim3A_617, %get3A_608] : memref<16x1002xf32, #tpu.memory_space<vmem>>[vector<16xi32>, vector<16xi32>], vector<16xf32>,
          %broadcast_in_dim3A_619 = arith.constant 4 : i32
          %broadcast_in_dim3A_620 = vector.broadcast %broadcast_in_dim3A_619 : i32 to vector<16xi32>
          %gather3A_621 = tpu.vector_load_idx %arg7[%broadcast_in_dim3A_620, %get3A_608] : memref<16x1002xf32, #tpu.memory_space<vmem>>[vector<16xi32>, vector<16xi32>], vector<16xf32>,
          %broadcast_in_dim3A_622 = arith.constant 5 : i32
          %broadcast_in_dim3A_623 = vector.broadcast %broadcast_in_dim3A_622 : i32 to vector<16xi32>
          %gather3A_624 = tpu.vector_load_idx %arg7[%broadcast_in_dim3A_623, %get3A_608] : memref<16x1002xf32, #tpu.memory_space<vmem>>[vector<16xi32>, vector<16xi32>], vector<16xf32>,
          %broadcast_in_dim3A_625 = arith.constant 6 : i32
          %broadcast_in_dim3A_626 = vector.broadcast %broadcast_in_dim3A_625 : i32 to vector<16xi32>
          %gather3A_627 = tpu.vector_load_idx %arg7[%broadcast_in_dim3A_626, %get3A_608] : memref<16x1002xf32, #tpu.memory_space<vmem>>[vector<16xi32>, vector<16xi32>], vector<16xf32>,
          %broadcast_in_dim3A_628 = arith.constant 7 : i32
          %broadcast_in_dim3A_629 = vector.broadcast %broadcast_in_dim3A_628 : i32 to vector<16xi32>
          %gather3A_630 = tpu.vector_load_idx %arg7[%broadcast_in_dim3A_629, %get3A_608] : memref<16x1002xf32, #tpu.memory_space<vmem>>[vector<16xi32>, vector<16xi32>], vector<16xf32>,
          %broadcast_in_dim3A_631 = arith.constant 8 : i32
          %broadcast_in_dim3A_632 = vector.broadcast %broadcast_in_dim3A_631 : i32 to vector<16xi32>
          %gather3A_633 = tpu.vector_load_idx %arg7[%broadcast_in_dim3A_632, %get3A_608] : memref<16x1002xf32, #tpu.memory_space<vmem>>[vector<16xi32>, vector<16xi32>], vector<16xf32>,
          %broadcast_in_dim3A_634 = arith.constant 9 : i32
          %broadcast_in_dim3A_635 = vector.broadcast %broadcast_in_dim3A_634 : i32 to vector<16xi32>
          %gather3A_636 = tpu.vector_load_idx %arg7[%broadcast_in_dim3A_635, %get3A_608] : memref<16x1002xf32, #tpu.memory_space<vmem>>[vector<16xi32>, vector<16xi32>], vector<16xf32>,
          %broadcast_in_dim3A_637 = arith.constant 10 : i32
          %broadcast_in_dim3A_638 = vector.broadcast %broadcast_in_dim3A_637 : i32 to vector<16xi32>
          %gather3A_639 = tpu.vector_load_idx %arg7[%broadcast_in_dim3A_638, %get3A_608] : memref<16x1002xf32, #tpu.memory_space<vmem>>[vector<16xi32>, vector<16xi32>], vector<16xf32>,
          %broadcast_in_dim3A_640 = arith.constant 11 : i32
          %broadcast_in_dim3A_641 = vector.broadcast %broadcast_in_dim3A_640 : i32 to vector<16xi32>
          %gather3A_642 = tpu.vector_load_idx %arg7[%broadcast_in_dim3A_641, %get3A_608] : memref<16x1002xf32, #tpu.memory_space<vmem>>[vector<16xi32>, vector<16xi32>], vector<16xf32>,
          %broadcast_in_dim3A_643 = arith.constant 12 : i32
          %broadcast_in_dim3A_644 = vector.broadcast %broadcast_in_dim3A_643 : i32 to vector<16xi32>
          %gather3A_645 = tpu.vector_load_idx %arg7[%broadcast_in_dim3A_644, %get3A_608] : memref<16x1002xf32, #tpu.memory_space<vmem>>[vector<16xi32>, vector<16xi32>], vector<16xf32>,
          %broadcast_in_dim3A_646 = arith.constant 13 : i32
          %broadcast_in_dim3A_647 = vector.broadcast %broadcast_in_dim3A_646 : i32 to vector<16xi32>
          %gather3A_648 = tpu.vector_load_idx %arg7[%broadcast_in_dim3A_647, %get3A_608] : memref<16x1002xf32, #tpu.memory_space<vmem>>[vector<16xi32>, vector<16xi32>], vector<16xf32>,
          %broadcast_in_dim3A_649 = arith.constant 14 : i32
          %broadcast_in_dim3A_650 = vector.broadcast %broadcast_in_dim3A_649 : i32 to vector<16xi32>
          %gather3A_651 = tpu.vector_load_idx %arg7[%broadcast_in_dim3A_650, %get3A_608] : memref<16x1002xf32, #tpu.memory_space<vmem>>[vector<16xi32>, vector<16xi32>], vector<16xf32>,
          %broadcast_in_dim3A_652 = arith.constant 15 : i32
          %broadcast_in_dim3A_653 = vector.broadcast %broadcast_in_dim3A_652 : i32 to vector<16xi32>
          %gather3A_654 = tpu.vector_load_idx %arg7[%broadcast_in_dim3A_653, %get3A_608] : memref<16x1002xf32, #tpu.memory_space<vmem>>[vector<16xi32>, vector<16xi32>], vector<16xf32>,
          %mul3A_655 = arith.constant 16 : i32
          %mul3A_656 = arith.muli %scan3A_605, %mul3A_655 : i32
          %swap3A = arith.constant 0 : i32
          %swap3A_657 = arith.index_cast %swap3A : i32 to index
          %swap3A_658 = arith.index_cast %mul3A_656 : i32 to index
          %swap3A_659 = tpu.vector_load %arg9[%swap3A_657, %swap3A_658] {strides = array<i32>} : memref<16x1024xf32, #tpu.memory_space<vmem>>, vector<16xf32>,
          tpu.vector_store %arg9[%swap3A_657, %swap3A_658], %gather3A {strides = array<i32>} : memref<16x1024xf32, #tpu.memory_space<vmem>>, vector<16xf32>,
          %mul3A_660 = arith.constant 16 : i32
          %mul3A_661 = arith.muli %scan3A_605, %mul3A_660 : i32
          %swap3A_662 = arith.constant 1 : i32
          %swap3A_663 = arith.index_cast %swap3A_662 : i32 to index
          %swap3A_664 = arith.index_cast %mul3A_661 : i32 to index
          %swap3A_665 = tpu.vector_load %arg9[%swap3A_663, %swap3A_664] {strides = array<i32>} : memref<16x1024xf32, #tpu.memory_space<vmem>>, vector<16xf32>,
          tpu.vector_store %arg9[%swap3A_663, %swap3A_664], %gather3A_612 {strides = array<i32>} : memref<16x1024xf32, #tpu.memory_space<vmem>>, vector<16xf32>,
          %mul3A_666 = arith.constant 16 : i32
          %mul3A_667 = arith.muli %scan3A_605, %mul3A_666 : i32
          %swap3A_668 = arith.constant 2 : i32
          %swap3A_669 = arith.index_cast %swap3A_668 : i32 to index
          %swap3A_670 = arith.index_cast %mul3A_667 : i32 to index
          %swap3A_671 = tpu.vector_load %arg9[%swap3A_669, %swap3A_670] {strides = array<i32>} : memref<16x1024xf32, #tpu.memory_space<vmem>>, vector<16xf32>,
          tpu.vector_store %arg9[%swap3A_669, %swap3A_670], %gather3A_615 {strides = array<i32>} : memref<16x1024xf32, #tpu.memory_space<vmem>>, vector<16xf32>,
          %mul3A_672 = arith.constant 16 : i32
          %mul3A_673 = arith.muli %scan3A_605, %mul3A_672 : i32
          %swap3A_674 = arith.constant 3 : i32
          %swap3A_675 = arith.index_cast %swap3A_674 : i32 to index
          %swap3A_676 = arith.index_cast %mul3A_673 : i32 to index
          %swap3A_677 = tpu.vector_load %arg9[%swap3A_675, %swap3A_676] {strides = array<i32>} : memref<16x1024xf32, #tpu.memory_space<vmem>>, vector<16xf32>,
          tpu.vector_store %arg9[%swap3A_675, %swap3A_676], %gather3A_618 {strides = array<i32>} : memref<16x1024xf32, #tpu.memory_space<vmem>>, vector<16xf32>,
          %mul3A_678 = arith.constant 16 : i32
          %mul3A_679 = arith.muli %scan3A_605, %mul3A_678 : i32
          %swap3A_680 = arith.constant 4 : i32
          %swap3A_681 = arith.index_cast %swap3A_680 : i32 to index
          %swap3A_682 = arith.index_cast %mul3A_679 : i32 to index
          %swap3A_683 = tpu.vector_load %arg9[%swap3A_681, %swap3A_682] {strides = array<i32>} : memref<16x1024xf32, #tpu.memory_space<vmem>>, vector<16xf32>,
          tpu.vector_store %arg9[%swap3A_681, %swap3A_682], %gather3A_621 {strides = array<i32>} : memref<16x1024xf32, #tpu.memory_space<vmem>>, vector<16xf32>,
          %mul3A_684 = arith.constant 16 : i32
          %mul3A_685 = arith.muli %scan3A_605, %mul3A_684 : i32
          %swap3A_686 = arith.constant 5 : i32
          %swap3A_687 = arith.index_cast %swap3A_686 : i32 to index
          %swap3A_688 = arith.index_cast %mul3A_685 : i32 to index
          %swap3A_689 = tpu.vector_load %arg9[%swap3A_687, %swap3A_688] {strides = array<i32>} : memref<16x1024xf32, #tpu.memory_space<vmem>>, vector<16xf32>,
          tpu.vector_store %arg9[%swap3A_687, %swap3A_688], %gather3A_624 {strides = array<i32>} : memref<16x1024xf32, #tpu.memory_space<vmem>>, vector<16xf32>,
          %mul3A_690 = arith.constant 16 : i32
          %mul3A_691 = arith.muli %scan3A_605, %mul3A_690 : i32
          %swap3A_692 = arith.constant 6 : i32
          %swap3A_693 = arith.index_cast %swap3A_692 : i32 to index
          %swap3A_694 = arith.index_cast %mul3A_691 : i32 to index
          %swap3A_695 = tpu.vector_load %arg9[%swap3A_693, %swap3A_694] {strides = array<i32>} : memref<16x1024xf32, #tpu.memory_space<vmem>>, vector<16xf32>,
          tpu.vector_store %arg9[%swap3A_693, %swap3A_694], %gather3A_627 {strides = array<i32>} : memref<16x1024xf32, #tpu.memory_space<vmem>>, vector<16xf32>,
          %mul3A_696 = arith.constant 16 : i32
          %mul3A_697 = arith.muli %scan3A_605, %mul3A_696 : i32
          %swap3A_698 = arith.constant 7 : i32
          %swap3A_699 = arith.index_cast %swap3A_698 : i32 to index
          %swap3A_700 = arith.index_cast %mul3A_697 : i32 to index
          %swap3A_701 = tpu.vector_load %arg9[%swap3A_699, %swap3A_700] {strides = array<i32>} : memref<16x1024xf32, #tpu.memory_space<vmem>>, vector<16xf32>,
          tpu.vector_store %arg9[%swap3A_699, %swap3A_700], %gather3A_630 {strides = array<i32>} : memref<16x1024xf32, #tpu.memory_space<vmem>>, vector<16xf32>,
          %mul3A_702 = arith.constant 16 : i32
          %mul3A_703 = arith.muli %scan3A_605, %mul3A_702 : i32
          %swap3A_704 = arith.constant 8 : i32
          %swap3A_705 = arith.index_cast %swap3A_704 : i32 to index
          %swap3A_706 = arith.index_cast %mul3A_703 : i32 to index
          %swap3A_707 = tpu.vector_load %arg9[%swap3A_705, %swap3A_706] {strides = array<i32>} : memref<16x1024xf32, #tpu.memory_space<vmem>>, vector<16xf32>,
          tpu.vector_store %arg9[%swap3A_705, %swap3A_706], %gather3A_633 {strides = array<i32>} : memref<16x1024xf32, #tpu.memory_space<vmem>>, vector<16xf32>,
          %mul3A_708 = arith.constant 16 : i32
          %mul3A_709 = arith.muli %scan3A_605, %mul3A_708 : i32
          %swap3A_710 = arith.constant 9 : i32
          %swap3A_711 = arith.index_cast %swap3A_710 : i32 to index
          %swap3A_712 = arith.index_cast %mul3A_709 : i32 to index
          %swap3A_713 = tpu.vector_load %arg9[%swap3A_711, %swap3A_712] {strides = array<i32>} : memref<16x1024xf32, #tpu.memory_space<vmem>>, vector<16xf32>,
          tpu.vector_store %arg9[%swap3A_711, %swap3A_712], %gather3A_636 {strides = array<i32>} : memref<16x1024xf32, #tpu.memory_space<vmem>>, vector<16xf32>,
          %mul3A_714 = arith.constant 16 : i32
          %mul3A_715 = arith.muli %scan3A_605, %mul3A_714 : i32
          %swap3A_716 = arith.constant 10 : i32
          %swap3A_717 = arith.index_cast %swap3A_716 : i32 to index
          %swap3A_718 = arith.index_cast %mul3A_715 : i32 to index
          %swap3A_719 = tpu.vector_load %arg9[%swap3A_717, %swap3A_718] {strides = array<i32>} : memref<16x1024xf32, #tpu.memory_space<vmem>>, vector<16xf32>,
          tpu.vector_store %arg9[%swap3A_717, %swap3A_718], %gather3A_639 {strides = array<i32>} : memref<16x1024xf32, #tpu.memory_space<vmem>>, vector<16xf32>,
          %mul3A_720 = arith.constant 16 : i32
          %mul3A_721 = arith.muli %scan3A_605, %mul3A_720 : i32
          %swap3A_722 = arith.constant 11 : i32
          %swap3A_723 = arith.index_cast %swap3A_722 : i32 to index
          %swap3A_724 = arith.index_cast %mul3A_721 : i32 to index
          %swap3A_725 = tpu.vector_load %arg9[%swap3A_723, %swap3A_724] {strides = array<i32>} : memref<16x1024xf32, #tpu.memory_space<vmem>>, vector<16xf32>,
          tpu.vector_store %arg9[%swap3A_723, %swap3A_724], %gather3A_642 {strides = array<i32>} : memref<16x1024xf32, #tpu.memory_space<vmem>>, vector<16xf32>,
          %mul3A_726 = arith.constant 16 : i32
          %mul3A_727 = arith.muli %scan3A_605, %mul3A_726 : i32
          %swap3A_728 = arith.constant 12 : i32
          %swap3A_729 = arith.index_cast %swap3A_728 : i32 to index
          %swap3A_730 = arith.index_cast %mul3A_727 : i32 to index
          %swap3A_731 = tpu.vector_load %arg9[%swap3A_729, %swap3A_730] {strides = array<i32>} : memref<16x1024xf32, #tpu.memory_space<vmem>>, vector<16xf32>,
          tpu.vector_store %arg9[%swap3A_729, %swap3A_730], %gather3A_645 {strides = array<i32>} : memref<16x1024xf32, #tpu.memory_space<vmem>>, vector<16xf32>,
          %mul3A_732 = arith.constant 16 : i32
          %mul3A_733 = arith.muli %scan3A_605, %mul3A_732 : i32
          %swap3A_734 = arith.constant 13 : i32
          %swap3A_735 = arith.index_cast %swap3A_734 : i32 to index
          %swap3A_736 = arith.index_cast %mul3A_733 : i32 to index
          %swap3A_737 = tpu.vector_load %arg9[%swap3A_735, %swap3A_736] {strides = array<i32>} : memref<16x1024xf32, #tpu.memory_space<vmem>>, vector<16xf32>,
          tpu.vector_store %arg9[%swap3A_735, %swap3A_736], %gather3A_648 {strides = array<i32>} : memref<16x1024xf32, #tpu.memory_space<vmem>>, vector<16xf32>,
          %mul3A_738 = arith.constant 16 : i32
          %mul3A_739 = arith.muli %scan3A_605, %mul3A_738 : i32
          %swap3A_740 = arith.constant 14 : i32
          %swap3A_741 = arith.index_cast %swap3A_740 : i32 to index
          %swap3A_742 = arith.index_cast %mul3A_739 : i32 to index
          %swap3A_743 = tpu.vector_load %arg9[%swap3A_741, %swap3A_742] {strides = array<i32>} : memref<16x1024xf32, #tpu.memory_space<vmem>>, vector<16xf32>,
          tpu.vector_store %arg9[%swap3A_741, %swap3A_742], %gather3A_651 {strides = array<i32>} : memref<16x1024xf32, #tpu.memory_space<vmem>>, vector<16xf32>,
          %mul3A_744 = arith.constant 16 : i32
          %mul3A_745 = arith.muli %scan3A_605, %mul3A_744 : i32
          %swap3A_746 = arith.constant 15 : i32
          %swap3A_747 = arith.index_cast %swap3A_746 : i32 to index
          %swap3A_748 = arith.index_cast %mul3A_745 : i32 to index
          %swap3A_749 = tpu.vector_load %arg9[%swap3A_747, %swap3A_748] {strides = array<i32>} : memref<16x1024xf32, #tpu.memory_space<vmem>>, vector<16xf32>,
          tpu.vector_store %arg9[%swap3A_747, %swap3A_748], %gather3A_654 {strides = array<i32>} : memref<16x1024xf32, #tpu.memory_space<vmem>>, vector<16xf32>,
        }
        %scan3A_506 = arith.constant 64 : i32
        %jit3A_507 = arith.constant 2 : i32
        %div3A_508 = arith.divsi %add3A_348, %jit3A_507 : i32
        %sign3A_509 = arith.constant 0 : i32
        %sign3A_510 = arith.cmpi sgt, %add3A_348, %sign3A_509 : i32
        %sign3A_511 = arith.extui %sign3A_510 : i1 to i32
        %sign3A_512 = arith.constant 0 : i32
        %sign3A_513 = arith.cmpi slt, %add3A_348, %sign3A_512 : i32
        %sign3A_514 = arith.extui %sign3A_513 : i1 to i32
        %sign3A_515 = arith.subi %sign3A_511, %sign3A_514 : i32
        %sign3A_516 = arith.constant 0 : i32
        %sign3A_517 = arith.cmpi sgt, %jit3A_507, %sign3A_516 : i32
        %sign3A_518 = arith.extui %sign3A_517 : i1 to i32
        %sign3A_519 = arith.constant 0 : i32
        %sign3A_520 = arith.cmpi slt, %jit3A_507, %sign3A_519 : i32
        %sign3A_521 = arith.extui %sign3A_520 : i1 to i32
        %sign3A_522 = arith.subi %sign3A_518, %sign3A_521 : i32
        %ne3A_523 = arith.cmpi ne, %sign3A_515, %sign3A_522 : i32
        %rem3A_524 = arith.remsi %add3A_348, %jit3A_507 : i32
        %ne3A_525 = arith.constant 0 : i32
        %ne3A_526 = arith.cmpi ne, %rem3A_524, %ne3A_525 : i32
        %and3A_527 = arith.andi %ne3A_523, %ne3A_526 : i1
        %sub3A_528 = arith.constant 1 : i32
        %sub3A_529 = arith.subi %div3A_508, %sub3A_528 : i32
        %select_n3A_530 = arith.select %and3A_527, %sub3A_529, %div3A_508 : i32
        %jit3A_531 = arith.constant 2 : i32
        %eq3A_532 = arith.constant 0 : i32
        %eq3A_533 = arith.cmpi eq, %jit3A_531, %eq3A_532 : i32
        %jit3A_534 = arith.constant 1 : i32
        %select_n3A_535 = arith.select %eq3A_533, %jit3A_534, %jit3A_531 : i32
        %rem3A_536 = arith.remsi %add3A_348, %select_n3A_535 : i32
        %ne3A_537 = arith.constant 0 : i32
        %ne3A_538 = arith.cmpi ne, %rem3A_536, %ne3A_537 : i32
        %lt3A_539 = arith.constant 0 : i32
        %lt3A_540 = arith.cmpi slt, %rem3A_536, %lt3A_539 : i32
        %lt3A_541 = arith.constant 0 : i32
        %lt3A_542 = arith.cmpi slt, %select_n3A_535, %lt3A_541 : i32
        %ne3A_543 = arith.xori %lt3A_540, %lt3A_542 : i1
        %and3A_544 = arith.andi %ne3A_543, %ne3A_538 : i1
        %add3A_545 = arith.addi %rem3A_536, %select_n3A_535 : i32
        %select_n3A_546 = arith.select %and3A_544, %add3A_545, %rem3A_536 : i32
        %jit3A_547 = arith.constant 18 : i32
        %eq3A_548 = arith.constant 0 : i32
        %eq3A_549 = arith.cmpi eq, %jit3A_547, %eq3A_548 : i32
        %jit3A_550 = arith.constant 1 : i32
        %select_n3A_551 = arith.select %eq3A_549, %jit3A_550, %jit3A_547 : i32
        %rem3A_552 = arith.remsi %select_n3A_530, %select_n3A_551 : i32
        %ne3A_553 = arith.constant 0 : i32
        %ne3A_554 = arith.cmpi ne, %rem3A_552, %ne3A_553 : i32
        %lt3A_555 = arith.constant 0 : i32
        %lt3A_556 = arith.cmpi slt, %rem3A_552, %lt3A_555 : i32
        %lt3A_557 = arith.constant 0 : i32
        %lt3A_558 = arith.cmpi slt, %select_n3A_551, %lt3A_557 : i32
        %ne3A_559 = arith.xori %lt3A_556, %lt3A_558 : i1
        %and3A_560 = arith.andi %ne3A_559, %ne3A_554 : i1
        %add3A_561 = arith.addi %rem3A_552, %select_n3A_551 : i32
        %select_n3A_562 = arith.select %and3A_560, %add3A_561, %rem3A_552 : i32
        %add3A_563 = arith.constant 1 : i32
        %add3A_564 = arith.addi %select_n3A_562, %add3A_563 : i32
        %ge3A_565 = arith.constant 4 : i32
        %ge3A_566 = arith.cmpi sge, %select_n3A_562, %ge3A_565 : i32
        %convert_element_type3A_567 = arith.extui %ge3A_566 : i1 to i32
        %add3A_568 = arith.addi %add3A_564, %convert_element_type3A_567 : i32
        %jit3A_569 = arith.constant 18 : i32
        %div3A_570 = arith.divsi %select_n3A_530, %jit3A_569 : i32
        %sign3A_571 = arith.constant 0 : i32
        %sign3A_572 = arith.cmpi sgt, %select_n3A_530, %sign3A_571 : i32
        %sign3A_573 = arith.extui %sign3A_572 : i1 to i32
        %sign3A_574 = arith.constant 0 : i32
        %sign3A_575 = arith.cmpi slt, %select_n3A_530, %sign3A_574 : i32
        %sign3A_576 = arith.extui %sign3A_575 : i1 to i32
        %sign3A_577 = arith.subi %sign3A_573, %sign3A_576 : i32
        %sign3A_578 = arith.constant 0 : i32
        %sign3A_579 = arith.cmpi sgt, %jit3A_569, %sign3A_578 : i32
        %sign3A_580 = arith.extui %sign3A_579 : i1 to i32
        %sign3A_581 = arith.constant 0 : i32
        %sign3A_582 = arith.cmpi slt, %jit3A_569, %sign3A_581 : i32
        %sign3A_583 = arith.extui %sign3A_582 : i1 to i32
        %sign3A_584 = arith.subi %sign3A_580, %sign3A_583 : i32
        %ne3A_585 = arith.cmpi ne, %sign3A_577, %sign3A_584 : i32
        %rem3A_586 = arith.remsi %select_n3A_530, %jit3A_569 : i32
        %ne3A_587 = arith.constant 0 : i32
        %ne3A_588 = arith.cmpi ne, %rem3A_586, %ne3A_587 : i32
        %and3A_589 = arith.andi %ne3A_585, %ne3A_588 : i1
        %sub3A_590 = arith.constant 1 : i32
        %sub3A_591 = arith.subi %div3A_570, %sub3A_590 : i32
        %select_n3A_592 = arith.select %and3A_589, %sub3A_591, %div3A_570 : i32
        %mul3A_593 = arith.constant 32 : i32
        %mul3A_594 = arith.muli %mul3A_593, %select_n3A_562 : i32
        %mul3A_595 = arith.constant 16 : i32
        %mul3A_596 = arith.muli %mul3A_595, %select_n3A_546 : i32
        %add3A_597 = arith.addi %mul3A_594, %mul3A_596 : i32
        %multiple_of3A_598 = tpu.assume_multiple %add3A_597, 16 : i32
        %dma_start3A_599 = arith.constant 0 : i32
        %dma_start3A_600 = tpu.memref_slice %arg4[%select_n3A_592, %multiple_of3A_598, %dma_start3A_599] : memref<20x576x1024xf32, #tpu.memory_space<hbm>> -> memref<1x16x1024xf32, #tpu.memory_space<hbm>>
        %dma_start3A_601 = tpu.memref_squeeze %dma_start3A_600 : memref<1x16x1024xf32, #tpu.memory_space<hbm>> -> memref<16x1024xf32, #tpu.memory_space<hbm>>
        %dma_start3A_602 = arith.constant 0 : i32
        %dma_start3A_603 = tpu.memref_slice %arg4[%select_n3A_592, %multiple_of3A_598, %dma_start3A_602] : memref<20x576x1024xf32, #tpu.memory_space<hbm>> -> memref<1x16x1024xf32, #tpu.memory_space<hbm>>
        %dma_start3A_604 = tpu.memref_squeeze %dma_start3A_603 : memref<1x16x1024xf32, #tpu.memory_space<hbm>> -> memref<16x1024xf32, #tpu.memory_space<hbm>>
        tpu.enqueue_dma source(%arg9 : memref<16x1024xf32, #tpu.memory_space<vmem>>) target(%dma_start3A_604 : memref<16x1024xf32, #tpu.memory_space<hbm>>) target_semaphore(%arg13 : memref<!tpu.dma_semaphore, #tpu.memory_space<semaphore_mem>>)
      } else {
      }
      %jit3A_369 = arith.constant 2 : i32
      %eq3A_370 = arith.constant 0 : i32
      %eq3A_371 = arith.cmpi eq, %jit3A_369, %eq3A_370 : i32
      %jit3A_372 = arith.constant 1 : i32
      %select_n3A_373 = arith.select %eq3A_371, %jit3A_372, %jit3A_369 : i32
      %rem3A_374 = arith.remsi %while3A_347, %select_n3A_373 : i32
      %ne3A_375 = arith.constant 0 : i32
      %ne3A_376 = arith.cmpi ne, %rem3A_374, %ne3A_375 : i32
      %lt3A_377 = arith.constant 0 : i32
      %lt3A_378 = arith.cmpi slt, %rem3A_374, %lt3A_377 : i32
      %lt3A_379 = arith.constant 0 : i32
      %lt3A_380 = arith.cmpi slt, %select_n3A_373, %lt3A_379 : i32
      %ne3A_381 = arith.xori %lt3A_378, %lt3A_380 : i1
      %and3A_382 = arith.andi %ne3A_381, %ne3A_376 : i1
      %add3A_383 = arith.addi %rem3A_374, %select_n3A_373 : i32
      %select_n3A_384 = arith.select %and3A_382, %add3A_383, %rem3A_374 : i32
      %eq3A_385 = arith.constant 1 : i32
      %eq3A_386 = arith.cmpi eq, %select_n3A_384, %eq3A_385 : i32
      %convert_element_type3A_387 = arith.extui %eq3A_386 : i1 to i32
      %cond3A_388 = arith.constant 0 : i32
      %cond3A_389 = arith.cmpi ne, %convert_element_type3A_387, %cond3A_388 : i32
      scf.if %cond3A_389 {
        %jit3A_390 = arith.constant 2 : i32
        %div3A_391 = arith.divsi %add3A_348, %jit3A_390 : i32
        %sign3A_392 = arith.constant 0 : i32
        %sign3A_393 = arith.cmpi sgt, %add3A_348, %sign3A_392 : i32
        %sign3A_394 = arith.extui %sign3A_393 : i1 to i32
        %sign3A_395 = arith.constant 0 : i32
        %sign3A_396 = arith.cmpi slt, %add3A_348, %sign3A_395 : i32
        %sign3A_397 = arith.extui %sign3A_396 : i1 to i32
        %sign3A_398 = arith.subi %sign3A_394, %sign3A_397 : i32
        %sign3A_399 = arith.constant 0 : i32
        %sign3A_400 = arith.cmpi sgt, %jit3A_390, %sign3A_399 : i32
        %sign3A_401 = arith.extui %sign3A_400 : i1 to i32
        %sign3A_402 = arith.constant 0 : i32
        %sign3A_403 = arith.cmpi slt, %jit3A_390, %sign3A_402 : i32
        %sign3A_404 = arith.extui %sign3A_403 : i1 to i32
        %sign3A_405 = arith.subi %sign3A_401, %sign3A_404 : i32
        %ne3A_406 = arith.cmpi ne, %sign3A_398, %sign3A_405 : i32
        %rem3A_407 = arith.remsi %add3A_348, %jit3A_390 : i32
        %ne3A_408 = arith.constant 0 : i32
        %ne3A_409 = arith.cmpi ne, %rem3A_407, %ne3A_408 : i32
        %and3A_410 = arith.andi %ne3A_406, %ne3A_409 : i1
        %sub3A_411 = arith.constant 1 : i32
        %sub3A_412 = arith.subi %div3A_391, %sub3A_411 : i32
        %select_n3A_413 = arith.select %and3A_410, %sub3A_412, %div3A_391 : i32
        %jit3A_414 = arith.constant 2 : i32
        %eq3A_415 = arith.constant 0 : i32
        %eq3A_416 = arith.cmpi eq, %jit3A_414, %eq3A_415 : i32
        %jit3A_417 = arith.constant 1 : i32
        %select_n3A_418 = arith.select %eq3A_416, %jit3A_417, %jit3A_414 : i32
        %rem3A_419 = arith.remsi %add3A_348, %select_n3A_418 : i32
        %ne3A_420 = arith.constant 0 : i32
        %ne3A_421 = arith.cmpi ne, %rem3A_419, %ne3A_420 : i32
        %lt3A_422 = arith.constant 0 : i32
        %lt3A_423 = arith.cmpi slt, %rem3A_419, %lt3A_422 : i32
        %lt3A_424 = arith.constant 0 : i32
        %lt3A_425 = arith.cmpi slt, %select_n3A_418, %lt3A_424 : i32
        %ne3A_426 = arith.xori %lt3A_423, %lt3A_425 : i1
        %and3A_427 = arith.andi %ne3A_426, %ne3A_421 : i1
        %add3A_428 = arith.addi %rem3A_419, %select_n3A_418 : i32
        %select_n3A_429 = arith.select %and3A_427, %add3A_428, %rem3A_419 : i32
        %jit3A_430 = arith.constant 18 : i32
        %eq3A_431 = arith.constant 0 : i32
        %eq3A_432 = arith.cmpi eq, %jit3A_430, %eq3A_431 : i32
        %jit3A_433 = arith.constant 1 : i32
        %select_n3A_434 = arith.select %eq3A_432, %jit3A_433, %jit3A_430 : i32
        %rem3A_435 = arith.remsi %select_n3A_413, %select_n3A_434 : i32
        %ne3A_436 = arith.constant 0 : i32
        %ne3A_437 = arith.cmpi ne, %rem3A_435, %ne3A_436 : i32
        %lt3A_438 = arith.constant 0 : i32
        %lt3A_439 = arith.cmpi slt, %rem3A_435, %lt3A_438 : i32
        %lt3A_440 = arith.constant 0 : i32
        %lt3A_441 = arith.cmpi slt, %select_n3A_434, %lt3A_440 : i32
        %ne3A_442 = arith.xori %lt3A_439, %lt3A_441 : i1
        %and3A_443 = arith.andi %ne3A_442, %ne3A_437 : i1
        %add3A_444 = arith.addi %rem3A_435, %select_n3A_434 : i32
        %select_n3A_445 = arith.select %and3A_443, %add3A_444, %rem3A_435 : i32
        %add3A_446 = arith.constant 1 : i32
        %add3A_447 = arith.addi %select_n3A_445, %add3A_446 : i32
        %ge3A_448 = arith.constant 4 : i32
        %ge3A_449 = arith.cmpi sge, %select_n3A_445, %ge3A_448 : i32
        %convert_element_type3A_450 = arith.extui %ge3A_449 : i1 to i32
        %add3A_451 = arith.addi %add3A_447, %convert_element_type3A_450 : i32
        %jit3A_452 = arith.constant 18 : i32
        %div3A_453 = arith.divsi %select_n3A_413, %jit3A_452 : i32
        %sign3A_454 = arith.constant 0 : i32
        %sign3A_455 = arith.cmpi sgt, %select_n3A_413, %sign3A_454 : i32
        %sign3A_456 = arith.extui %sign3A_455 : i1 to i32
        %sign3A_457 = arith.constant 0 : i32
        %sign3A_458 = arith.cmpi slt, %select_n3A_413, %sign3A_457 : i32
        %sign3A_459 = arith.extui %sign3A_458 : i1 to i32
        %sign3A_460 = arith.subi %sign3A_456, %sign3A_459 : i32
        %sign3A_461 = arith.constant 0 : i32
        %sign3A_462 = arith.cmpi sgt, %jit3A_452, %sign3A_461 : i32
        %sign3A_463 = arith.extui %sign3A_462 : i1 to i32
        %sign3A_464 = arith.constant 0 : i32
        %sign3A_465 = arith.cmpi slt, %jit3A_452, %sign3A_464 : i32
        %sign3A_466 = arith.extui %sign3A_465 : i1 to i32
        %sign3A_467 = arith.subi %sign3A_463, %sign3A_466 : i32
        %ne3A_468 = arith.cmpi ne, %sign3A_460, %sign3A_467 : i32
        %rem3A_469 = arith.remsi %select_n3A_413, %jit3A_452 : i32
        %ne3A_470 = arith.constant 0 : i32
        %ne3A_471 = arith.cmpi ne, %rem3A_469, %ne3A_470 : i32
        %and3A_472 = arith.andi %ne3A_468, %ne3A_471 : i1
        %sub3A_473 = arith.constant 1 : i32
        %sub3A_474 = arith.subi %div3A_453, %sub3A_473 : i32
        %select_n3A_475 = arith.select %and3A_472, %sub3A_474, %div3A_453 : i32
        %mul3A_476 = arith.constant 16 : i32
        %mul3A_477 = arith.muli %mul3A_476, %select_n3A_429 : i32
        %multiple_of3A_478 = tpu.assume_multiple %mul3A_477, 16 : i32
        %dma_wait3A_479 = arith.constant 0 : i32
        %dma_wait3A_480 = tpu.memref_slice %arg3[%select_n3A_475, %add3A_451, %dma_wait3A_479] : memref<20x20x1024xi32, #tpu.memory_space<hbm>> -> memref<1x1x1024xi32, #tpu.memory_space<hbm>>
        %dma_wait3A_481 = tpu.memref_squeeze %dma_wait3A_480 : memref<1x1x1024xi32, #tpu.memory_space<hbm>> -> memref<1024xi32, #tpu.memory_space<hbm>>
        %dma_wait3A_482 = arith.constant 0 : i32
        %dma_wait3A_483 = tpu.memref_slice %arg3[%select_n3A_475, %add3A_451, %dma_wait3A_482] : memref<20x20x1024xi32, #tpu.memory_space<hbm>> -> memref<1x1x1024xi32, #tpu.memory_space<hbm>>
        %dma_wait3A_484 = tpu.memref_squeeze %dma_wait3A_483 : memref<1x1x1024xi32, #tpu.memory_space<hbm>> -> memref<1024xi32, #tpu.memory_space<hbm>>
        tpu.wait_dma2 semaphore(%arg12 : memref<!tpu.dma_semaphore, #tpu.memory_space<semaphore_mem>>) src(%dma_wait3A_484 : memref<1024xi32, #tpu.memory_space<hbm>>) dst(%arg6 : memref<1024xi32, #tpu.memory_space<vmem>>)
        %dma_wait3A_485 = arith.constant 0 : i32
        %dma_wait3A_486 = tpu.memref_slice %arg2[%select_n3A_475, %select_n3A_445, %multiple_of3A_478, %dma_wait3A_485] : memref<20x18x32x1002xf32, #tpu.memory_space<hbm>> -> memref<1x1x16x1002xf32, #tpu.memory_space<hbm>>
        %dma_wait3A_487 = tpu.memref_squeeze %dma_wait3A_486 : memref<1x1x16x1002xf32, #tpu.memory_space<hbm>> -> memref<16x1002xf32, #tpu.memory_space<hbm>>
        %dma_wait3A_488 = arith.constant 0 : i32
        %dma_wait3A_489 = tpu.memref_slice %arg2[%select_n3A_475, %select_n3A_445, %multiple_of3A_478, %dma_wait3A_488] : memref<20x18x32x1002xf32, #tpu.memory_space<hbm>> -> memref<1x1x16x1002xf32, #tpu.memory_space<hbm>>
        %dma_wait3A_490 = tpu.memref_squeeze %dma_wait3A_489 : memref<1x1x16x1002xf32, #tpu.memory_space<hbm>> -> memref<16x1002xf32, #tpu.memory_space<hbm>>
        tpu.wait_dma2 semaphore(%arg12 : memref<!tpu.dma_semaphore, #tpu.memory_space<semaphore_mem>>) src(%dma_wait3A_490 : memref<16x1002xf32, #tpu.memory_space<hbm>>) dst(%arg8 : memref<16x1002xf32, #tpu.memory_space<vmem>>)
        %add3A_491 = arith.constant 1 : i32
        %add3A_492 = arith.addi %add3A_348, %add3A_491 : i32
        %lt3A_493 = arith.cmpi slt, %add3A_492, %select_n3A_46 : i32
        %convert_element_type3A_494 = arith.extui %lt3A_493 : i1 to i32
        %cond3A_495 = arith.constant 0 : i32
        %cond3A_496 = arith.cmpi ne, %convert_element_type3A_494, %cond3A_495 : i32
        scf.if %cond3A_496 {
          %add3A_605 = arith.constant 1 : i32
          %add3A_606 = arith.addi %add3A_348, %add3A_605 : i32
          %jit3A_607 = arith.constant 2 : i32
          %div3A_608 = arith.divsi %add3A_606, %jit3A_607 : i32
          %sign3A_609 = arith.constant 0 : i32
          %sign3A_610 = arith.cmpi sgt, %add3A_606, %sign3A_609 : i32
          %sign3A_611 = arith.extui %sign3A_610 : i1 to i32
          %sign3A_612 = arith.constant 0 : i32
          %sign3A_613 = arith.cmpi slt, %add3A_606, %sign3A_612 : i32
          %sign3A_614 = arith.extui %sign3A_613 : i1 to i32
          %sign3A_615 = arith.subi %sign3A_611, %sign3A_614 : i32
          %sign3A_616 = arith.constant 0 : i32
          %sign3A_617 = arith.cmpi sgt, %jit3A_607, %sign3A_616 : i32
          %sign3A_618 = arith.extui %sign3A_617 : i1 to i32
          %sign3A_619 = arith.constant 0 : i32
          %sign3A_620 = arith.cmpi slt, %jit3A_607, %sign3A_619 : i32
          %sign3A_621 = arith.extui %sign3A_620 : i1 to i32
          %sign3A_622 = arith.subi %sign3A_618, %sign3A_621 : i32
          %ne3A_623 = arith.cmpi ne, %sign3A_615, %sign3A_622 : i32
          %rem3A_624 = arith.remsi %add3A_606, %jit3A_607 : i32
          %ne3A_625 = arith.constant 0 : i32
          %ne3A_626 = arith.cmpi ne, %rem3A_624, %ne3A_625 : i32
          %and3A_627 = arith.andi %ne3A_623, %ne3A_626 : i1
          %sub3A_628 = arith.constant 1 : i32
          %sub3A_629 = arith.subi %div3A_608, %sub3A_628 : i32
          %select_n3A_630 = arith.select %and3A_627, %sub3A_629, %div3A_608 : i32
          %jit3A_631 = arith.constant 2 : i32
          %eq3A_632 = arith.constant 0 : i32
          %eq3A_633 = arith.cmpi eq, %jit3A_631, %eq3A_632 : i32
          %jit3A_634 = arith.constant 1 : i32
          %select_n3A_635 = arith.select %eq3A_633, %jit3A_634, %jit3A_631 : i32
          %rem3A_636 = arith.remsi %add3A_606, %select_n3A_635 : i32
          %ne3A_637 = arith.constant 0 : i32
          %ne3A_638 = arith.cmpi ne, %rem3A_636, %ne3A_637 : i32
          %lt3A_639 = arith.constant 0 : i32
          %lt3A_640 = arith.cmpi slt, %rem3A_636, %lt3A_639 : i32
          %lt3A_641 = arith.constant 0 : i32
          %lt3A_642 = arith.cmpi slt, %select_n3A_635, %lt3A_641 : i32
          %ne3A_643 = arith.xori %lt3A_640, %lt3A_642 : i1
          %and3A_644 = arith.andi %ne3A_643, %ne3A_638 : i1
          %add3A_645 = arith.addi %rem3A_636, %select_n3A_635 : i32
          %select_n3A_646 = arith.select %and3A_644, %add3A_645, %rem3A_636 : i32
          %jit3A_647 = arith.constant 18 : i32
          %eq3A_648 = arith.constant 0 : i32
          %eq3A_649 = arith.cmpi eq, %jit3A_647, %eq3A_648 : i32
          %jit3A_650 = arith.constant 1 : i32
          %select_n3A_651 = arith.select %eq3A_649, %jit3A_650, %jit3A_647 : i32
          %rem3A_652 = arith.remsi %select_n3A_630, %select_n3A_651 : i32
          %ne3A_653 = arith.constant 0 : i32
          %ne3A_654 = arith.cmpi ne, %rem3A_652, %ne3A_653 : i32
          %lt3A_655 = arith.constant 0 : i32
          %lt3A_656 = arith.cmpi slt, %rem3A_652, %lt3A_655 : i32
          %lt3A_657 = arith.constant 0 : i32
          %lt3A_658 = arith.cmpi slt, %select_n3A_651, %lt3A_657 : i32
          %ne3A_659 = arith.xori %lt3A_656, %lt3A_658 : i1
          %and3A_660 = arith.andi %ne3A_659, %ne3A_654 : i1
          %add3A_661 = arith.addi %rem3A_652, %select_n3A_651 : i32
          %select_n3A_662 = arith.select %and3A_660, %add3A_661, %rem3A_652 : i32
          %add3A_663 = arith.constant 1 : i32
          %add3A_664 = arith.addi %select_n3A_662, %add3A_663 : i32
          %ge3A_665 = arith.constant 4 : i32
          %ge3A_666 = arith.cmpi sge, %select_n3A_662, %ge3A_665 : i32
          %convert_element_type3A_667 = arith.extui %ge3A_666 : i1 to i32
          %add3A_668 = arith.addi %add3A_664, %convert_element_type3A_667 : i32
          %jit3A_669 = arith.constant 18 : i32
          %div3A_670 = arith.divsi %select_n3A_630, %jit3A_669 : i32
          %sign3A_671 = arith.constant 0 : i32
          %sign3A_672 = arith.cmpi sgt, %select_n3A_630, %sign3A_671 : i32
          %sign3A_673 = arith.extui %sign3A_672 : i1 to i32
          %sign3A_674 = arith.constant 0 : i32
          %sign3A_675 = arith.cmpi slt, %select_n3A_630, %sign3A_674 : i32
          %sign3A_676 = arith.extui %sign3A_675 : i1 to i32
          %sign3A_677 = arith.subi %sign3A_673, %sign3A_676 : i32
          %sign3A_678 = arith.constant 0 : i32
          %sign3A_679 = arith.cmpi sgt, %jit3A_669, %sign3A_678 : i32
          %sign3A_680 = arith.extui %sign3A_679 : i1 to i32
          %sign3A_681 = arith.constant 0 : i32
          %sign3A_682 = arith.cmpi slt, %jit3A_669, %sign3A_681 : i32
          %sign3A_683 = arith.extui %sign3A_682 : i1 to i32
          %sign3A_684 = arith.subi %sign3A_680, %sign3A_683 : i32
          %ne3A_685 = arith.cmpi ne, %sign3A_677, %sign3A_684 : i32
          %rem3A_686 = arith.remsi %select_n3A_630, %jit3A_669 : i32
          %ne3A_687 = arith.constant 0 : i32
          %ne3A_688 = arith.cmpi ne, %rem3A_686, %ne3A_687 : i32
          %and3A_689 = arith.andi %ne3A_685, %ne3A_688 : i1
          %sub3A_690 = arith.constant 1 : i32
          %sub3A_691 = arith.subi %div3A_670, %sub3A_690 : i32
          %select_n3A_692 = arith.select %and3A_689, %sub3A_691, %div3A_670 : i32
          %mul3A_693 = arith.constant 16 : i32
          %mul3A_694 = arith.muli %mul3A_693, %select_n3A_646 : i32
          %multiple_of3A_695 = tpu.assume_multiple %mul3A_694, 16 : i32
          %dma_start3A_696 = arith.constant 0 : i32
          %dma_start3A_697 = tpu.memref_slice %arg3[%select_n3A_692, %add3A_668, %dma_start3A_696] : memref<20x20x1024xi32, #tpu.memory_space<hbm>> -> memref<1x1x1024xi32, #tpu.memory_space<hbm>>
          %dma_start3A_698 = tpu.memref_squeeze %dma_start3A_697 : memref<1x1x1024xi32, #tpu.memory_space<hbm>> -> memref<1024xi32, #tpu.memory_space<hbm>>
          %dma_start3A_699 = arith.constant 0 : i32
          %dma_start3A_700 = tpu.memref_slice %arg3[%select_n3A_692, %add3A_668, %dma_start3A_699] : memref<20x20x1024xi32, #tpu.memory_space<hbm>> -> memref<1x1x1024xi32, #tpu.memory_space<hbm>>
          %dma_start3A_701 = tpu.memref_squeeze %dma_start3A_700 : memref<1x1x1024xi32, #tpu.memory_space<hbm>> -> memref<1024xi32, #tpu.memory_space<hbm>>
          tpu.enqueue_dma source(%dma_start3A_701 : memref<1024xi32, #tpu.memory_space<hbm>>) target(%arg5 : memref<1024xi32, #tpu.memory_space<vmem>>) target_semaphore(%arg11 : memref<!tpu.dma_semaphore, #tpu.memory_space<semaphore_mem>>)
          %dma_start3A_702 = arith.constant 0 : i32
          %dma_start3A_703 = tpu.memref_slice %arg2[%select_n3A_692, %select_n3A_662, %multiple_of3A_695, %dma_start3A_702] : memref<20x18x32x1002xf32, #tpu.memory_space<hbm>> -> memref<1x1x16x1002xf32, #tpu.memory_space<hbm>>
          %dma_start3A_704 = tpu.memref_squeeze %dma_start3A_703 : memref<1x1x16x1002xf32, #tpu.memory_space<hbm>> -> memref<16x1002xf32, #tpu.memory_space<hbm>>
          %dma_start3A_705 = arith.constant 0 : i32
          %dma_start3A_706 = tpu.memref_slice %arg2[%select_n3A_692, %select_n3A_662, %multiple_of3A_695, %dma_start3A_705] : memref<20x18x32x1002xf32, #tpu.memory_space<hbm>> -> memref<1x1x16x1002xf32, #tpu.memory_space<hbm>>
          %dma_start3A_707 = tpu.memref_squeeze %dma_start3A_706 : memref<1x1x16x1002xf32, #tpu.memory_space<hbm>> -> memref<16x1002xf32, #tpu.memory_space<hbm>>
          tpu.enqueue_dma source(%dma_start3A_707 : memref<16x1002xf32, #tpu.memory_space<hbm>>) target(%arg7 : memref<16x1002xf32, #tpu.memory_space<vmem>>) target_semaphore(%arg11 : memref<!tpu.dma_semaphore, #tpu.memory_space<semaphore_mem>>)
        } else {
        }
        %ge3A_497 = arith.constant 2 : i32
        %ge3A_498 = arith.cmpi sge, %while3A_347, %ge3A_497 : i32
        %convert_element_type3A_499 = arith.extui %ge3A_498 : i1 to i32
        %cond3A_500 = arith.constant 0 : i32
        %cond3A_501 = arith.cmpi ne, %convert_element_type3A_499, %cond3A_500 : i32
        scf.if %cond3A_501 {
          %jit3A_605 = arith.constant 2 : i32
          %div3A_606 = arith.divsi %add3A_348, %jit3A_605 : i32
          %sign3A_607 = arith.constant 0 : i32
          %sign3A_608 = arith.cmpi sgt, %add3A_348, %sign3A_607 : i32
          %sign3A_609 = arith.extui %sign3A_608 : i1 to i32
          %sign3A_610 = arith.constant 0 : i32
          %sign3A_611 = arith.cmpi slt, %add3A_348, %sign3A_610 : i32
          %sign3A_612 = arith.extui %sign3A_611 : i1 to i32
          %sign3A_613 = arith.subi %sign3A_609, %sign3A_612 : i32
          %sign3A_614 = arith.constant 0 : i32
          %sign3A_615 = arith.cmpi sgt, %jit3A_605, %sign3A_614 : i32
          %sign3A_616 = arith.extui %sign3A_615 : i1 to i32
          %sign3A_617 = arith.constant 0 : i32
          %sign3A_618 = arith.cmpi slt, %jit3A_605, %sign3A_617 : i32
          %sign3A_619 = arith.extui %sign3A_618 : i1 to i32
          %sign3A_620 = arith.subi %sign3A_616, %sign3A_619 : i32
          %ne3A_621 = arith.cmpi ne, %sign3A_613, %sign3A_620 : i32
          %rem3A_622 = arith.remsi %add3A_348, %jit3A_605 : i32
          %ne3A_623 = arith.constant 0 : i32
          %ne3A_624 = arith.cmpi ne, %rem3A_622, %ne3A_623 : i32
          %and3A_625 = arith.andi %ne3A_621, %ne3A_624 : i1
          %sub3A_626 = arith.constant 1 : i32
          %sub3A_627 = arith.subi %div3A_606, %sub3A_626 : i32
          %select_n3A_628 = arith.select %and3A_625, %sub3A_627, %div3A_606 : i32
          %jit3A_629 = arith.constant 2 : i32
          %eq3A_630 = arith.constant 0 : i32
          %eq3A_631 = arith.cmpi eq, %jit3A_629, %eq3A_630 : i32
          %jit3A_632 = arith.constant 1 : i32
          %select_n3A_633 = arith.select %eq3A_631, %jit3A_632, %jit3A_629 : i32
          %rem3A_634 = arith.remsi %add3A_348, %select_n3A_633 : i32
          %ne3A_635 = arith.constant 0 : i32
          %ne3A_636 = arith.cmpi ne, %rem3A_634, %ne3A_635 : i32
          %lt3A_637 = arith.constant 0 : i32
          %lt3A_638 = arith.cmpi slt, %rem3A_634, %lt3A_637 : i32
          %lt3A_639 = arith.constant 0 : i32
          %lt3A_640 = arith.cmpi slt, %select_n3A_633, %lt3A_639 : i32
          %ne3A_641 = arith.xori %lt3A_638, %lt3A_640 : i1
          %and3A_642 = arith.andi %ne3A_641, %ne3A_636 : i1
          %add3A_643 = arith.addi %rem3A_634, %select_n3A_633 : i32
          %select_n3A_644 = arith.select %and3A_642, %add3A_643, %rem3A_634 : i32
          %jit3A_645 = arith.constant 18 : i32
          %eq3A_646 = arith.constant 0 : i32
          %eq3A_647 = arith.cmpi eq, %jit3A_645, %eq3A_646 : i32
          %jit3A_648 = arith.constant 1 : i32
          %select_n3A_649 = arith.select %eq3A_647, %jit3A_648, %jit3A_645 : i32
          %rem3A_650 = arith.remsi %select_n3A_628, %select_n3A_649 : i32
          %ne3A_651 = arith.constant 0 : i32
          %ne3A_652 = arith.cmpi ne, %rem3A_650, %ne3A_651 : i32
          %lt3A_653 = arith.constant 0 : i32
          %lt3A_654 = arith.cmpi slt, %rem3A_650, %lt3A_653 : i32
          %lt3A_655 = arith.constant 0 : i32
          %lt3A_656 = arith.cmpi slt, %select_n3A_649, %lt3A_655 : i32
          %ne3A_657 = arith.xori %lt3A_654, %lt3A_656 : i1
          %and3A_658 = arith.andi %ne3A_657, %ne3A_652 : i1
          %add3A_659 = arith.addi %rem3A_650, %select_n3A_649 : i32
          %select_n3A_660 = arith.select %and3A_658, %add3A_659, %rem3A_650 : i32
          %add3A_661 = arith.constant 1 : i32
          %add3A_662 = arith.addi %select_n3A_660, %add3A_661 : i32
          %ge3A_663 = arith.constant 4 : i32
          %ge3A_664 = arith.cmpi sge, %select_n3A_660, %ge3A_663 : i32
          %convert_element_type3A_665 = arith.extui %ge3A_664 : i1 to i32
          %add3A_666 = arith.addi %add3A_662, %convert_element_type3A_665 : i32
          %jit3A_667 = arith.constant 18 : i32
          %div3A_668 = arith.divsi %select_n3A_628, %jit3A_667 : i32
          %sign3A_669 = arith.constant 0 : i32
          %sign3A_670 = arith.cmpi sgt, %select_n3A_628, %sign3A_669 : i32
          %sign3A_671 = arith.extui %sign3A_670 : i1 to i32
          %sign3A_672 = arith.constant 0 : i32
          %sign3A_673 = arith.cmpi slt, %select_n3A_628, %sign3A_672 : i32
          %sign3A_674 = arith.extui %sign3A_673 : i1 to i32
          %sign3A_675 = arith.subi %sign3A_671, %sign3A_674 : i32
          %sign3A_676 = arith.constant 0 : i32
          %sign3A_677 = arith.cmpi sgt, %jit3A_667, %sign3A_676 : i32
          %sign3A_678 = arith.extui %sign3A_677 : i1 to i32
          %sign3A_679 = arith.constant 0 : i32
          %sign3A_680 = arith.cmpi slt, %jit3A_667, %sign3A_679 : i32
          %sign3A_681 = arith.extui %sign3A_680 : i1 to i32
          %sign3A_682 = arith.subi %sign3A_678, %sign3A_681 : i32
          %ne3A_683 = arith.cmpi ne, %sign3A_675, %sign3A_682 : i32
          %rem3A_684 = arith.remsi %select_n3A_628, %jit3A_667 : i32
          %ne3A_685 = arith.constant 0 : i32
          %ne3A_686 = arith.cmpi ne, %rem3A_684, %ne3A_685 : i32
          %and3A_687 = arith.andi %ne3A_683, %ne3A_686 : i1
          %sub3A_688 = arith.constant 1 : i32
          %sub3A_689 = arith.subi %div3A_668, %sub3A_688 : i32
          %select_n3A_690 = arith.select %and3A_687, %sub3A_689, %div3A_668 : i32
          %mul3A_691 = arith.constant 32 : i32
          %mul3A_692 = arith.muli %mul3A_691, %select_n3A_660 : i32
          %mul3A_693 = arith.constant 16 : i32
          %mul3A_694 = arith.muli %mul3A_693, %select_n3A_644 : i32
          %add3A_695 = arith.addi %mul3A_692, %mul3A_694 : i32
          %multiple_of3A_696 = tpu.assume_multiple %add3A_695, 16 : i32
          %dma_wait3A_697 = arith.constant 0 : i32
          %dma_wait3A_698 = tpu.memref_slice %arg4[%select_n3A_690, %multiple_of3A_696, %dma_wait3A_697] : memref<20x576x1024xf32, #tpu.memory_space<hbm>> -> memref<1x16x1024xf32, #tpu.memory_space<hbm>>
          %dma_wait3A_699 = tpu.memref_squeeze %dma_wait3A_698 : memref<1x16x1024xf32, #tpu.memory_space<hbm>> -> memref<16x1024xf32, #tpu.memory_space<hbm>>
          %dma_wait3A_700 = arith.constant 0 : i32
          %dma_wait3A_701 = tpu.memref_slice %arg4[%select_n3A_690, %multiple_of3A_696, %dma_wait3A_700] : memref<20x576x1024xf32, #tpu.memory_space<hbm>> -> memref<1x16x1024xf32, #tpu.memory_space<hbm>>
          %dma_wait3A_702 = tpu.memref_squeeze %dma_wait3A_701 : memref<1x16x1024xf32, #tpu.memory_space<hbm>> -> memref<16x1024xf32, #tpu.memory_space<hbm>>
          tpu.wait_dma2 semaphore(%arg14 : memref<!tpu.dma_semaphore, #tpu.memory_space<semaphore_mem>>) src(%arg10 : memref<16x1024xf32, #tpu.memory_space<vmem>>) dst(%dma_wait3A_702 : memref<16x1024xf32, #tpu.memory_space<hbm>>)
        } else {
        }
        %scan3A = arith.constant 0 : i32
        %scan3A_502 = arith.constant 0 : i32
        %scan3A_503 = arith.constant 64 : i32
        %scan3A_504 = arith.addi %scan3A_502, %scan3A_503 : i32
        %scan3A_505 = arith.constant 1 : i32
        scf.for %scan3A_605 = %scan3A_502 to %scan3A_504 step %scan3A_505  : i32 {
          %mul3A_606 = arith.constant 16 : i32
          %mul3A_607 = arith.muli %scan3A_605, %mul3A_606 : i32
          %get3A = arith.index_cast %mul3A_607 : i32 to index
          %get3A_608 = tpu.vector_load %arg6[%get3A] {strides = array<i32>} : memref<1024xi32, #tpu.memory_space<vmem>>, vector<16xi32>,
          %broadcast_in_dim3A = arith.constant 0 : i32
          %broadcast_in_dim3A_609 = vector.broadcast %broadcast_in_dim3A : i32 to vector<16xi32>
          %gather3A = tpu.vector_load_idx %arg8[%broadcast_in_dim3A_609, %get3A_608] : memref<16x1002xf32, #tpu.memory_space<vmem>>[vector<16xi32>, vector<16xi32>], vector<16xf32>,
          %broadcast_in_dim3A_610 = arith.constant 1 : i32
          %broadcast_in_dim3A_611 = vector.broadcast %broadcast_in_dim3A_610 : i32 to vector<16xi32>
          %gather3A_612 = tpu.vector_load_idx %arg8[%broadcast_in_dim3A_611, %get3A_608] : memref<16x1002xf32, #tpu.memory_space<vmem>>[vector<16xi32>, vector<16xi32>], vector<16xf32>,
          %broadcast_in_dim3A_613 = arith.constant 2 : i32
          %broadcast_in_dim3A_614 = vector.broadcast %broadcast_in_dim3A_613 : i32 to vector<16xi32>
          %gather3A_615 = tpu.vector_load_idx %arg8[%broadcast_in_dim3A_614, %get3A_608] : memref<16x1002xf32, #tpu.memory_space<vmem>>[vector<16xi32>, vector<16xi32>], vector<16xf32>,
          %broadcast_in_dim3A_616 = arith.constant 3 : i32
          %broadcast_in_dim3A_617 = vector.broadcast %broadcast_in_dim3A_616 : i32 to vector<16xi32>
          %gather3A_618 = tpu.vector_load_idx %arg8[%broadcast_in_dim3A_617, %get3A_608] : memref<16x1002xf32, #tpu.memory_space<vmem>>[vector<16xi32>, vector<16xi32>], vector<16xf32>,
          %broadcast_in_dim3A_619 = arith.constant 4 : i32
          %broadcast_in_dim3A_620 = vector.broadcast %broadcast_in_dim3A_619 : i32 to vector<16xi32>
          %gather3A_621 = tpu.vector_load_idx %arg8[%broadcast_in_dim3A_620, %get3A_608] : memref<16x1002xf32, #tpu.memory_space<vmem>>[vector<16xi32>, vector<16xi32>], vector<16xf32>,
          %broadcast_in_dim3A_622 = arith.constant 5 : i32
          %broadcast_in_dim3A_623 = vector.broadcast %broadcast_in_dim3A_622 : i32 to vector<16xi32>
          %gather3A_624 = tpu.vector_load_idx %arg8[%broadcast_in_dim3A_623, %get3A_608] : memref<16x1002xf32, #tpu.memory_space<vmem>>[vector<16xi32>, vector<16xi32>], vector<16xf32>,
          %broadcast_in_dim3A_625 = arith.constant 6 : i32
          %broadcast_in_dim3A_626 = vector.broadcast %broadcast_in_dim3A_625 : i32 to vector<16xi32>
          %gather3A_627 = tpu.vector_load_idx %arg8[%broadcast_in_dim3A_626, %get3A_608] : memref<16x1002xf32, #tpu.memory_space<vmem>>[vector<16xi32>, vector<16xi32>], vector<16xf32>,
          %broadcast_in_dim3A_628 = arith.constant 7 : i32
          %broadcast_in_dim3A_629 = vector.broadcast %broadcast_in_dim3A_628 : i32 to vector<16xi32>
          %gather3A_630 = tpu.vector_load_idx %arg8[%broadcast_in_dim3A_629, %get3A_608] : memref<16x1002xf32, #tpu.memory_space<vmem>>[vector<16xi32>, vector<16xi32>], vector<16xf32>,
          %broadcast_in_dim3A_631 = arith.constant 8 : i32
          %broadcast_in_dim3A_632 = vector.broadcast %broadcast_in_dim3A_631 : i32 to vector<16xi32>
          %gather3A_633 = tpu.vector_load_idx %arg8[%broadcast_in_dim3A_632, %get3A_608] : memref<16x1002xf32, #tpu.memory_space<vmem>>[vector<16xi32>, vector<16xi32>], vector<16xf32>,
          %broadcast_in_dim3A_634 = arith.constant 9 : i32
          %broadcast_in_dim3A_635 = vector.broadcast %broadcast_in_dim3A_634 : i32 to vector<16xi32>
          %gather3A_636 = tpu.vector_load_idx %arg8[%broadcast_in_dim3A_635, %get3A_608] : memref<16x1002xf32, #tpu.memory_space<vmem>>[vector<16xi32>, vector<16xi32>], vector<16xf32>,
          %broadcast_in_dim3A_637 = arith.constant 10 : i32
          %broadcast_in_dim3A_638 = vector.broadcast %broadcast_in_dim3A_637 : i32 to vector<16xi32>
          %gather3A_639 = tpu.vector_load_idx %arg8[%broadcast_in_dim3A_638, %get3A_608] : memref<16x1002xf32, #tpu.memory_space<vmem>>[vector<16xi32>, vector<16xi32>], vector<16xf32>,
          %broadcast_in_dim3A_640 = arith.constant 11 : i32
          %broadcast_in_dim3A_641 = vector.broadcast %broadcast_in_dim3A_640 : i32 to vector<16xi32>
          %gather3A_642 = tpu.vector_load_idx %arg8[%broadcast_in_dim3A_641, %get3A_608] : memref<16x1002xf32, #tpu.memory_space<vmem>>[vector<16xi32>, vector<16xi32>], vector<16xf32>,
          %broadcast_in_dim3A_643 = arith.constant 12 : i32
          %broadcast_in_dim3A_644 = vector.broadcast %broadcast_in_dim3A_643 : i32 to vector<16xi32>
          %gather3A_645 = tpu.vector_load_idx %arg8[%broadcast_in_dim3A_644, %get3A_608] : memref<16x1002xf32, #tpu.memory_space<vmem>>[vector<16xi32>, vector<16xi32>], vector<16xf32>,
          %broadcast_in_dim3A_646 = arith.constant 13 : i32
          %broadcast_in_dim3A_647 = vector.broadcast %broadcast_in_dim3A_646 : i32 to vector<16xi32>
          %gather3A_648 = tpu.vector_load_idx %arg8[%broadcast_in_dim3A_647, %get3A_608] : memref<16x1002xf32, #tpu.memory_space<vmem>>[vector<16xi32>, vector<16xi32>], vector<16xf32>,
          %broadcast_in_dim3A_649 = arith.constant 14 : i32
          %broadcast_in_dim3A_650 = vector.broadcast %broadcast_in_dim3A_649 : i32 to vector<16xi32>
          %gather3A_651 = tpu.vector_load_idx %arg8[%broadcast_in_dim3A_650, %get3A_608] : memref<16x1002xf32, #tpu.memory_space<vmem>>[vector<16xi32>, vector<16xi32>], vector<16xf32>,
          %broadcast_in_dim3A_652 = arith.constant 15 : i32
          %broadcast_in_dim3A_653 = vector.broadcast %broadcast_in_dim3A_652 : i32 to vector<16xi32>
          %gather3A_654 = tpu.vector_load_idx %arg8[%broadcast_in_dim3A_653, %get3A_608] : memref<16x1002xf32, #tpu.memory_space<vmem>>[vector<16xi32>, vector<16xi32>], vector<16xf32>,
          %mul3A_655 = arith.constant 16 : i32
          %mul3A_656 = arith.muli %scan3A_605, %mul3A_655 : i32
          %swap3A = arith.constant 0 : i32
          %swap3A_657 = arith.index_cast %swap3A : i32 to index
          %swap3A_658 = arith.index_cast %mul3A_656 : i32 to index
          %swap3A_659 = tpu.vector_load %arg10[%swap3A_657, %swap3A_658] {strides = array<i32>} : memref<16x1024xf32, #tpu.memory_space<vmem>>, vector<16xf32>,
          tpu.vector_store %arg10[%swap3A_657, %swap3A_658], %gather3A {strides = array<i32>} : memref<16x1024xf32, #tpu.memory_space<vmem>>, vector<16xf32>,
          %mul3A_660 = arith.constant 16 : i32
          %mul3A_661 = arith.muli %scan3A_605, %mul3A_660 : i32
          %swap3A_662 = arith.constant 1 : i32
          %swap3A_663 = arith.index_cast %swap3A_662 : i32 to index
          %swap3A_664 = arith.index_cast %mul3A_661 : i32 to index
          %swap3A_665 = tpu.vector_load %arg10[%swap3A_663, %swap3A_664] {strides = array<i32>} : memref<16x1024xf32, #tpu.memory_space<vmem>>, vector<16xf32>,
          tpu.vector_store %arg10[%swap3A_663, %swap3A_664], %gather3A_612 {strides = array<i32>} : memref<16x1024xf32, #tpu.memory_space<vmem>>, vector<16xf32>,
          %mul3A_666 = arith.constant 16 : i32
          %mul3A_667 = arith.muli %scan3A_605, %mul3A_666 : i32
          %swap3A_668 = arith.constant 2 : i32
          %swap3A_669 = arith.index_cast %swap3A_668 : i32 to index
          %swap3A_670 = arith.index_cast %mul3A_667 : i32 to index
          %swap3A_671 = tpu.vector_load %arg10[%swap3A_669, %swap3A_670] {strides = array<i32>} : memref<16x1024xf32, #tpu.memory_space<vmem>>, vector<16xf32>,
          tpu.vector_store %arg10[%swap3A_669, %swap3A_670], %gather3A_615 {strides = array<i32>} : memref<16x1024xf32, #tpu.memory_space<vmem>>, vector<16xf32>,
          %mul3A_672 = arith.constant 16 : i32
          %mul3A_673 = arith.muli %scan3A_605, %mul3A_672 : i32
          %swap3A_674 = arith.constant 3 : i32
          %swap3A_675 = arith.index_cast %swap3A_674 : i32 to index
          %swap3A_676 = arith.index_cast %mul3A_673 : i32 to index
          %swap3A_677 = tpu.vector_load %arg10[%swap3A_675, %swap3A_676] {strides = array<i32>} : memref<16x1024xf32, #tpu.memory_space<vmem>>, vector<16xf32>,
          tpu.vector_store %arg10[%swap3A_675, %swap3A_676], %gather3A_618 {strides = array<i32>} : memref<16x1024xf32, #tpu.memory_space<vmem>>, vector<16xf32>,
          %mul3A_678 = arith.constant 16 : i32
          %mul3A_679 = arith.muli %scan3A_605, %mul3A_678 : i32
          %swap3A_680 = arith.constant 4 : i32
          %swap3A_681 = arith.index_cast %swap3A_680 : i32 to index
          %swap3A_682 = arith.index_cast %mul3A_679 : i32 to index
          %swap3A_683 = tpu.vector_load %arg10[%swap3A_681, %swap3A_682] {strides = array<i32>} : memref<16x1024xf32, #tpu.memory_space<vmem>>, vector<16xf32>,
          tpu.vector_store %arg10[%swap3A_681, %swap3A_682], %gather3A_621 {strides = array<i32>} : memref<16x1024xf32, #tpu.memory_space<vmem>>, vector<16xf32>,
          %mul3A_684 = arith.constant 16 : i32
          %mul3A_685 = arith.muli %scan3A_605, %mul3A_684 : i32
          %swap3A_686 = arith.constant 5 : i32
          %swap3A_687 = arith.index_cast %swap3A_686 : i32 to index
          %swap3A_688 = arith.index_cast %mul3A_685 : i32 to index
          %swap3A_689 = tpu.vector_load %arg10[%swap3A_687, %swap3A_688] {strides = array<i32>} : memref<16x1024xf32, #tpu.memory_space<vmem>>, vector<16xf32>,
          tpu.vector_store %arg10[%swap3A_687, %swap3A_688], %gather3A_624 {strides = array<i32>} : memref<16x1024xf32, #tpu.memory_space<vmem>>, vector<16xf32>,
          %mul3A_690 = arith.constant 16 : i32
          %mul3A_691 = arith.muli %scan3A_605, %mul3A_690 : i32
          %swap3A_692 = arith.constant 6 : i32
          %swap3A_693 = arith.index_cast %swap3A_692 : i32 to index
          %swap3A_694 = arith.index_cast %mul3A_691 : i32 to index
          %swap3A_695 = tpu.vector_load %arg10[%swap3A_693, %swap3A_694] {strides = array<i32>} : memref<16x1024xf32, #tpu.memory_space<vmem>>, vector<16xf32>,
          tpu.vector_store %arg10[%swap3A_693, %swap3A_694], %gather3A_627 {strides = array<i32>} : memref<16x1024xf32, #tpu.memory_space<vmem>>, vector<16xf32>,
          %mul3A_696 = arith.constant 16 : i32
          %mul3A_697 = arith.muli %scan3A_605, %mul3A_696 : i32
          %swap3A_698 = arith.constant 7 : i32
          %swap3A_699 = arith.index_cast %swap3A_698 : i32 to index
          %swap3A_700 = arith.index_cast %mul3A_697 : i32 to index
          %swap3A_701 = tpu.vector_load %arg10[%swap3A_699, %swap3A_700] {strides = array<i32>} : memref<16x1024xf32, #tpu.memory_space<vmem>>, vector<16xf32>,
          tpu.vector_store %arg10[%swap3A_699, %swap3A_700], %gather3A_630 {strides = array<i32>} : memref<16x1024xf32, #tpu.memory_space<vmem>>, vector<16xf32>,
          %mul3A_702 = arith.constant 16 : i32
          %mul3A_703 = arith.muli %scan3A_605, %mul3A_702 : i32
          %swap3A_704 = arith.constant 8 : i32
          %swap3A_705 = arith.index_cast %swap3A_704 : i32 to index
          %swap3A_706 = arith.index_cast %mul3A_703 : i32 to index
          %swap3A_707 = tpu.vector_load %arg10[%swap3A_705, %swap3A_706] {strides = array<i32>} : memref<16x1024xf32, #tpu.memory_space<vmem>>, vector<16xf32>,
          tpu.vector_store %arg10[%swap3A_705, %swap3A_706], %gather3A_633 {strides = array<i32>} : memref<16x1024xf32, #tpu.memory_space<vmem>>, vector<16xf32>,
          %mul3A_708 = arith.constant 16 : i32
          %mul3A_709 = arith.muli %scan3A_605, %mul3A_708 : i32
          %swap3A_710 = arith.constant 9 : i32
          %swap3A_711 = arith.index_cast %swap3A_710 : i32 to index
          %swap3A_712 = arith.index_cast %mul3A_709 : i32 to index
          %swap3A_713 = tpu.vector_load %arg10[%swap3A_711, %swap3A_712] {strides = array<i32>} : memref<16x1024xf32, #tpu.memory_space<vmem>>, vector<16xf32>,
          tpu.vector_store %arg10[%swap3A_711, %swap3A_712], %gather3A_636 {strides = array<i32>} : memref<16x1024xf32, #tpu.memory_space<vmem>>, vector<16xf32>,
          %mul3A_714 = arith.constant 16 : i32
          %mul3A_715 = arith.muli %scan3A_605, %mul3A_714 : i32
          %swap3A_716 = arith.constant 10 : i32
          %swap3A_717 = arith.index_cast %swap3A_716 : i32 to index
          %swap3A_718 = arith.index_cast %mul3A_715 : i32 to index
          %swap3A_719 = tpu.vector_load %arg10[%swap3A_717, %swap3A_718] {strides = array<i32>} : memref<16x1024xf32, #tpu.memory_space<vmem>>, vector<16xf32>,
          tpu.vector_store %arg10[%swap3A_717, %swap3A_718], %gather3A_639 {strides = array<i32>} : memref<16x1024xf32, #tpu.memory_space<vmem>>, vector<16xf32>,
          %mul3A_720 = arith.constant 16 : i32
          %mul3A_721 = arith.muli %scan3A_605, %mul3A_720 : i32
          %swap3A_722 = arith.constant 11 : i32
          %swap3A_723 = arith.index_cast %swap3A_722 : i32 to index
          %swap3A_724 = arith.index_cast %mul3A_721 : i32 to index
          %swap3A_725 = tpu.vector_load %arg10[%swap3A_723, %swap3A_724] {strides = array<i32>} : memref<16x1024xf32, #tpu.memory_space<vmem>>, vector<16xf32>,
          tpu.vector_store %arg10[%swap3A_723, %swap3A_724], %gather3A_642 {strides = array<i32>} : memref<16x1024xf32, #tpu.memory_space<vmem>>, vector<16xf32>,
          %mul3A_726 = arith.constant 16 : i32
          %mul3A_727 = arith.muli %scan3A_605, %mul3A_726 : i32
          %swap3A_728 = arith.constant 12 : i32
          %swap3A_729 = arith.index_cast %swap3A_728 : i32 to index
          %swap3A_730 = arith.index_cast %mul3A_727 : i32 to index
          %swap3A_731 = tpu.vector_load %arg10[%swap3A_729, %swap3A_730] {strides = array<i32>} : memref<16x1024xf32, #tpu.memory_space<vmem>>, vector<16xf32>,
          tpu.vector_store %arg10[%swap3A_729, %swap3A_730], %gather3A_645 {strides = array<i32>} : memref<16x1024xf32, #tpu.memory_space<vmem>>, vector<16xf32>,
          %mul3A_732 = arith.constant 16 : i32
          %mul3A_733 = arith.muli %scan3A_605, %mul3A_732 : i32
          %swap3A_734 = arith.constant 13 : i32
          %swap3A_735 = arith.index_cast %swap3A_734 : i32 to index
          %swap3A_736 = arith.index_cast %mul3A_733 : i32 to index
          %swap3A_737 = tpu.vector_load %arg10[%swap3A_735, %swap3A_736] {strides = array<i32>} : memref<16x1024xf32, #tpu.memory_space<vmem>>, vector<16xf32>,
          tpu.vector_store %arg10[%swap3A_735, %swap3A_736], %gather3A_648 {strides = array<i32>} : memref<16x1024xf32, #tpu.memory_space<vmem>>, vector<16xf32>,
          %mul3A_738 = arith.constant 16 : i32
          %mul3A_739 = arith.muli %scan3A_605, %mul3A_738 : i32
          %swap3A_740 = arith.constant 14 : i32
          %swap3A_741 = arith.index_cast %swap3A_740 : i32 to index
          %swap3A_742 = arith.index_cast %mul3A_739 : i32 to index
          %swap3A_743 = tpu.vector_load %arg10[%swap3A_741, %swap3A_742] {strides = array<i32>} : memref<16x1024xf32, #tpu.memory_space<vmem>>, vector<16xf32>,
          tpu.vector_store %arg10[%swap3A_741, %swap3A_742], %gather3A_651 {strides = array<i32>} : memref<16x1024xf32, #tpu.memory_space<vmem>>, vector<16xf32>,
          %mul3A_744 = arith.constant 16 : i32
          %mul3A_745 = arith.muli %scan3A_605, %mul3A_744 : i32
          %swap3A_746 = arith.constant 15 : i32
          %swap3A_747 = arith.index_cast %swap3A_746 : i32 to index
          %swap3A_748 = arith.index_cast %mul3A_745 : i32 to index
          %swap3A_749 = tpu.vector_load %arg10[%swap3A_747, %swap3A_748] {strides = array<i32>} : memref<16x1024xf32, #tpu.memory_space<vmem>>, vector<16xf32>,
          tpu.vector_store %arg10[%swap3A_747, %swap3A_748], %gather3A_654 {strides = array<i32>} : memref<16x1024xf32, #tpu.memory_space<vmem>>, vector<16xf32>,
        }
        %scan3A_506 = arith.constant 64 : i32
        %jit3A_507 = arith.constant 2 : i32
        %div3A_508 = arith.divsi %add3A_348, %jit3A_507 : i32
        %sign3A_509 = arith.constant 0 : i32
        %sign3A_510 = arith.cmpi sgt, %add3A_348, %sign3A_509 : i32
        %sign3A_511 = arith.extui %sign3A_510 : i1 to i32
        %sign3A_512 = arith.constant 0 : i32
        %sign3A_513 = arith.cmpi slt, %add3A_348, %sign3A_512 : i32
        %sign3A_514 = arith.extui %sign3A_513 : i1 to i32
        %sign3A_515 = arith.subi %sign3A_511, %sign3A_514 : i32
        %sign3A_516 = arith.constant 0 : i32
        %sign3A_517 = arith.cmpi sgt, %jit3A_507, %sign3A_516 : i32
        %sign3A_518 = arith.extui %sign3A_517 : i1 to i32
        %sign3A_519 = arith.constant 0 : i32
        %sign3A_520 = arith.cmpi slt, %jit3A_507, %sign3A_519 : i32
        %sign3A_521 = arith.extui %sign3A_520 : i1 to i32
        %sign3A_522 = arith.subi %sign3A_518, %sign3A_521 : i32
        %ne3A_523 = arith.cmpi ne, %sign3A_515, %sign3A_522 : i32
        %rem3A_524 = arith.remsi %add3A_348, %jit3A_507 : i32
        %ne3A_525 = arith.constant 0 : i32
        %ne3A_526 = arith.cmpi ne, %rem3A_524, %ne3A_525 : i32
        %and3A_527 = arith.andi %ne3A_523, %ne3A_526 : i1
        %sub3A_528 = arith.constant 1 : i32
        %sub3A_529 = arith.subi %div3A_508, %sub3A_528 : i32
        %select_n3A_530 = arith.select %and3A_527, %sub3A_529, %div3A_508 : i32
        %jit3A_531 = arith.constant 2 : i32
        %eq3A_532 = arith.constant 0 : i32
        %eq3A_533 = arith.cmpi eq, %jit3A_531, %eq3A_532 : i32
        %jit3A_534 = arith.constant 1 : i32
        %select_n3A_535 = arith.select %eq3A_533, %jit3A_534, %jit3A_531 : i32
        %rem3A_536 = arith.remsi %add3A_348, %select_n3A_535 : i32
        %ne3A_537 = arith.constant 0 : i32
        %ne3A_538 = arith.cmpi ne, %rem3A_536, %ne3A_537 : i32
        %lt3A_539 = arith.constant 0 : i32
        %lt3A_540 = arith.cmpi slt, %rem3A_536, %lt3A_539 : i32
        %lt3A_541 = arith.constant 0 : i32
        %lt3A_542 = arith.cmpi slt, %select_n3A_535, %lt3A_541 : i32
        %ne3A_543 = arith.xori %lt3A_540, %lt3A_542 : i1
        %and3A_544 = arith.andi %ne3A_543, %ne3A_538 : i1
        %add3A_545 = arith.addi %rem3A_536, %select_n3A_535 : i32
        %select_n3A_546 = arith.select %and3A_544, %add3A_545, %rem3A_536 : i32
        %jit3A_547 = arith.constant 18 : i32
        %eq3A_548 = arith.constant 0 : i32
        %eq3A_549 = arith.cmpi eq, %jit3A_547, %eq3A_548 : i32
        %jit3A_550 = arith.constant 1 : i32
        %select_n3A_551 = arith.select %eq3A_549, %jit3A_550, %jit3A_547 : i32
        %rem3A_552 = arith.remsi %select_n3A_530, %select_n3A_551 : i32
        %ne3A_553 = arith.constant 0 : i32
        %ne3A_554 = arith.cmpi ne, %rem3A_552, %ne3A_553 : i32
        %lt3A_555 = arith.constant 0 : i32
        %lt3A_556 = arith.cmpi slt, %rem3A_552, %lt3A_555 : i32
        %lt3A_557 = arith.constant 0 : i32
        %lt3A_558 = arith.cmpi slt, %select_n3A_551, %lt3A_557 : i32
        %ne3A_559 = arith.xori %lt3A_556, %lt3A_558 : i1
        %and3A_560 = arith.andi %ne3A_559, %ne3A_554 : i1
        %add3A_561 = arith.addi %rem3A_552, %select_n3A_551 : i32
        %select_n3A_562 = arith.select %and3A_560, %add3A_561, %rem3A_552 : i32
        %add3A_563 = arith.constant 1 : i32
        %add3A_564 = arith.addi %select_n3A_562, %add3A_563 : i32
        %ge3A_565 = arith.constant 4 : i32
        %ge3A_566 = arith.cmpi sge, %select_n3A_562, %ge3A_565 : i32
        %convert_element_type3A_567 = arith.extui %ge3A_566 : i1 to i32
        %add3A_568 = arith.addi %add3A_564, %convert_element_type3A_567 : i32
        %jit3A_569 = arith.constant 18 : i32
        %div3A_570 = arith.divsi %select_n3A_530, %jit3A_569 : i32
        %sign3A_571 = arith.constant 0 : i32
        %sign3A_572 = arith.cmpi sgt, %select_n3A_530, %sign3A_571 : i32
        %sign3A_573 = arith.extui %sign3A_572 : i1 to i32
        %sign3A_574 = arith.constant 0 : i32
        %sign3A_575 = arith.cmpi slt, %select_n3A_530, %sign3A_574 : i32
        %sign3A_576 = arith.extui %sign3A_575 : i1 to i32
        %sign3A_577 = arith.subi %sign3A_573, %sign3A_576 : i32
        %sign3A_578 = arith.constant 0 : i32
        %sign3A_579 = arith.cmpi sgt, %jit3A_569, %sign3A_578 : i32
        %sign3A_580 = arith.extui %sign3A_579 : i1 to i32
        %sign3A_581 = arith.constant 0 : i32
        %sign3A_582 = arith.cmpi slt, %jit3A_569, %sign3A_581 : i32
        %sign3A_583 = arith.extui %sign3A_582 : i1 to i32
        %sign3A_584 = arith.subi %sign3A_580, %sign3A_583 : i32
        %ne3A_585 = arith.cmpi ne, %sign3A_577, %sign3A_584 : i32
        %rem3A_586 = arith.remsi %select_n3A_530, %jit3A_569 : i32
        %ne3A_587 = arith.constant 0 : i32
        %ne3A_588 = arith.cmpi ne, %rem3A_586, %ne3A_587 : i32
        %and3A_589 = arith.andi %ne3A_585, %ne3A_588 : i1
        %sub3A_590 = arith.constant 1 : i32
        %sub3A_591 = arith.subi %div3A_570, %sub3A_590 : i32
        %select_n3A_592 = arith.select %and3A_589, %sub3A_591, %div3A_570 : i32
        %mul3A_593 = arith.constant 32 : i32
        %mul3A_594 = arith.muli %mul3A_593, %select_n3A_562 : i32
        %mul3A_595 = arith.constant 16 : i32
        %mul3A_596 = arith.muli %mul3A_595, %select_n3A_546 : i32
        %add3A_597 = arith.addi %mul3A_594, %mul3A_596 : i32
        %multiple_of3A_598 = tpu.assume_multiple %add3A_597, 16 : i32
        %dma_start3A_599 = arith.constant 0 : i32
        %dma_start3A_600 = tpu.memref_slice %arg4[%select_n3A_592, %multiple_of3A_598, %dma_start3A_599] : memref<20x576x1024xf32, #tpu.memory_space<hbm>> -> memref<1x16x1024xf32, #tpu.memory_space<hbm>>
        %dma_start3A_601 = tpu.memref_squeeze %dma_start3A_600 : memref<1x16x1024xf32, #tpu.memory_space<hbm>> -> memref<16x1024xf32, #tpu.memory_space<hbm>>
        %dma_start3A_602 = arith.constant 0 : i32
        %dma_start3A_603 = tpu.memref_slice %arg4[%select_n3A_592, %multiple_of3A_598, %dma_start3A_602] : memref<20x576x1024xf32, #tpu.memory_space<hbm>> -> memref<1x16x1024xf32, #tpu.memory_space<hbm>>
        %dma_start3A_604 = tpu.memref_squeeze %dma_start3A_603 : memref<1x16x1024xf32, #tpu.memory_space<hbm>> -> memref<16x1024xf32, #tpu.memory_space<hbm>>
        tpu.enqueue_dma source(%arg10 : memref<16x1024xf32, #tpu.memory_space<vmem>>) target(%dma_start3A_604 : memref<16x1024xf32, #tpu.memory_space<hbm>>) target_semaphore(%arg14 : memref<!tpu.dma_semaphore, #tpu.memory_space<semaphore_mem>>)
      } else {
      }
    }
    %jit3A_152 = arith.constant 2 : i32
    %div3A_153 = arith.divsi %select_n3A, %jit3A_152 : i32
    %sign3A_154 = arith.constant 0 : i32
    %sign3A_155 = arith.cmpi sgt, %select_n3A, %sign3A_154 : i32
    %sign3A_156 = arith.extui %sign3A_155 : i1 to i32
    %sign3A_157 = arith.constant 0 : i32
    %sign3A_158 = arith.cmpi slt, %select_n3A, %sign3A_157 : i32
    %sign3A_159 = arith.extui %sign3A_158 : i1 to i32
    %sign3A_160 = arith.subi %sign3A_156, %sign3A_159 : i32
    %sign3A_161 = arith.constant 0 : i32
    %sign3A_162 = arith.cmpi sgt, %jit3A_152, %sign3A_161 : i32
    %sign3A_163 = arith.extui %sign3A_162 : i1 to i32
    %sign3A_164 = arith.constant 0 : i32
    %sign3A_165 = arith.cmpi slt, %jit3A_152, %sign3A_164 : i32
    %sign3A_166 = arith.extui %sign3A_165 : i1 to i32
    %sign3A_167 = arith.subi %sign3A_163, %sign3A_166 : i32
    %ne3A_168 = arith.cmpi ne, %sign3A_160, %sign3A_167 : i32
    %rem3A_169 = arith.remsi %select_n3A, %jit3A_152 : i32
    %ne3A_170 = arith.constant 0 : i32
    %ne3A_171 = arith.cmpi ne, %rem3A_169, %ne3A_170 : i32
    %and3A_172 = arith.andi %ne3A_168, %ne3A_171 : i1
    %sub3A_173 = arith.constant 1 : i32
    %sub3A_174 = arith.subi %div3A_153, %sub3A_173 : i32
    %select_n3A_175 = arith.select %and3A_172, %sub3A_174, %div3A_153 : i32
    %jit3A_176 = arith.constant 2 : i32
    %eq3A_177 = arith.constant 0 : i32
    %eq3A_178 = arith.cmpi eq, %jit3A_176, %eq3A_177 : i32
    %jit3A_179 = arith.constant 1 : i32
    %select_n3A_180 = arith.select %eq3A_178, %jit3A_179, %jit3A_176 : i32
    %rem3A_181 = arith.remsi %select_n3A, %select_n3A_180 : i32
    %ne3A_182 = arith.constant 0 : i32
    %ne3A_183 = arith.cmpi ne, %rem3A_181, %ne3A_182 : i32
    %lt3A_184 = arith.constant 0 : i32
    %lt3A_185 = arith.cmpi slt, %rem3A_181, %lt3A_184 : i32
    %lt3A_186 = arith.constant 0 : i32
    %lt3A_187 = arith.cmpi slt, %select_n3A_180, %lt3A_186 : i32
    %ne3A_188 = arith.xori %lt3A_185, %lt3A_187 : i1
    %and3A_189 = arith.andi %ne3A_188, %ne3A_183 : i1
    %add3A_190 = arith.addi %rem3A_181, %select_n3A_180 : i32
    %select_n3A_191 = arith.select %and3A_189, %add3A_190, %rem3A_181 : i32
    %jit3A_192 = arith.constant 18 : i32
    %eq3A_193 = arith.constant 0 : i32
    %eq3A_194 = arith.cmpi eq, %jit3A_192, %eq3A_193 : i32
    %jit3A_195 = arith.constant 1 : i32
    %select_n3A_196 = arith.select %eq3A_194, %jit3A_195, %jit3A_192 : i32
    %rem3A_197 = arith.remsi %select_n3A_175, %select_n3A_196 : i32
    %ne3A_198 = arith.constant 0 : i32
    %ne3A_199 = arith.cmpi ne, %rem3A_197, %ne3A_198 : i32
    %lt3A_200 = arith.constant 0 : i32
    %lt3A_201 = arith.cmpi slt, %rem3A_197, %lt3A_200 : i32
    %lt3A_202 = arith.constant 0 : i32
    %lt3A_203 = arith.cmpi slt, %select_n3A_196, %lt3A_202 : i32
    %ne3A_204 = arith.xori %lt3A_201, %lt3A_203 : i1
    %and3A_205 = arith.andi %ne3A_204, %ne3A_199 : i1
    %add3A_206 = arith.addi %rem3A_197, %select_n3A_196 : i32
    %select_n3A_207 = arith.select %and3A_205, %add3A_206, %rem3A_197 : i32
    %add3A_208 = arith.constant 1 : i32
    %add3A_209 = arith.addi %select_n3A_207, %add3A_208 : i32
    %ge3A_210 = arith.constant 4 : i32
    %ge3A_211 = arith.cmpi sge, %select_n3A_207, %ge3A_210 : i32
    %convert_element_type3A_212 = arith.extui %ge3A_211 : i1 to i32
    %add3A_213 = arith.addi %add3A_209, %convert_element_type3A_212 : i32
    %jit3A_214 = arith.constant 18 : i32
    %div3A_215 = arith.divsi %select_n3A_175, %jit3A_214 : i32
    %sign3A_216 = arith.constant 0 : i32
    %sign3A_217 = arith.cmpi sgt, %select_n3A_175, %sign3A_216 : i32
    %sign3A_218 = arith.extui %sign3A_217 : i1 to i32
    %sign3A_219 = arith.constant 0 : i32
    %sign3A_220 = arith.cmpi slt, %select_n3A_175, %sign3A_219 : i32
    %sign3A_221 = arith.extui %sign3A_220 : i1 to i32
    %sign3A_222 = arith.subi %sign3A_218, %sign3A_221 : i32
    %sign3A_223 = arith.constant 0 : i32
    %sign3A_224 = arith.cmpi sgt, %jit3A_214, %sign3A_223 : i32
    %sign3A_225 = arith.extui %sign3A_224 : i1 to i32
    %sign3A_226 = arith.constant 0 : i32
    %sign3A_227 = arith.cmpi slt, %jit3A_214, %sign3A_226 : i32
    %sign3A_228 = arith.extui %sign3A_227 : i1 to i32
    %sign3A_229 = arith.subi %sign3A_225, %sign3A_228 : i32
    %ne3A_230 = arith.cmpi ne, %sign3A_222, %sign3A_229 : i32
    %rem3A_231 = arith.remsi %select_n3A_175, %jit3A_214 : i32
    %ne3A_232 = arith.constant 0 : i32
    %ne3A_233 = arith.cmpi ne, %rem3A_231, %ne3A_232 : i32
    %and3A_234 = arith.andi %ne3A_230, %ne3A_233 : i1
    %sub3A_235 = arith.constant 1 : i32
    %sub3A_236 = arith.subi %div3A_215, %sub3A_235 : i32
    %select_n3A_237 = arith.select %and3A_234, %sub3A_236, %div3A_215 : i32
    %mul3A_238 = arith.constant 32 : i32
    %mul3A_239 = arith.muli %mul3A_238, %select_n3A_207 : i32
    %mul3A_240 = arith.constant 16 : i32
    %mul3A_241 = arith.muli %mul3A_240, %select_n3A_191 : i32
    %add3A_242 = arith.addi %mul3A_239, %mul3A_241 : i32
    %multiple_of3A_243 = tpu.assume_multiple %add3A_242, 16 : i32
    %dma_wait3A = arith.constant 0 : i32
    %dma_wait3A_244 = tpu.memref_slice %arg4[%select_n3A_237, %multiple_of3A_243, %dma_wait3A] : memref<20x576x1024xf32, #tpu.memory_space<hbm>> -> memref<1x16x1024xf32, #tpu.memory_space<hbm>>
    %dma_wait3A_245 = tpu.memref_squeeze %dma_wait3A_244 : memref<1x16x1024xf32, #tpu.memory_space<hbm>> -> memref<16x1024xf32, #tpu.memory_space<hbm>>
    %dma_wait3A_246 = arith.constant 0 : i32
    %dma_wait3A_247 = tpu.memref_slice %arg4[%select_n3A_237, %multiple_of3A_243, %dma_wait3A_246] : memref<20x576x1024xf32, #tpu.memory_space<hbm>> -> memref<1x16x1024xf32, #tpu.memory_space<hbm>>
    %dma_wait3A_248 = tpu.memref_squeeze %dma_wait3A_247 : memref<1x16x1024xf32, #tpu.memory_space<hbm>> -> memref<16x1024xf32, #tpu.memory_space<hbm>>
    tpu.wait_dma2 semaphore(%arg13 : memref<!tpu.dma_semaphore, #tpu.memory_space<semaphore_mem>>) src(%arg9 : memref<16x1024xf32, #tpu.memory_space<vmem>>) dst(%dma_wait3A_248 : memref<16x1024xf32, #tpu.memory_space<hbm>>)
    %jit3A_249 = arith.constant 2 : i32
    %div3A_250 = arith.divsi %select_n3A, %jit3A_249 : i32
    %sign3A_251 = arith.constant 0 : i32
    %sign3A_252 = arith.cmpi sgt, %select_n3A, %sign3A_251 : i32
    %sign3A_253 = arith.extui %sign3A_252 : i1 to i32
    %sign3A_254 = arith.constant 0 : i32
    %sign3A_255 = arith.cmpi slt, %select_n3A, %sign3A_254 : i32
    %sign3A_256 = arith.extui %sign3A_255 : i1 to i32
    %sign3A_257 = arith.subi %sign3A_253, %sign3A_256 : i32
    %sign3A_258 = arith.constant 0 : i32
    %sign3A_259 = arith.cmpi sgt, %jit3A_249, %sign3A_258 : i32
    %sign3A_260 = arith.extui %sign3A_259 : i1 to i32
    %sign3A_261 = arith.constant 0 : i32
    %sign3A_262 = arith.cmpi slt, %jit3A_249, %sign3A_261 : i32
    %sign3A_263 = arith.extui %sign3A_262 : i1 to i32
    %sign3A_264 = arith.subi %sign3A_260, %sign3A_263 : i32
    %ne3A_265 = arith.cmpi ne, %sign3A_257, %sign3A_264 : i32
    %rem3A_266 = arith.remsi %select_n3A, %jit3A_249 : i32
    %ne3A_267 = arith.constant 0 : i32
    %ne3A_268 = arith.cmpi ne, %rem3A_266, %ne3A_267 : i32
    %and3A_269 = arith.andi %ne3A_265, %ne3A_268 : i1
    %sub3A_270 = arith.constant 1 : i32
    %sub3A_271 = arith.subi %div3A_250, %sub3A_270 : i32
    %select_n3A_272 = arith.select %and3A_269, %sub3A_271, %div3A_250 : i32
    %jit3A_273 = arith.constant 2 : i32
    %eq3A_274 = arith.constant 0 : i32
    %eq3A_275 = arith.cmpi eq, %jit3A_273, %eq3A_274 : i32
    %jit3A_276 = arith.constant 1 : i32
    %select_n3A_277 = arith.select %eq3A_275, %jit3A_276, %jit3A_273 : i32
    %rem3A_278 = arith.remsi %select_n3A, %select_n3A_277 : i32
    %ne3A_279 = arith.constant 0 : i32
    %ne3A_280 = arith.cmpi ne, %rem3A_278, %ne3A_279 : i32
    %lt3A_281 = arith.constant 0 : i32
    %lt3A_282 = arith.cmpi slt, %rem3A_278, %lt3A_281 : i32
    %lt3A_283 = arith.constant 0 : i32
    %lt3A_284 = arith.cmpi slt, %select_n3A_277, %lt3A_283 : i32
    %ne3A_285 = arith.xori %lt3A_282, %lt3A_284 : i1
    %and3A_286 = arith.andi %ne3A_285, %ne3A_280 : i1
    %add3A_287 = arith.addi %rem3A_278, %select_n3A_277 : i32
    %select_n3A_288 = arith.select %and3A_286, %add3A_287, %rem3A_278 : i32
    %jit3A_289 = arith.constant 18 : i32
    %eq3A_290 = arith.constant 0 : i32
    %eq3A_291 = arith.cmpi eq, %jit3A_289, %eq3A_290 : i32
    %jit3A_292 = arith.constant 1 : i32
    %select_n3A_293 = arith.select %eq3A_291, %jit3A_292, %jit3A_289 : i32
    %rem3A_294 = arith.remsi %select_n3A_272, %select_n3A_293 : i32
    %ne3A_295 = arith.constant 0 : i32
    %ne3A_296 = arith.cmpi ne, %rem3A_294, %ne3A_295 : i32
    %lt3A_297 = arith.constant 0 : i32
    %lt3A_298 = arith.cmpi slt, %rem3A_294, %lt3A_297 : i32
    %lt3A_299 = arith.constant 0 : i32
    %lt3A_300 = arith.cmpi slt, %select_n3A_293, %lt3A_299 : i32
    %ne3A_301 = arith.xori %lt3A_298, %lt3A_300 : i1
    %and3A_302 = arith.andi %ne3A_301, %ne3A_296 : i1
    %add3A_303 = arith.addi %rem3A_294, %select_n3A_293 : i32
    %select_n3A_304 = arith.select %and3A_302, %add3A_303, %rem3A_294 : i32
    %add3A_305 = arith.constant 1 : i32
    %add3A_306 = arith.addi %select_n3A_304, %add3A_305 : i32
    %ge3A_307 = arith.constant 4 : i32
    %ge3A_308 = arith.cmpi sge, %select_n3A_304, %ge3A_307 : i32
    %convert_element_type3A_309 = arith.extui %ge3A_308 : i1 to i32
    %add3A_310 = arith.addi %add3A_306, %convert_element_type3A_309 : i32
    %jit3A_311 = arith.constant 18 : i32
    %div3A_312 = arith.divsi %select_n3A_272, %jit3A_311 : i32
    %sign3A_313 = arith.constant 0 : i32
    %sign3A_314 = arith.cmpi sgt, %select_n3A_272, %sign3A_313 : i32
    %sign3A_315 = arith.extui %sign3A_314 : i1 to i32
    %sign3A_316 = arith.constant 0 : i32
    %sign3A_317 = arith.cmpi slt, %select_n3A_272, %sign3A_316 : i32
    %sign3A_318 = arith.extui %sign3A_317 : i1 to i32
    %sign3A_319 = arith.subi %sign3A_315, %sign3A_318 : i32
    %sign3A_320 = arith.constant 0 : i32
    %sign3A_321 = arith.cmpi sgt, %jit3A_311, %sign3A_320 : i32
    %sign3A_322 = arith.extui %sign3A_321 : i1 to i32
    %sign3A_323 = arith.constant 0 : i32
    %sign3A_324 = arith.cmpi slt, %jit3A_311, %sign3A_323 : i32
    %sign3A_325 = arith.extui %sign3A_324 : i1 to i32
    %sign3A_326 = arith.subi %sign3A_322, %sign3A_325 : i32
    %ne3A_327 = arith.cmpi ne, %sign3A_319, %sign3A_326 : i32
    %rem3A_328 = arith.remsi %select_n3A_272, %jit3A_311 : i32
    %ne3A_329 = arith.constant 0 : i32
    %ne3A_330 = arith.cmpi ne, %rem3A_328, %ne3A_329 : i32
    %and3A_331 = arith.andi %ne3A_327, %ne3A_330 : i1
    %sub3A_332 = arith.constant 1 : i32
    %sub3A_333 = arith.subi %div3A_312, %sub3A_332 : i32
    %select_n3A_334 = arith.select %and3A_331, %sub3A_333, %div3A_312 : i32
    %mul3A_335 = arith.constant 32 : i32
    %mul3A_336 = arith.muli %mul3A_335, %select_n3A_304 : i32
    %mul3A_337 = arith.constant 16 : i32
    %mul3A_338 = arith.muli %mul3A_337, %select_n3A_288 : i32
    %add3A_339 = arith.addi %mul3A_336, %mul3A_338 : i32
    %multiple_of3A_340 = tpu.assume_multiple %add3A_339, 16 : i32
    %dma_wait3A_341 = arith.constant 0 : i32
    %dma_wait3A_342 = tpu.memref_slice %arg4[%select_n3A_334, %multiple_of3A_340, %dma_wait3A_341] : memref<20x576x1024xf32, #tpu.memory_space<hbm>> -> memref<1x16x1024xf32, #tpu.memory_space<hbm>>
    %dma_wait3A_343 = tpu.memref_squeeze %dma_wait3A_342 : memref<1x16x1024xf32, #tpu.memory_space<hbm>> -> memref<16x1024xf32, #tpu.memory_space<hbm>>
    %dma_wait3A_344 = arith.constant 0 : i32
    %dma_wait3A_345 = tpu.memref_slice %arg4[%select_n3A_334, %multiple_of3A_340, %dma_wait3A_344] : memref<20x576x1024xf32, #tpu.memory_space<hbm>> -> memref<1x16x1024xf32, #tpu.memory_space<hbm>>
    %dma_wait3A_346 = tpu.memref_squeeze %dma_wait3A_345 : memref<1x16x1024xf32, #tpu.memory_space<hbm>> -> memref<16x1024xf32, #tpu.memory_space<hbm>>
    tpu.wait_dma2 semaphore(%arg14 : memref<!tpu.dma_semaphore, #tpu.memory_space<semaphore_mem>>) src(%arg10 : memref<16x1024xf32, #tpu.memory_space<vmem>>) dst(%dma_wait3A_346 : memref<16x1024xf32, #tpu.memory_space<hbm>>)
    return
  }
}

</mosaic_0001>

<sc_bundles>
// kernel: _run.3.cloned.1.call-start
scs
__scs_entry_jumppad:
0x0: {  	(pc) =	sbr.rel $0x88, $3  }
0x1: {  	(tag) =	ssettag $0x0;
	lr =	simm.s32 $0x1  }
0x2: {  	[smem:$0x3F9F] =	sst lr;
	_ =	strace $0xD0000000  }
0x3: {  	_ = 	snop  }
0x4: {  	_ = 	snop  }
0x5: {  	_ = 	snop  }
0x6: {  	_ = 	snop  }
0x7: {  	_ = 	snop  }
__scs_overlays_trampoline_lowered:
0x8: {  	[smem:$0x3FAE] =	sst s0  }
0x9: {  	[smem:$0x3FAF] =	sst s1  }
0xa: {  	[smem:$0x3FB0] =	sst s2  }
0xb: {  	[smem:$0x3FB1] =	sst s3  }
0xc: {  	[smem:$0x3FB2] =	sst s4  }
0xd: {  	[smem:$0x3FB3] =	sst s5  }
0xe: {  	[smem:$0x3FB4] =	sst s6  }
0xf: {  	[smem:$0x3FB5] =	sst s7  }
0x10: {  	[smem:$0x3FB6] =	sst s8  }
0x11: {  	[smem:$0x3FB7] =	sst s9;
	s0 =	simm.s32 @!p0 $0x0  }
0x12: {  	s1 =	sld [smem:$0x3F9D];
	s0 =	simm.s32 @p0 $0x1  }
0x13: {  	[smem:$0x3FB8] =	sst s0;
	s0 =	simm.s32 @!p1 $0x0  }
0x14: {  	s2 =	sld [smem:$0x3F9C];
	s0 =	simm.s32 @p1 $0x1  }
0x15: {  	[smem:$0x3FB9] =	sst s0;
	s0 =	simm.s32 @!p2 $0x0  }
0x16: {  	s3 =	sld [smem:$0x3FDB];
	s0 =	simm.s32 @p2 $0x1  }
0x17: {  	s4 =	simm.s32 $0x1BF5;
	[smem:$0x3FBB] =	sst s0  }
0x18: {  	s0 =	sld [smem:$0x3F9E];
	_ =	swait.ge [sflag:s4], $0x0  }
0x19: {  	s7 =	sld [smem:$0x3F9F]  }
0x1a: {  	s8 =	sadd.s32 $0xFFFFE003, lr  }
0x1b: {  	s9 =	sadd.s32 $0xFFFFFEF7, lr;
	s5 =	simm.s32 $0xFFFFFFFF;
	p2 =	slt.u32 s8, $0xFFFFF086  }
0x1c: {  	p1 =	slt.u32 s9, $0xF7A;
	s5 =	simm.s32 @!p2 $0x0  }
0x1d: {  	s5 =	simm.s32 @p1 $0x1;
	p0 =	seq.s32 s7, s2  }
0x1e: {  	s7 =	smul.u32 @!p0 $0xF7A, s2;
	p2 =	seq.s32 @!p0 s5, $0x0  }
0x1f: {  	s9 =	smul.u32 $0xF7A, s1;
	s8 =	simm.s32 @!p0 $0x1BF5;
	p2 =	por !p2, p0  }
0x20: {  	[sflag:s8] =	ssyncset.s32 @!p0 $0xFFFFF086;
	s6 =	sadd.s32 @!p0 s3, s7;
	s7 =	simm.s32 @!p0 $0x108  }
0x21: {  	s3 =	sadd.s32 s3, s9;
	s6 =	sadd.s32 @!p0 $0x88, s6;
	s7 =	simm.s32 @p2 $0x1082  }
0x22: {  	[simem:s7], [sflag:s8] =	dma.local @!p0 [hbm:s6], $0xF7A  }
0x23: {  	s9 =	sor.u32 $0xD0000000, s2;
	s6 =	simm.s32 $0x108;
	_ =	swait.ge @!p0 [sflag:s8], $0x0  }
0x24: {  	s3 =	sadd.s32 $0x88, s3;
	s6 =	simm.s32 @!p1 $0x1082;
	[sflag:s4] =	ssyncset.s32 $0xFFFFF086  }
0x25: {  	[simem:s6], [sflag:s4] =	dma.local [hbm:s3], $0xF7A  }
0x26: {  	[smem:$0x3F9F] =	sst s1;
	(tag) =	ssettag s2;
	_ =	strace s9  }
0x27: {  	s1 =	sld [smem:$0x3FAF]  }
0x28: {  	s2 =	sld [smem:$0x3FB0]  }
0x29: {  	s4 =	sld [smem:$0x3FB2]  }
0x2a: {  	p0 =	seq.s32 s5, $0x0;
	s5 =	sld [smem:$0x3FB3]  }
0x2b: {  	s6 =	sld [smem:$0x3FB4]  }
0x2c: {  	s7 =	sld [smem:$0x3FB5]  }
0x2d: {  	s3 =	simm.s32 $0x108;
	s8 =	sld [smem:$0x3FB6]  }
0x2e: {  	s3 =	simm.s32 @!p0 $0x1082;
	s9 =	sld [smem:$0x3FB7]  }
0x2f: {  	lr =	sadd.s32 s0, s3;
	s0 =	sld [smem:$0x3FAE]  }
0x30: {  	s3 =	sld [smem:$0x3FB1]  }
0x31: {  	[smem:$0x3FBA] =	sst s10  }
0x32: {  	s10 =	sld [smem:$0x3FB8];
	_ =	sdelay $0x3  }
0x33: {  	p0 =	seq.s32 s10, $0x1;
	s10 =	sld [smem:$0x3FBA];
	_ =	sdelay $0x3  }
0x34: {  	[smem:$0x3FBA] =	sst s10  }
0x35: {  	s10 =	sld [smem:$0x3FB9];
	_ =	sdelay $0x3  }
0x36: {  	p1 =	seq.s32 s10, $0x1;
	s10 =	sld [smem:$0x3FBA];
	_ =	sdelay $0x3  }
0x37: {  	[smem:$0x3FBA] =	sst s10  }
0x38: {  	s10 =	sld [smem:$0x3FBB]  }
0x39: {  	_ = 	snop;
	(pc) =	sbr.ind lr, $3  }
0x3a: {  	_ = 	snop  }
0x3b: {  	_ = 	snop  }
0x3c: {  	p2 =	seq.s32 s10, $0x1;
	s10 =	sld [smem:$0x3FBA]  }
0x3d: {  	_ =	shalt  }
0x3e: {  	_ =	shalt  }
0x3f: {  	_ =	shalt  }
0x40: {  	_ =	shalt  }
0x41: {  	_ =	shalt  }
0x42: {  	_ =	shalt  }
0x43: {  	_ =	shalt  }
0x44: {  	_ =	shalt  }
0x45: {  	_ =	shalt  }
0x46: {  	_ =	shalt  }
0x47: {  	_ =	shalt  }
0x48: {  	_ =	shalt  }
0x49: {  	_ =	shalt  }
0x4a: {  	_ =	shalt  }
0x4b: {  	_ =	shalt  }
0x4c: {  	_ =	shalt  }
0x4d: {  	_ =	shalt  }
0x4e: {  	_ =	shalt  }
0x4f: {  	_ =	shalt  }
0x50: {  	_ =	shalt  }
0x51: {  	_ =	shalt  }
0x52: {  	_ =	shalt  }
0x53: {  	_ =	shalt  }
0x54: {  	_ =	shalt  }
0x55: {  	_ =	shalt  }
0x56: {  	_ =	shalt  }
0x57: {  	_ =	shalt  }
0x58: {  	_ =	shalt  }
0x59: {  	_ =	shalt  }
0x5a: {  	_ =	shalt  }
0x5b: {  	_ =	shalt  }
0x5c: {  	_ =	shalt  }
0x5d: {  	_ =	shalt  }
0x5e: {  	_ =	shalt  }
0x5f: {  	_ =	shalt  }
0x60: {  	_ =	shalt  }
0x61: {  	_ =	shalt  }
0x62: {  	_ =	shalt  }
0x63: {  	_ =	shalt  }
0x64: {  	_ =	shalt  }
0x65: {  	_ =	shalt  }
0x66: {  	_ =	shalt  }
0x67: {  	_ =	shalt  }
0x68: {  	_ =	shalt  }
0x69: {  	_ =	shalt  }
0x6a: {  	_ =	shalt  }
0x6b: {  	_ =	shalt  }
0x6c: {  	_ =	shalt  }
0x6d: {  	_ =	shalt  }
0x6e: {  	_ =	shalt  }
0x6f: {  	_ =	shalt  }
0x70: {  	_ =	shalt  }
0x71: {  	_ =	shalt  }
0x72: {  	_ =	shalt  }
0x73: {  	_ =	shalt  }
0x74: {  	_ =	shalt  }
0x75: {  	_ =	shalt  }
0x76: {  	_ =	shalt  }
0x77: {  	_ =	shalt  }
0x78: {  	_ =	shalt  }
0x79: {  	_ =	shalt  }
0x7a: {  	_ =	shalt  }
0x7b: {  	_ =	shalt  }
0x7c: {  	_ =	shalt  }
0x7d: {  	_ =	shalt  }
0x7e: {  	_ =	shalt  }
0x7f: {  	_ =	shalt  }
0x80: {  	_ =	shalt  }
0x81: {  	_ =	shalt  }
0x82: {  	_ =	shalt  }
0x83: {  	_ =	shalt  }
0x84: {  	_ =	shalt  }
0x85: {  	_ =	shalt  }
0x86: {  	_ =	shalt  }
0x87: {  	_ =	shalt  }
.Lfunc_end0:
.L_simem_size_0:
called_computation_lowered:
.L_overlay_start_0:
0x88: {  	s2 =	sld [smem:$0x3FD9]  }
0x89: {  	s3 =	sld [smem:$0x3FFE];
	_ =	sdelay $0x1  }
0x8a: {  	s1 =	srdreg.scid  }
0x8b: {  	s0 =	sand.u32 $0x1, s1  }
0x8c: {  	s18 =	sshll.u32 s0, $0xA;
	s2 =	sadd.s32 s3, s2  }
0x8d: {  	s2 =	sadd.s32 s2, s18  }
0x8e: {  	[smem:$0x3FC6] =	sst s2  }
0x8f: {  	_ = 	snop  }
0x90: {  	s2 =	sld [smem:$0x3FC9]  }
0x91: {  	s19 =	sld [smem:$0x3FC8]  }
0x92: {  	s4 =	sld [smem:$0x3FD0];
	(tm) =	ssettm $0x1  }
0x93: {  	s5 =	sld [smem:$0x3FFB];
	_ =	sdelay $0x3  }
0x94: {  	_ =	strace s5  }
0x95: {  	s5 =	sld [smem:$0x3FFC];
	_ =	sdelay $0x3  }
0x96: {  	_ =	strace s5  }
0x97: {  	s5 =	sld [smem:$0x3FFD];
	_ =	sdelay $0x3  }
0x98: {  	_ =	strace s5  }
0x99: {  	_ =	strace $0x8FFFFFFF  }
0x9a: {  	s20 =	sld [smem:$0x3FDB];
	_ =	sdelay $0x1  }
0x9b: {  	s6 =	simm.s32 $_scs_section_size  }
0x9c: {  	s7 =	simm.s32 $_size__tile_overlayer_lowered;
	s8 =	simm.s32 $_tile_overlayer_lowered  }
0x9d: {  	s23 =	simm.s32 $0x1BFF;
	s22 =	sshll.u32 s8, $0x1;
	s5 =	sadd.s32 s6, s20  }
0x9e: {  	s9 =	simm.s32 $0x0;
	s21 =	sshll.u32 s7, $0x1;
	s7 =	sadd.s32 s22, s5  }
0x9f: {  	[timem:s9], [sflag:s23] =	dma.local [hbm:s7], s21  }
0xa0: {  	_ =	swait.ge [sflag:s23], s21  }
0xa1: {  	s6 =	ssub.s32 $0x0, s21;
	[sflag:s23] =	ssyncset.done $0x0  }
0xa2: {  	[sflag:s23] =	ssyncadd.s32 s6;
	_ =	sdelay $0x1  }
0xa3: {  	s24 =	simm.s32 $0x1B8B  }
0xa4: {  	_ =	swait.ge [sflag:s24], $0x1  }
0xa5: {  	[sflag:s24] =	ssyncset.done $0x0  }
0xa6: {  	s25 =	simm.s32 $0x1B8E;
	[sflag:s24] =	ssyncadd.s32 $0xFFFFFFFF  }
0xa7: {  	s26 =	simm.s32 $execute0_lowered;
	[smem:$0x3FD2] =	sst s25  }
0xa8: {  	s6 =	sshll.u32 s26, $0x1;
	_ =	strace $0x80000046;
	[dreg:$0x1] =	wrdreg $0xFFFFFFFF  }
0xa9: {  	s28 =	simm.s32 $_size_execute0_lowered;
	s5 =	sadd.s32 s5, s6;
	[dreg:$0x0] =	wrdreg $0x0  }
0xaa: {  	s6 =	sshll.u32 s28, $0x1;
	[dreg:$0x2] =	wrdreg s5  }
0xab: {  	[dreg:$0x3] =	wrdreg s6  }
0xac: {  	[dreg:$0x4] =	wrdreg $0xC0  }
0xad: {  	_ =	task [dreg:s9], $0x5FFFF  }
0xae: {  	[dreg:$0x1] =	wrdreg $0xFFFFFFFF  }
0xaf: {  	[dreg:$0x0] =	wrdreg $0x60  }
0xb0: {  	[dreg:$0x2] =	wrdreg s2  }
0xb1: {  	[dreg:$0x3] =	wrdreg s19  }
0xb2: {  	[dreg:$0x4] =	wrdreg s4  }
0xb3: {  	[dreg:$0x5] =	wrdreg $0x9  }
0xb4: {  	_ =	task.clear_ibuf [dreg:s9], $0x6FFFF;
	_ =	strace $0x90000046  }
0xb5: {  	s29 =	simm.s32 $0x9;
	_ =	strace $0x80000048  }
0xb6: {  	_ =	swait.ge [sflag:s29], $0x1  }
0xb7: {  	[sflag:s29] =	ssyncadd.s32 $0xFFFFFFFF  }
0xb8: {  	_ =	strace $0x90000048  }
0xb9: {  	_ =	sfence  }
0xba: {  	s30 =	sld [smem:$0x0];
	_ =	sdelay $0x2  }
0xbb: {  	s31 =	sshll.u32 s1, $0xD;
	s1 =	sshrl.u32 s1, $0x2  }
0xbc: {  	s3 =	sand.u32 $0x4000, s31;
	s1 =	sadd.s32 s1, s30  }
0xbd: {  	s0 =	sor.u32 s3, s0;
	s1 =	sshll.u32 s1, $0x11  }
0xbe: {  	s0 =	sor.u32 s1, s0  }
0xbf: {  	s0 =	sadd.s32 $0x8F2B, s0  }
0xc0: {  	[sflag:s0] =	ssyncadd.remote.s32 $0x1  }
0xc1: {  	_ =	sfence.sel $0xFFFF  }
0xc2: {  	[dreg:$0x0] =	wrdreg $0xFFFFFFFF;
	(pc) =	sbr.abs _section_cstart, $3  }
0xc3: {  	[dreg:$0x1] =	wrdreg $0xFFFFFFFF  }
0xc4: {  	_ =	task.clear_ibuf [dreg:s9], $0x2FFFF;
	_ =	strace $0x9FFFFFFF  }
0xc5: {  	(tm) =	ssettm $0x7FFFFFFF  }
tec
execute0_lowered:
.L_overlay_start_1:
0x0: {  	(tag) =	ssettag $0x1  }
0x1: {  	s0 =	srdreg.scid;
	s1 =	stileid.u32  }
0x2: {  	s0 =	sand.u32 $0x1, s0;
	s1 =	sshll.u32 s1, $0x1  }
0x3: {  	s1 =	sor.u32 s0, s1  }
0x4: {  	s3 =	rddreg [dreg:$0x1];
	s14 =	smul.u32 $0x2D0, s1  }
0x5: {  	s6 =	simm.s32 $0x1;
	s17 =	simm.s32 $0x800;
	s18 =	simm.s32 $0x2  }
0x6: {  	s19 =	simm.s32 $0x4800;
	s20 =	simm.s32 $0xC800;
	s4 =	sshrl.u32 s14, $0x6  }
0x7: {  	s21 =	simm.s32 $0x8800;
	s22 =	simm.s32 $0x3;
	s2 =	smul.u32 $0xE39, s4  }
0x8: {  	s23 =	simm.s32 $0x4;
	s0 =	ssub.s32 $0x2, s0;
	s1 =	smul.u32 $0x280050, s1  }
0x9: {  	s24 =	simm.s32 $0x0;
	s25 =	sshrl.u32 s0, $0x1;
	s2 =	sshrl.u32 s2, $0x10  }
0xa: {  	s0 =	ssub.s32 s0, s25;
	s1 =	sshrl.u32 s1, $0x16;
	s5 =	smul.u32 $0x12, s2  }
0xb: {  	s26 =	sshll.u32 s14, $0x9;
	s29 =	sadd.s32 $0x2D0, s14;
	s12 =	smax.u32 s0, $0x1  }
0xc: {  	s31 =	sshrl.u32 s14, $0x1;
	s9 =	smul.u32 $0x6000, s1;
	s5 =	ssub.s32 s4, s5  }
0xd: {  	s1 =	smul.u32 $0x90000, s1;
	s2 =	rddreg [dreg:$0x0];
	s7 =	sand.u32 $0xFFFF, s5  }
0xe: {  	s4 =	rddreg [dreg:$0x2];
	s5 =	simm.s32 $0x0;
	p0 =	sgt.u32 s7, $0x3  }
0xf: {  	s28 =	sand.u32 $0x4000, s26;
	[smem:$0x7FF] =	sst s5;
	s6 =	simm.s32 @!p0 $0x0  }
0x10: {  	_ =	strace $0x80000047;
	s6 =	sadd.s32 s6, s7;
	s7 =	sshll.u32 s7, $0xF  }
0x11: {  	s8 =	sadd.s32 $0x1, s6;
	s6 =	sshrl.u32 s14, $0x5;
	s1 =	sadd.s32 s1, s7  }
0x12: {  	s7 =	sshrl.u32 s29, $0x5;
	s14 =	sand.u32 $0x10, s31;
	s10 =	sshll.u32 s8, $0xA  }
0x13: {  	s8 =	sshll.u32 s8, $0x7;
	s1 =	sor.u32 s28, s1;
	s10 =	sand.u32 $0x1E000, s10  }
.Ltmp0:
0x14: {  	s8 =	sand.u32 $0x380, s8;
	s9 =	sadd.s32 s9, s10;
	(pc) =	sbr.rel .LBB2_1-.Ltmp0, $4  }
0x15: {  	s11 =	ssub.s32 s7, s6;
	s30 =	sand.u32 $0x1, s6;
	s8 =	sor.u32 s8, s9  }
0x16: {  	s13 =	sand.u32 $0x1, s6;
	s1 =	sshrl.u32 s1, $0x3;
	s9 =	sshrl.u32 s8, $0x3  }
0x17: {  	p0 =	seq.s32 s30, $0x1;
	p1 =	slt.s32 s11, $0x1;
	s9 =	sadd.s32 s3, s9  }
0x18: {  	s10 =	sadd.s32 s2, s1;
	s8 =	simm.s32 $0x1;
	[dreg:$0x4] =	wrdreg s9  }
.LBB2_11:
0x19: {  	s24 =	sadd.s32 $0x1, s24  }
0x1a: {  	_ =	swait.ge [sflag:s22], $0x4000;
	p2 =	sne.s32 s24, s12  }
.Ltmp1:
0x1b: {  	[sflag:s22] =	ssyncset.done $0x0;
	(pc) =	sbr.rel @!p2 .LBB2_12-.Ltmp1, $4  }
0x1c: {  	[sflag:s22] =	ssyncadd.s32 $0xFFFFC000  }
0x1d: {  	_ =	swait.ge [sflag:s23], $0x4000  }
0x1e: {  	[sflag:s23] =	ssyncset.done $0x0  }
0x1f: {  	[sflag:s23] =	ssyncadd.s32 $0xFFFFC000  }
.LBB2_1:
.Ltmp2:
0x20: {  	s0 =	rddreg [dreg:$0x4];
	(pc) =	sbr.rel @!p1 .LBB2_2-.Ltmp2, $4  }
.Ltmp3:
0x21: {  	s1 =	simm.s32 $0x80;
	s9 =	simm.s32 $0x400;
	(pc) =	sbr.rel @p1 .LBB2_11-.Ltmp3, $4  }
0x22: {  	[tilespmem:s5], [sflag:$0x1] =	stream.strided.gather [hbm4b:s0+s1], $0x400, s9, s1, $0x38;
	[tilespmem:$0x10800] =	vst v63  }
0x23: {  	s25 =	simm.s32 $0x0  }
0x24: {  	[tilespmem:s17], [sflag:$0x1] =	stream.linear.gather [hbm4b:s10+s5], $0x4000, $0x38;
	[tilespmem:$0x10800] =	vst v63  }
0x25: {  	_ = 	snop  }
.LBB2_10:
0x26: {  	s25 =	sadd.s32 $0x1, s25  }
0x27: {  	p2 =	slt.s32 s25, s11  }
.Ltmp4:
0x28: {  	_ = 	snop;
	(pc) =	sbr.rel @!p2 .LBB2_11-.Ltmp4, $1  }
0x29: {  	_ =	sdelay $0x3  }
.LBB2_2:
0x2a: {  	s0 =	sand.u32 $0x1, s25  }
0x2b: {  	p2 =	seq.s32 s0, $0x0  }
.Ltmp5:
0x2c: {  	_ = 	snop;
	(pc) =	sbr.rel @p2 .LBB2_4-.Ltmp5, $3  }
0x2d: {  	_ =	sdelay $0x1  }
0x2e: {  	s29 =	sadd.s32 s6, s25  }
0x2f: {  	s28 =	sshrl.u32 s29, $0x1;
	s26 =	sadd.s32 $0x1, s29  }
.Ltmp6:
0x30: {  	(pc) =	sbr.rel .LBB2_7-.Ltmp6, $3  }
0x31: {  	_ =	sdelay $0x1  }
0x32: {  	s0 =	sand.u32 $0x1, s29  }
0x33: {  	s30 =	sshll.u32 s0, $0x4  }
.LBB2_4:
0x34: {  	p3 =	sge.u32 s26, s7  }
0x35: {  	s0 =	sshrl.u32 @!p3 s26, $0x1  }
0x36: {  	s1 =	smulhi.u32 @!p3 $0x38E38E39, s0;
	_ =	sdelay $0x1  }
0x37: {  	s1 =	sshrl.u32 @!p3 s1, $0x2  }
0x38: {  	s1 =	smul.u32 @!p3 $0x12, s1;
	_ =	sdelay $0x1  }
0x39: {  	s0 =	ssub.s32 @!p3 s0, s1  }
0x3a: {  	p5 =	seq.s32 s29, $0x0;
	s30 =	simm.s32 $0x1;
	p4 =	sgt.u32 @!p3 s0, $0x3  }
0x3b: {  	_ =	swait.ge [sflag:s8], $0x400;
	s1 =	simm.s32 @!p3 $0x1;
	p4 =	por !p4, p3  }
0x3c: {  	p5 =	por !p5, !p0;
	s15 =	smulhi.u32 @!p3 $0x38E38E39, s26;
	s1 =	simm.s32 @p4 $0x0  }
0x3d: {  	[sflag:s8] =	ssyncset.done $0x0;
	p4 =	por !p5, !p5;
	s1 =	sadd.s32 @!p3 s1, s0  }
0x3e: {  	s15 =	sshrl.u32 @!p3 s15, $0x3;
	s30 =	simm.s32 @!p4 $0x0;
	s1 =	sadd.s32 @!p3 $0x1, s1  }
0x3f: {  	s31 =	smul.u32 @!p3 $0x6000, s15;
	s9 =	ssub.s32 s28, s30;
	s16 =	sshll.u32 @!p3 s1, $0xA  }
0x40: {  	[sflag:s8] =	ssyncadd.s32 $0xFFFFFC00;
	s30 =	smulhi.u32 $0x38E38E39, s9;
	s16 =	sand.u32 @!p3 $0x1E000, s16  }
0x41: {  	s1 =	sshll.u32 @!p3 s1, $0x7;
	s16 =	sadd.s32 @!p3 s31, s16;
	s31 =	sshra.s32 s9, $0x1F  }
0x42: {  	_ =	swait.ge [sflag:s8], $0x4000;
	s1 =	sand.u32 @!p3 $0x380, s1;
	s31 =	smul.u32 $0x38E38E39, s31  }
0x43: {  	[sflag:s8] =	ssyncset.done $0x0;
	s1 =	sor.u32 @!p3 s1, s16  }
0x44: {  	[sflag:s8] =	ssyncadd.s32 $0xFFFFC000;
	s1 =	sshrl.u32 @!p3 s1, $0x3;
	s16 =	sadd.s32 s31, s30  }
0x45: {  	s1 =	sadd.s32 @!p3 s3, s1;
	s30 =	simm.s32 @!p3 $0x80;
	s31 =	simm.s32 @!p3 $0x400  }
0x46: {  	[tilespmem:s31], [sflag:$0x2] =	stream.strided.gather @!p3 [hbm4b:s1+s30], $0x400, s31, s30, $0x38;
	[tilespmem:$0x10800] =	vst v63  }
0x47: {  	s15 =	smul.u32 @!p3 $0x90000, s15;
	s1 =	sshrl.u32 s16, $0x1F;
	s16 =	sshra.s32 s16, $0x2  }
0x48: {  	s0 =	sshll.u32 @!p3 s0, $0xF;
	s1 =	sadd.s32 s1, s16;
	s16 =	sshll.u32 @!p3 s26, $0xE  }
0x49: {  	s0 =	sadd.s32 @!p3 s0, s15;
	s30 =	smul.u32 $0xFFFFFFEE, s1;
	s15 =	sand.u32 @!p3 $0x4000, s16  }
0x4a: {  	p6 =	slt.s32 s9, $0x1;
	s0 =	sor.u32 @!p3 s15, s0  }
0x4b: {  	s16 =	simm.s32 @!p3 $0x4800;
	s30 =	sadd.s32 s9, s30;
	s0 =	sshrl.u32 @!p3 s0, $0x3  }
0x4c: {  	s15 =	simm.s32 @!p3 $0x0;
	s0 =	sadd.s32 @!p3 s2, s0;
	p4 =	sne.s32 s30, $0x0  }
0x4d: {  	[tilespmem:s16], [sflag:$0x2] =	stream.linear.gather @!p3 [hbm4b:s0+s15], $0x4000, $0x38;
	[tilespmem:$0x10800] =	vst v63  }
0x4e: {  	p5 =	slt.u32 s25, $0x2;
	p3 =	por !p6, !p4  }
0x4f: {  	s9 =	simm.s32 $0x1;
	s0 =	simm.s32 @!p5 $0x3;
	p3 =	por !p3, !p3  }
0x50: {  	_ =	swait.ge @!p5 [sflag:s0], $0x4000;
	s9 =	simm.s32 @!p3 $0x0  }
0x51: {  	s15 =	simm.s32 $0x0;
	[sflag:s0] =	ssyncset.done @!p5 $0x0;
	s31 =	ssub.s32 s1, s9  }
0x52: {  	[sflag:s0] =	ssyncadd.s32 @!p5 $0xFFFFC000;
	s1 =	simm.s32 $0x0;
	s0 =	simm.s32 $0x0  }
.LBB2_5:
0x53: {  	v0 =	vld [tilespmem:s1+$0x0];
	_ =	sdelay $0x4  }
0x54: {  	v1 =	vshll.u32 v0, $0x3  }
0x55: {  	v0 =	vand.u32 $0x7F, v0;
	v1 =	vand.u32 $0xFFFFFC00, v1  }
0x56: {  	v0 =	vor.u32 v0, v1  }
0x57: {  	v1 =	vor.u32 $0x80, v0  }
0x58: {  	v2 =	vor.u32 $0x100, v0  }
0x59: {  	v3 =	vor.u32 $0x180, v0  }
0x5a: {  	v4 =	vor.u32 $0x200, v0  }
0x5b: {  	v6 =	vor.u32 $0x280, v0;
	v5 =	vld.idx.msk [tilespmem:v0+s17+$0x0], $0xffff  }
0x5c: {  	v7 =	vor.u32 $0x300, v0;
	v1 =	vld.idx.msk [tilespmem:v1+s17+$0x0], $0xffff  }
0x5d: {  	v8 =	vor.u32 $0x380, v0;
	v2 =	vld.idx.msk [tilespmem:v2+s17+$0x0], $0xffff  }
0x5e: {  	v9 =	vadd.s32 $0x2000, v0;
	v3 =	vld.idx.msk [tilespmem:v3+s17+$0x0], $0xffff  }
0x5f: {  	v10 =	vadd.s32 $0x2080, v0;
	v4 =	vld.idx.msk [tilespmem:v4+s17+$0x0], $0xffff  }
0x60: {  	v11 =	vadd.s32 $0x2100, v0;
	v6 =	vld.idx.msk [tilespmem:v6+s17+$0x0], $0xffff  }
0x61: {  	v12 =	vadd.s32 $0x2180, v0;
	v7 =	vld.idx.msk [tilespmem:v7+s17+$0x0], $0xffff  }
0x62: {  	v13 =	vadd.s32 $0x2200, v0;
	v8 =	vld.idx.msk [tilespmem:v8+s17+$0x0], $0xffff  }
0x63: {  	v14 =	vadd.s32 $0x2280, v0;
	v9 =	vld.idx.msk [tilespmem:v9+s17+$0x0], $0xffff  }
0x64: {  	v15 =	vadd.s32 $0x2300, v0;
	v10 =	vld.idx.msk [tilespmem:v10+s17+$0x0], $0xffff  }
0x65: {  	v0 =	vadd.s32 $0x2380, v0;
	v11 =	vld.idx.msk [tilespmem:v11+s17+$0x0], $0xffff  }
0x66: {  	v12 =	vld.idx.msk [tilespmem:v12+s17+$0x0], $0xffff  }
0x67: {  	v13 =	vld.idx.msk [tilespmem:v13+s17+$0x0], $0xffff  }
0x68: {  	s9 =	sand.u32 $0x70, s15;
	s16 =	sand.u32 $0x1C00, s0;
	v14 =	vld.idx.msk [tilespmem:v14+s17+$0x0], $0xffff  }
0x69: {  	s9 =	sor.u32 s9, s16;
	v15 =	vld.idx.msk [tilespmem:v15+s17+$0x0], $0xffff  }
0x6a: {  	v0 =	vld.idx.msk [tilespmem:v0+s17+$0x0], $0xffff;
	[tilespmem:s9+$0x8800] =	vst v5  }
0x6b: {  	[tilespmem:s9+$0x8880] =	vst v1  }
0x6c: {  	[tilespmem:s9+$0x8900] =	vst v2  }
0x6d: {  	[tilespmem:s9+$0x8980] =	vst v3  }
0x6e: {  	[tilespmem:s9+$0x8A00] =	vst v4  }
0x6f: {  	s16 =	sor.u32 s0, s15;
	[tilespmem:s9+$0x8A80] =	vst v6  }
0x70: {  	s16 =	sor.u32 $0x380, s16;
	[tilespmem:s9+$0x8B00] =	vst v7  }
0x71: {  	[tilespmem:s16+$0x8800] =	vst v8  }
0x72: {  	[tilespmem:s9+$0xA800] =	vst v9  }
0x73: {  	[tilespmem:s9+$0xA880] =	vst v10  }
0x74: {  	p3 =	sne.s32 s15, $0x3F0;
	[tilespmem:s9+$0xA900] =	vst v11  }
.Ltmp7:
0x75: {  	[tilespmem:s9+$0xA980] =	vst v12;
	(pc) =	sbr.rel @p3 .LBB2_5-.Ltmp7, $4  }
0x76: {  	[tilespmem:s9+$0xAA00] =	vst v13  }
0x77: {  	[tilespmem:s9+$0xAA80] =	vst v14  }
0x78: {  	[tilespmem:s9+$0xAB00] =	vst v15  }
0x79: {  	s1 =	sadd.s32 $0x10, s1;
	s0 =	sadd.s32 $0x80, s0;
	s15 =	sadd.s32 $0x10, s15;
	[tilespmem:s9+$0xAB80] =	vst v0  }
0x7a: {  	s0 =	sshll.u32 s30, $0x5  }
0x7b: {  	p3 =	slt.s32 s30, $0x0;
	s1 =	sadd.s32 $0x240, s0  }
0x7c: {  	s0 =	smov.u32 @p3 s1  }
0x7d: {  	s31 =	smul.u32 $0x90000, s31;
	s0 =	sor.u32 s14, s0  }
0x7e: {  	s0 =	sshll.u32 s0, $0xA  }
.Ltmp8:
0x7f: {  	s0 =	sadd.s32 s0, s31;
	(pc) =	sbr.rel @p2 .LBB2_10-.Ltmp8, $4  }
0x80: {  	s0 =	sshrl.u32 s0, $0x3  }
0x81: {  	s0 =	sadd.s32 s4, s0  }
0x82: {  	[hbm4b:s0+s5] =	stream.linear.scatter [tilespmem:s21], [sflag:$0x3], $0x4000, $0x38;
	[tilespmem:$0x10800] =	vst v63  }
0x83: {  	s30 =	smov.u32 s14;
	s0 =	smov.u32 s13  }
.LBB2_7:
0x84: {  	p2 =	sge.u32 s26, s7  }
0x85: {  	s1 =	sshrl.u32 @!p2 s26, $0x1  }
0x86: {  	s9 =	smulhi.u32 @!p2 $0x38E38E39, s1;
	_ =	sdelay $0x1  }
0x87: {  	p3 =	seq.s32 s29, $0x0;
	p4 =	sne.s32 s0, $0x0;
	s9 =	sshrl.u32 @!p2 s9, $0x2  }
0x88: {  	_ =	swait.ge [sflag:s18], $0x400;
	p3 =	por !p3, !p4;
	s9 =	smul.u32 @!p2 $0x12, s9  }
0x89: {  	s15 =	smulhi.u32 @!p2 $0x38E38E39, s26;
	[sflag:s18] =	ssyncset.done $0x0;
	s26 =	sshll.u32 @!p2 s26, $0xE  }
0x8a: {  	p3 =	por !p3, !p3;
	[sflag:s18] =	ssyncadd.s32 $0xFFFFFC00;
	s0 =	ssub.s32 @!p2 s1, s9  }
0x8b: {  	s15 =	sshrl.u32 @!p2 s15, $0x3;
	s1 =	simm.s32 $0x1;
	p4 =	sgt.u32 @!p2 s0, $0x3  }
0x8c: {  	s9 =	simm.s32 @!p2 $0x1;
	s1 =	simm.s32 @!p3 $0x0;
	p3 =	por !p4, p2  }
0x8d: {  	_ =	swait.ge [sflag:s18], $0x4000;
	s29 =	smul.u32 @!p2 $0x6000, s15;
	s9 =	simm.s32 @p3 $0x0  }
0x8e: {  	[sflag:s18] =	ssyncset.done $0x0;
	s15 =	smul.u32 @!p2 $0x90000, s15;
	s9 =	sadd.s32 @!p2 s9, s0  }
0x8f: {  	[sflag:s18] =	ssyncadd.s32 $0xFFFFC000;
	s1 =	ssub.s32 s28, s1;
	s9 =	sadd.s32 @!p2 $0x1, s9  }
0x90: {  	s16 =	smulhi.u32 $0x38E38E39, s1;
	s28 =	sshra.s32 s1, $0x1F;
	s31 =	sshll.u32 @!p2 s9, $0xA  }
0x91: {  	s28 =	smul.u32 $0x38E38E39, s28;
	s9 =	sshll.u32 @!p2 s9, $0x7;
	s31 =	sand.u32 @!p2 $0x1E000, s31  }
0x92: {  	s0 =	sshll.u32 @!p2 s0, $0xF;
	s9 =	sand.u32 @!p2 $0x380, s9;
	s29 =	sadd.s32 @!p2 s29, s31  }
0x93: {  	s0 =	sadd.s32 @!p2 s0, s15;
	s15 =	sand.u32 @!p2 $0x4000, s26;
	s9 =	sor.u32 @!p2 s9, s29  }
0x94: {  	s16 =	sadd.s32 s28, s16;
	s28 =	simm.s32 @!p2 $0x80;
	s9 =	sshrl.u32 @!p2 s9, $0x3  }
0x95: {  	s31 =	simm.s32 @!p2 $0x0;
	s29 =	simm.s32 @!p2 $0x400;
	s9 =	sadd.s32 @!p2 s3, s9  }
0x96: {  	[tilespmem:s31], [sflag:$0x1] =	stream.strided.gather @!p2 [hbm4b:s9+s28], $0x400, s29, s28, $0x38;
	[tilespmem:$0x10800] =	vst v63  }
0x97: {  	s0 =	sor.u32 @!p2 s15, s0;
	s29 =	sshrl.u32 s16, $0x1F;
	s16 =	sshra.s32 s16, $0x2  }
0x98: {  	s0 =	sshrl.u32 @!p2 s0, $0x3;
	s9 =	sadd.s32 s29, s16  }
0x99: {  	s15 =	simm.s32 @!p2 $0x800;
	s0 =	sadd.s32 @!p2 s2, s0;
	s16 =	smul.u32 $0xFFFFFFEE, s9  }
0x9a: {  	[tilespmem:s15], [sflag:$0x1] =	stream.linear.gather @!p2 [hbm4b:s0+s31], $0x4000, $0x38;
	[tilespmem:$0x10800] =	vst v63  }
0x9b: {  	p4 =	slt.u32 s25, $0x2;
	s26 =	sadd.s32 s1, s16  }
0x9c: {  	p6 =	slt.s32 s1, $0x1;
	s0 =	simm.s32 @!p4 $0x4;
	p5 =	sne.s32 s26, $0x0  }
0x9d: {  	_ =	swait.ge @!p4 [sflag:s0], $0x4000;
	p2 =	por !p6, !p5  }
0x9e: {  	s1 =	simm.s32 $0x1;
	[sflag:s0] =	ssyncset.done @!p4 $0x0;
	p2 =	por !p2, !p2  }
0x9f: {  	s15 =	simm.s32 $0x0;
	[sflag:s0] =	ssyncadd.s32 @!p4 $0xFFFFC000;
	s1 =	simm.s32 @!p2 $0x0  }
0xa0: {  	s0 =	simm.s32 $0x400;
	s28 =	ssub.s32 s9, s1;
	s1 =	simm.s32 $0x0  }
.LBB2_8:
0xa1: {  	v0 =	vld [tilespmem:s0+$0x0];
	_ =	sdelay $0x4  }
0xa2: {  	v1 =	vshll.u32 v0, $0x3  }
0xa3: {  	v0 =	vand.u32 $0x7F, v0;
	v1 =	vand.u32 $0xFFFFFC00, v1  }
0xa4: {  	v0 =	vor.u32 v0, v1  }
0xa5: {  	v1 =	vor.u32 $0x80, v0  }
0xa6: {  	v2 =	vor.u32 $0x100, v0  }
0xa7: {  	v3 =	vor.u32 $0x180, v0  }
0xa8: {  	v4 =	vor.u32 $0x200, v0  }
0xa9: {  	v6 =	vor.u32 $0x280, v0;
	v5 =	vld.idx.msk [tilespmem:v0+s19+$0x0], $0xffff  }
0xaa: {  	v7 =	vor.u32 $0x300, v0;
	v1 =	vld.idx.msk [tilespmem:v1+s19+$0x0], $0xffff  }
0xab: {  	v8 =	vor.u32 $0x380, v0;
	v2 =	vld.idx.msk [tilespmem:v2+s19+$0x0], $0xffff  }
0xac: {  	v9 =	vadd.s32 $0x2000, v0;
	v3 =	vld.idx.msk [tilespmem:v3+s19+$0x0], $0xffff  }
0xad: {  	v10 =	vadd.s32 $0x2080, v0;
	v4 =	vld.idx.msk [tilespmem:v4+s19+$0x0], $0xffff  }
0xae: {  	v11 =	vadd.s32 $0x2100, v0;
	v6 =	vld.idx.msk [tilespmem:v6+s19+$0x0], $0xffff  }
0xaf: {  	v12 =	vadd.s32 $0x2180, v0;
	v7 =	vld.idx.msk [tilespmem:v7+s19+$0x0], $0xffff  }
0xb0: {  	v13 =	vadd.s32 $0x2200, v0;
	v8 =	vld.idx.msk [tilespmem:v8+s19+$0x0], $0xffff  }
0xb1: {  	v14 =	vadd.s32 $0x2280, v0;
	v9 =	vld.idx.msk [tilespmem:v9+s19+$0x0], $0xffff  }
0xb2: {  	v15 =	vadd.s32 $0x2300, v0;
	v10 =	vld.idx.msk [tilespmem:v10+s19+$0x0], $0xffff  }
0xb3: {  	v0 =	vadd.s32 $0x2380, v0;
	v11 =	vld.idx.msk [tilespmem:v11+s19+$0x0], $0xffff  }
0xb4: {  	v12 =	vld.idx.msk [tilespmem:v12+s19+$0x0], $0xffff  }
0xb5: {  	v13 =	vld.idx.msk [tilespmem:v13+s19+$0x0], $0xffff  }
0xb6: {  	s9 =	sand.u32 $0x70, s15;
	s16 =	sand.u32 $0x1C00, s1;
	v14 =	vld.idx.msk [tilespmem:v14+s19+$0x0], $0xffff  }
0xb7: {  	s9 =	sor.u32 s9, s16;
	v15 =	vld.idx.msk [tilespmem:v15+s19+$0x0], $0xffff  }
0xb8: {  	v0 =	vld.idx.msk [tilespmem:v0+s19+$0x0], $0xffff;
	[tilespmem:s9+$0xC800] =	vst v5  }
0xb9: {  	[tilespmem:s9+$0xC880] =	vst v1  }
0xba: {  	[tilespmem:s9+$0xC900] =	vst v2  }
0xbb: {  	[tilespmem:s9+$0xC980] =	vst v3  }
0xbc: {  	[tilespmem:s9+$0xCA00] =	vst v4  }
0xbd: {  	s31 =	sor.u32 s1, s15;
	[tilespmem:s9+$0xCA80] =	vst v6  }
0xbe: {  	s16 =	sor.u32 $0x380, s31;
	[tilespmem:s9+$0xCB00] =	vst v7  }
0xbf: {  	[tilespmem:s16+$0xC800] =	vst v8  }
0xc0: {  	[tilespmem:s9+$0xE800] =	vst v9  }
0xc1: {  	[tilespmem:s9+$0xE880] =	vst v10  }
0xc2: {  	p2 =	sne.s32 s15, $0x3F0;
	[tilespmem:s9+$0xE900] =	vst v11  }
.Ltmp9:
0xc3: {  	[tilespmem:s9+$0xE980] =	vst v12;
	(pc) =	sbr.rel @p2 .LBB2_8-.Ltmp9, $4  }
0xc4: {  	[tilespmem:s9+$0xEA00] =	vst v13  }
0xc5: {  	[tilespmem:s9+$0xEA80] =	vst v14  }
0xc6: {  	[tilespmem:s9+$0xEB00] =	vst v15  }
0xc7: {  	s1 =	sadd.s32 $0x80, s1;
	s0 =	sadd.s32 $0x10, s0;
	s15 =	sadd.s32 $0x10, s15;
	[tilespmem:s9+$0xEB80] =	vst v0  }
0xc8: {  	s0 =	sshll.u32 s26, $0x5  }
0xc9: {  	p2 =	slt.s32 s26, $0x0;
	s1 =	sadd.s32 $0x240, s0  }
0xca: {  	s0 =	smov.u32 @p2 s1  }
0xcb: {  	s31 =	smul.u32 $0x90000, s28;
	s0 =	sor.u32 s30, s0  }
.Ltmp10:
0xcc: {  	s0 =	sshll.u32 s0, $0xA;
	(pc) =	sbr.rel .LBB2_10-.Ltmp10, $4  }
0xcd: {  	s0 =	sadd.s32 s0, s31  }
0xce: {  	s0 =	sshrl.u32 s0, $0x3  }
0xcf: {  	s0 =	sadd.s32 s4, s0  }
0xd0: {  	[hbm4b:s0+s5] =	stream.linear.scatter [tilespmem:s20], [sflag:$0x4], $0x4000, $0x38;
	[tilespmem:$0x10800] =	vst v63  }
.LBB2_12:
0xd1: {  	_ =	sfence.sel $0x180000  }
0xd2: {  	[bflag:$0x0] =	sbarrier.arrive $0xFFFF  }
0xd3: {  	_ =	strace $0x90000047  }
0xd4: {  	s0 =	stileid.u32;
	[bflag:$0x2] =	sbarrier.arrive $0xFFFF  }
0xd5: {  	p0 =	sne.s32 s0, $0x0;
	s0 =	rddreg [dreg:$0x3]  }
0xd6: {  	s0 =	sadd.s32 @!p0 $0x100000, s0  }
0xd7: {  	[sflag:s0] =	ssyncadd.tile.s32 @!p0 $0x1;
	_ =	shalt  }
.Lfunc_end2:
_tile_overlayer_lowered:
.L_overlay_start_2:
0xd8: {  	(tag) =	ssettag $0x2  }
0xd9: {  	s0 =	rddreg [dreg:$0x0];
	s2 =	stileid.u32  }
0xda: {  	s1 =	rddreg [dreg:$0x1];
	p0 =	sne.s32 s2, $0x0  }
0xdb: {  	s3 =	rddreg [dreg:$0x2];
	[bflag:$0x3] =	sbarrier.arrive $0xFFFF;
	s2 =	simm.s32 @!p0 $0x1C05  }
0xdc: {  	[timem:s3], [sflag:s2] =	dma.local @!p0 [hbm:s0], s1  }
0xdd: {  	s0 =	simm.s32 @!p0 $0x5  }
0xde: {  	_ =	swait.ge @!p0 [sflag:s0], s1  }
0xdf: {  	s1 =	ssub.s32 @!p0 $0x0, s1;
	[sflag:s0] =	ssyncset.done @!p0 $0x0  }
0xe0: {  	[sflag:s0] =	ssyncadd.s32 @!p0 s1  }
0xe1: {  	[bflag:$0x3] =	sbarrier.arrive $0xFFFF  }
0xe2: {  	_ =	shalt  }

</sc_bundles>
